<compile_context>
chip_gen: v7x
topology: tpu7x:2x2x1
jax: 0.10.2.dev20260603
libtpu: 0.0.44.dev20260713+nightly
codegen_flags: <defaults>
</compile_context>

<pallas_src>
import functools

import jax
import jax.numpy as jnp
from jax import lax
from jax.experimental import pallas as pl
from jax.experimental.pallas import tpu as pltpu
from jax.experimental.pallas import tpu_sc as plsc

L = 16
NC, NS = 2, 16
NW = NC * NS
IDXROW = 128


def _bcast_lane(v, k):
    return lax.gather(
        v, jnp.full((L, 1), k, jnp.int32),
        lax.GatherDimensionNumbers(
            offset_dims=(), collapsed_slice_dims=(0,), start_index_map=(0,)),
        slice_sizes=(1,),
        mode=lax.GatherScatterMode.PROMISE_IN_BOUNDS)


@functools.lru_cache(maxsize=None)
def _build(batch, fields, vocab, dim):
    bw = batch // NW
    kstream = bw // IDXROW
    n_chunks = fields
    max_idx = vocab - 1

    mesh = plsc.VectorSubcoreMesh(core_axis_name="c", subcore_axis_name="s")

    @functools.partial(
        pl.kernel,
        out_type=jax.ShapeDtypeStruct((batch, fields, dim), jnp.float32),
        mesh=mesh,
        compiler_params=pltpu.CompilerParams(use_tc_tiling_on_sc=False),
        scratch_types=[
            pltpu.VMEM((bw,), jnp.float32),
            pltpu.VMEM((bw,), jnp.float32),
            pltpu.VMEM((kstream, IDXROW), jnp.int32),
            pltpu.VMEM((kstream, IDXROW), jnp.int32),
            pltpu.VMEM((kstream, IDXROW), jnp.int32),
            pltpu.VMEM((kstream, IDXROW), jnp.int32),
            pltpu.VMEM((bw, dim), jnp.float32),
            pltpu.VMEM((bw, dim), jnp.float32),
            pltpu.VMEM((bw, dim), jnp.float32),
            pltpu.VMEM((bw, dim), jnp.float32),
            pltpu.VMEM((bw, 1, dim), jnp.float32),
            pltpu.VMEM((bw, 1, dim), jnp.float32),
            pltpu.SemaphoreType.DMA,
            pltpu.SemaphoreType.DMA,
        ],
    )
    def impl(cont_hbm, w_hbm, out_hbm, c0, c1, il0, ih0, il1, ih1,
             lo0, hi0, lo1, hi1, o0, o1, s0, s1):
        wid = lax.axis_index("s") * NC + lax.axis_index("c")
        b0 = wid * bw

        def prep(f, cv, ilv, ihv, lov, hiv, sem):
            @pl.when(f < n_chunks)
            def _():
                pltpu.sync_copy(cont_hbm.at[f, pl.ds(b0, bw)], cv)

                def idx_body(t, _):
                    x = cv[pl.ds(t * L, L)]
                    il = x.astype(jnp.int32)
                    w = x - il.astype(jnp.float32)
                    ih = jnp.minimum(il + 1, max_idx)
                    r = t // (IDXROW // L)
                    c = (t % (IDXROW // L)) * L
                    ilv[r, pl.ds(c, L)] = il << 2
                    ihv[r, pl.ds(c, L)] = ih << 2
                    cv[pl.ds(t * L, L)] = w
                    return 0

                lax.fori_loop(0, bw // L, idx_body, 0)
                for j in range(kstream):
                    pltpu.async_copy(
                        w_hbm.at[ilv.at[j]],
                        lov.at[pl.ds(j * IDXROW, IDXROW)], sem)
                    pltpu.async_copy(
                        w_hbm.at[ihv.at[j]],
                        hiv.at[pl.ds(j * IDXROW, IDXROW)], sem)

        def waitg(ilv, ihv, lov, hiv, sem):
            for j in range(kstream):
                pltpu.make_async_copy(
                    w_hbm.at[ilv.at[j]],
                    lov.at[pl.ds(j * IDXROW, IDXROW)], sem).wait()
                pltpu.make_async_copy(
                    w_hbm.at[ihv.at[j]],
                    hiv.at[pl.ds(j * IDXROW, IDXROW)], sem).wait()

        def blendout(f, cv, lov, hiv, ov):
            def blend_body(t, _):
                w16 = cv[pl.ds(t * L, L)]
                for k in range(L):
                    i = t * L + k
                    wv = _bcast_lane(w16, k)
                    for d in range(dim // L):
                        lo = lov[i, pl.ds(d * L, L)]
                        hi = hiv[i, pl.ds(d * L, L)]
                        ov[i, 0, pl.ds(d * L, L)] = lo + wv * (hi - lo)
                return 0

            lax.fori_loop(0, bw // L, blend_body, 0)
            pltpu.sync_copy(ov, out_hbm.at[pl.ds(b0, bw), pl.ds(f, 1)])

        set0 = (c0, il0, ih0, lo0, hi0, s0)
        set1 = (c1, il1, ih1, lo1, hi1, s1)

        prep(0, *set0)

        def step(s, _):
            prep(2 * s + 1, *set1)
            waitg(*set0[1:])
            blendout(2 * s, c0, lo0, hi0, o0)
            prep(2 * s + 2, *set0)
            waitg(*set1[1:])
            blendout(2 * s + 1, c1, lo1, hi1, o1)
            return 0

        lax.fori_loop(0, n_chunks // 2, step, 0)

    return impl


def kernel(continuous_idx, W):
    batch, fields = continuous_idx.shape
    vocab, dim = W.shape
    impl = _build(batch, fields, vocab, dim)
    w_pad = jnp.pad(W, ((0, 0), (0, 3 * dim)))
    return impl(continuous_idx.T, w_pad.reshape(4 * vocab, dim))

# --- scband reference (transcript-rebuilt; emitter-appended) ---
"""Pipeline reference for scband-differential-embedding-85753317032287 (READ-ONLY COPY).

The authoritative reference and input builder live on the scoring server;
editing this copy changes nothing except your own understanding.
"""

import jax, jax.numpy as jnp
import numpy as np
import math

CODEBOOK_SIZE = 1000000
NDIM_EMB = 32
BATCH = 16384
FIELDS = 26


def setup_inputs(seed: int = 0) -> dict:
    key = jax.random.key(seed)
    k1, k2 = jax.random.split(key)
    # continuous indices spread across the full codebook range [0, codebook_size-1)
    continuous_idx = jax.random.uniform(k1, (BATCH, FIELDS), dtype=jnp.float32) * (CODEBOOK_SIZE - 1)
    # proportional_emb_init: uniform(-sqrt3, sqrt3) + idx-proportional bias, scaled by gain
    gain = 0.1
    w = jax.random.uniform(k2, (CODEBOOK_SIZE, NDIM_EMB), minval=-math.sqrt(3), maxval=math.sqrt(3), dtype=jnp.float32)
    bias = 2.0 * math.sqrt(3) * jnp.arange(-0.5 * CODEBOOK_SIZE + 0.5, 0.5 * CODEBOOK_SIZE - 0.4, dtype=jnp.float32) / CODEBOOK_SIZE
    W = gain * (w + bias[:, None])
    return {"continuous_idx": continuous_idx, "W": W}


def reference(continuous_idx, W):
    max_idx = W.shape[0] - 1
    # interpolation weight = fractional part, broadcast over embedding dim
    weight = (continuous_idx - jnp.floor(continuous_idx))[..., None]
    idx_d = continuous_idx.astype(jnp.int32)
    idx_p1 = jnp.clip(idx_d + 1, 0, max_idx)
    emb_lo = jnp.take(W, idx_d, axis=0)
    emb_hi = jnp.take(W, idx_p1, axis=0)
    return (1.0 - weight) * emb_lo + weight * emb_hi

if __name__ == "__main__":
    import jax
    _d = setup_inputs()
    print(jax.jit(kernel)(*tuple(_d.values())))

</pallas_src>

<mosaic_0001>
#map = affine_map<(d0, d1) -> (0, 0)>
#map1 = affine_map<(d0, d1) -> (0, 0, 0)>
module attributes {stable_mosaic.version = 14 : i64} {
  func.func @impl(%arg0: i32, %arg1: i32, %arg2: memref<26x16384xf32, #tpu.memory_space<hbm>>, %arg3: memref<4000000x32xf32, #tpu.memory_space<hbm>>, %arg4: memref<16384x26x32xf32, #tpu.memory_space<hbm>>, %arg5: memref<512xf32, #tpu.memory_space<vmem>>, %arg6: memref<512xf32, #tpu.memory_space<vmem>>, %arg7: memref<4x128xi32, #tpu.memory_space<vmem>>, %arg8: memref<4x128xi32, #tpu.memory_space<vmem>>, %arg9: memref<4x128xi32, #tpu.memory_space<vmem>>, %arg10: memref<4x128xi32, #tpu.memory_space<vmem>>, %arg11: memref<512x32xf32, #tpu.memory_space<vmem>>, %arg12: memref<512x32xf32, #tpu.memory_space<vmem>>, %arg13: memref<512x32xf32, #tpu.memory_space<vmem>>, %arg14: memref<512x32xf32, #tpu.memory_space<vmem>>, %arg15: memref<512x1x32xf32, #tpu.memory_space<vmem>>, %arg16: memref<512x1x32xf32, #tpu.memory_space<vmem>>, %arg17: memref<!tpu.dma_semaphore, #tpu.memory_space<semaphore_mem>>, %arg18: memref<!tpu.dma_semaphore, #tpu.memory_space<semaphore_mem>>) attributes {dimension_semantics = [#tpu.dimension_semantics<core_parallel>, #tpu.dimension_semantics<subcore_parallel>], iteration_bounds = array<i64: 2, 16>, scalar_prefetch = 0 : i64, scratch_operands = 14 : i64, tpu.core_type = #tpu.core_type<sc_vector_subcore>, window_params = [{transform_indices = #map}, {transform_indices = #map}, {transform_indices = #map1}]} {
    %mul3A = arith.constant 2 : i32
    %mul3A_0 = arith.muli %arg1, %mul3A : i32
    %add3A = arith.addi %mul3A_0, %arg0 : i32
    %mul3A_1 = arith.constant 512 : i32
    %mul3A_2 = arith.muli %add3A, %mul3A_1 : i32
    %run_scoped3A = arith.constant 0 : i32
    "tpu.region"() ({
      %run_scoped3A_95 = tpu.sem_alloc : memref<!tpu.dma_semaphore, #tpu.memory_space<semaphore_mem>>
      %dma_start3A_96 = tpu.memref_slice %arg2[%run_scoped3A, %mul3A_2] : memref<26x16384xf32, #tpu.memory_space<hbm>> -> memref<1x512xf32, #tpu.memory_space<hbm>>
      %dma_start3A_97 = tpu.memref_squeeze %dma_start3A_96 : memref<1x512xf32, #tpu.memory_space<hbm>> -> memref<512xf32, #tpu.memory_space<hbm>>
      %dma_start3A_98 = tpu.memref_slice %arg2[%run_scoped3A, %mul3A_2] : memref<26x16384xf32, #tpu.memory_space<hbm>> -> memref<1x512xf32, #tpu.memory_space<hbm>>
      %dma_start3A_99 = tpu.memref_squeeze %dma_start3A_98 : memref<1x512xf32, #tpu.memory_space<hbm>> -> memref<512xf32, #tpu.memory_space<hbm>>
      tpu.enqueue_dma source(%dma_start3A_99 : memref<512xf32, #tpu.memory_space<hbm>>) target(%arg5 : memref<512xf32, #tpu.memory_space<vmem>>) target_semaphore(%run_scoped3A_95 : memref<!tpu.dma_semaphore, #tpu.memory_space<semaphore_mem>>)
      %dma_wait3A = tpu.memref_slice %arg2[%run_scoped3A, %mul3A_2] : memref<26x16384xf32, #tpu.memory_space<hbm>> -> memref<1x512xf32, #tpu.memory_space<hbm>>
      %dma_wait3A_100 = tpu.memref_squeeze %dma_wait3A : memref<1x512xf32, #tpu.memory_space<hbm>> -> memref<512xf32, #tpu.memory_space<hbm>>
      %dma_wait3A_101 = tpu.memref_slice %arg2[%run_scoped3A, %mul3A_2] : memref<26x16384xf32, #tpu.memory_space<hbm>> -> memref<1x512xf32, #tpu.memory_space<hbm>>
      %dma_wait3A_102 = tpu.memref_squeeze %dma_wait3A_101 : memref<1x512xf32, #tpu.memory_space<hbm>> -> memref<512xf32, #tpu.memory_space<hbm>>
      tpu.wait_dma2 semaphore(%run_scoped3A_95 : memref<!tpu.dma_semaphore, #tpu.memory_space<semaphore_mem>>) src(%dma_wait3A_102 : memref<512xf32, #tpu.memory_space<hbm>>) dst(%arg5 : memref<512xf32, #tpu.memory_space<vmem>>)
      tpu.yield
    }) : () -> ()
    %scan3A = arith.constant 0 : i32
    %scan3A_3 = arith.constant 0 : i32
    %scan3A_4 = arith.constant 32 : i32
    %scan3A_5 = arith.addi %scan3A_3, %scan3A_4 : i32
    %scan3A_6 = arith.constant 1 : i32
    %scan3A_7 = scf.for %scan3A_95 = %scan3A_3 to %scan3A_5 step %scan3A_6 iter_args(%scan3A_96 = %scan3A) -> (i32)  : i32 {
      %mul3A_97 = arith.constant 16 : i32
      %mul3A_98 = arith.muli %scan3A_95, %mul3A_97 : i32
      %get3A = arith.index_cast %mul3A_98 : i32 to index
      %get3A_99 = tpu.vector_load %arg5[%get3A] {strides = array<i32>} : memref<512xf32, #tpu.memory_space<vmem>>, vector<16xf32>,
      %get3A_100 = vector.shape_cast %get3A_99 : vector<16xf32> to vector<16xf32>
      %convert_element_type3A = arith.fptosi %get3A_100 : vector<16xf32> to vector<16xi32>
      %convert_element_type3A_101 = arith.sitofp %convert_element_type3A : vector<16xi32> to vector<16xf32>
      %sub3A = arith.subf %get3A_100, %convert_element_type3A_101 : vector<16xf32>
      %add3A_102 = arith.constant 1 : i32
      %add3A_103 = vector.broadcast %add3A_102 : i32 to vector<16xi32>
      %add3A_104 = arith.addi %convert_element_type3A, %add3A_103 : vector<16xi32>
      %min3A = arith.constant 999999 : i32
      %min3A_105 = vector.broadcast %min3A : i32 to vector<16xi32>
      %min3A_106 = arith.minsi %add3A_104, %min3A_105 : vector<16xi32>
      %jit3A = arith.constant 8 : i32
      %div3A = arith.divsi %scan3A_95, %jit3A : i32
      %sign3A = arith.constant 0 : i32
      %sign3A_107 = arith.cmpi sgt, %scan3A_95, %sign3A : i32
      %sign3A_108 = arith.extui %sign3A_107 : i1 to i32
      %sign3A_109 = arith.constant 0 : i32
      %sign3A_110 = arith.cmpi slt, %scan3A_95, %sign3A_109 : i32
      %sign3A_111 = arith.extui %sign3A_110 : i1 to i32
      %sign3A_112 = arith.subi %sign3A_108, %sign3A_111 : i32
      %sign3A_113 = arith.constant 0 : i32
      %sign3A_114 = arith.cmpi sgt, %jit3A, %sign3A_113 : i32
      %sign3A_115 = arith.extui %sign3A_114 : i1 to i32
      %sign3A_116 = arith.constant 0 : i32
      %sign3A_117 = arith.cmpi slt, %jit3A, %sign3A_116 : i32
      %sign3A_118 = arith.extui %sign3A_117 : i1 to i32
      %sign3A_119 = arith.subi %sign3A_115, %sign3A_118 : i32
      %ne3A = arith.cmpi ne, %sign3A_112, %sign3A_119 : i32
      %rem3A = arith.remsi %scan3A_95, %jit3A : i32
      %ne3A_120 = arith.constant 0 : i32
      %ne3A_121 = arith.cmpi ne, %rem3A, %ne3A_120 : i32
      %and3A = arith.andi %ne3A, %ne3A_121 : i1
      %sub3A_122 = arith.constant 1 : i32
      %sub3A_123 = arith.subi %div3A, %sub3A_122 : i32
      %select_n3A = arith.select %and3A, %sub3A_123, %div3A : i32
      %jit3A_124 = arith.constant 8 : i32
      %eq3A = arith.constant 0 : i32
      %eq3A_125 = arith.cmpi eq, %jit3A_124, %eq3A : i32
      %jit3A_126 = arith.constant 1 : i32
      %select_n3A_127 = arith.select %eq3A_125, %jit3A_126, %jit3A_124 : i32
      %rem3A_128 = arith.remsi %scan3A_95, %select_n3A_127 : i32
      %ne3A_129 = arith.constant 0 : i32
      %ne3A_130 = arith.cmpi ne, %rem3A_128, %ne3A_129 : i32
      %lt3A = arith.constant 0 : i32
      %lt3A_131 = arith.cmpi slt, %rem3A_128, %lt3A : i32
      %lt3A_132 = arith.constant 0 : i32
      %lt3A_133 = arith.cmpi slt, %select_n3A_127, %lt3A_132 : i32
      %ne3A_134 = arith.xori %lt3A_131, %lt3A_133 : i1
      %and3A_135 = arith.andi %ne3A_134, %ne3A_130 : i1
      %add3A_136 = arith.addi %rem3A_128, %select_n3A_127 : i32
      %select_n3A_137 = arith.select %and3A_135, %add3A_136, %rem3A_128 : i32
      %mul3A_138 = arith.constant 16 : i32
      %mul3A_139 = arith.muli %select_n3A_137, %mul3A_138 : i32
      %shift_left3A = arith.constant 2 : i32
      %shift_left3A_140 = vector.broadcast %shift_left3A : i32 to vector<16xi32>
      %shift_left3A_141 = arith.shli %convert_element_type3A, %shift_left3A_140 : vector<16xi32>
      %swap3A = arith.index_cast %select_n3A : i32 to index
      %swap3A_142 = arith.index_cast %mul3A_139 : i32 to index
      %swap3A_143 = tpu.vector_load %arg7[%swap3A, %swap3A_142] {strides = array<i32>} : memref<4x128xi32, #tpu.memory_space<vmem>>, vector<1x16xi32>,
      %swap3A_144 = vector.shape_cast %swap3A_143 : vector<1x16xi32> to vector<16xi32>
      %swap3A_145 = vector.shape_cast %shift_left3A_141 : vector<16xi32> to vector<1x16xi32>
      tpu.vector_store %arg7[%swap3A, %swap3A_142], %swap3A_145 {strides = array<i32>} : memref<4x128xi32, #tpu.memory_space<vmem>>, vector<1x16xi32>,
      %shift_left3A_146 = arith.constant 2 : i32
      %shift_left3A_147 = vector.broadcast %shift_left3A_146 : i32 to vector<16xi32>
      %shift_left3A_148 = arith.shli %min3A_106, %shift_left3A_147 : vector<16xi32>
      %swap3A_149 = arith.index_cast %select_n3A : i32 to index
      %swap3A_150 = arith.index_cast %mul3A_139 : i32 to index
      %swap3A_151 = tpu.vector_load %arg8[%swap3A_149, %swap3A_150] {strides = array<i32>} : memref<4x128xi32, #tpu.memory_space<vmem>>, vector<1x16xi32>,
      %swap3A_152 = vector.shape_cast %swap3A_151 : vector<1x16xi32> to vector<16xi32>
      %swap3A_153 = vector.shape_cast %shift_left3A_148 : vector<16xi32> to vector<1x16xi32>
      tpu.vector_store %arg8[%swap3A_149, %swap3A_150], %swap3A_153 {strides = array<i32>} : memref<4x128xi32, #tpu.memory_space<vmem>>, vector<1x16xi32>,
      %mul3A_154 = arith.constant 16 : i32
      %mul3A_155 = arith.muli %scan3A_95, %mul3A_154 : i32
      %swap3A_156 = arith.index_cast %mul3A_155 : i32 to index
      %swap3A_157 = tpu.vector_load %arg5[%swap3A_156] {strides = array<i32>} : memref<512xf32, #tpu.memory_space<vmem>>, vector<16xf32>,
      %swap3A_158 = vector.shape_cast %swap3A_157 : vector<16xf32> to vector<16xf32>
      %swap3A_159 = vector.shape_cast %sub3A : vector<16xf32> to vector<16xf32>
      tpu.vector_store %arg5[%swap3A_156], %swap3A_159 {strides = array<i32>} : memref<512xf32, #tpu.memory_space<vmem>>, vector<16xf32>,
      %scan3A_160 = arith.constant 0 : i32
      scf.yield %scan3A_160 : i32
    }
    %scan3A_8 = arith.constant 32 : i32
    %dma_start3A = arith.constant 0 : i32
    %dma_start3A_9 = arith.constant 0 : i32
    %dma_start3A_10 = arith.constant 0 : i32
    %dma_start3A_11 = tpu.memref_slice %arg11[%dma_start3A_9, %dma_start3A_10] : memref<512x32xf32, #tpu.memory_space<vmem>> -> memref<128x32xf32, #tpu.memory_space<vmem>>
    %dma_start3A_12 = arith.constant 0 : i32
    %dma_start3A_13 = tpu.memref_slice %arg7[%dma_start3A, %dma_start3A_12] : memref<4x128xi32, #tpu.memory_space<vmem>> -> memref<1x128xi32, #tpu.memory_space<vmem>>
    %dma_start3A_14 = tpu.memref_squeeze %dma_start3A_13 : memref<1x128xi32, #tpu.memory_space<vmem>> -> memref<128xi32, #tpu.memory_space<vmem>>
    %dma_start3A_15 = arith.constant 0 : i32
    %dma_start3A_16 = arith.constant 0 : i32
    %dma_start3A_17 = tpu.memref_slice %arg3[%dma_start3A_15, %dma_start3A_16] : memref<4000000x32xf32, #tpu.memory_space<hbm>> -> memref<4000000x32xf32, #tpu.memory_space<hbm>>
    tpu.enqueue_indirect_dma source(%dma_start3A_17 : memref<4000000x32xf32, #tpu.memory_space<hbm>>) target(%dma_start3A_11 : memref<128x32xf32, #tpu.memory_space<vmem>>) offsets(%dma_start3A_14 : memref<128xi32, #tpu.memory_space<vmem>>) semaphore(%arg17 : memref<!tpu.dma_semaphore, #tpu.memory_space<semaphore_mem>>)
    %dma_start3A_18 = arith.constant 0 : i32
    %dma_start3A_19 = arith.constant 0 : i32
    %dma_start3A_20 = arith.constant 0 : i32
    %dma_start3A_21 = tpu.memref_slice %arg12[%dma_start3A_19, %dma_start3A_20] : memref<512x32xf32, #tpu.memory_space<vmem>> -> memref<128x32xf32, #tpu.memory_space<vmem>>
    %dma_start3A_22 = arith.constant 0 : i32
    %dma_start3A_23 = tpu.memref_slice %arg8[%dma_start3A_18, %dma_start3A_22] : memref<4x128xi32, #tpu.memory_space<vmem>> -> memref<1x128xi32, #tpu.memory_space<vmem>>
    %dma_start3A_24 = tpu.memref_squeeze %dma_start3A_23 : memref<1x128xi32, #tpu.memory_space<vmem>> -> memref<128xi32, #tpu.memory_space<vmem>>
    %dma_start3A_25 = arith.constant 0 : i32
    %dma_start3A_26 = arith.constant 0 : i32
    %dma_start3A_27 = tpu.memref_slice %arg3[%dma_start3A_25, %dma_start3A_26] : memref<4000000x32xf32, #tpu.memory_space<hbm>> -> memref<4000000x32xf32, #tpu.memory_space<hbm>>
    tpu.enqueue_indirect_dma source(%dma_start3A_27 : memref<4000000x32xf32, #tpu.memory_space<hbm>>) target(%dma_start3A_21 : memref<128x32xf32, #tpu.memory_space<vmem>>) offsets(%dma_start3A_24 : memref<128xi32, #tpu.memory_space<vmem>>) semaphore(%arg17 : memref<!tpu.dma_semaphore, #tpu.memory_space<semaphore_mem>>)
    %dma_start3A_28 = arith.constant 1 : i32
    %dma_start3A_29 = arith.constant 128 : i32
    %dma_start3A_30 = arith.constant 0 : i32
    %dma_start3A_31 = tpu.memref_slice %arg11[%dma_start3A_29, %dma_start3A_30] : memref<512x32xf32, #tpu.memory_space<vmem>> -> memref<128x32xf32, #tpu.memory_space<vmem>>
    %dma_start3A_32 = arith.constant 0 : i32
    %dma_start3A_33 = tpu.memref_slice %arg7[%dma_start3A_28, %dma_start3A_32] : memref<4x128xi32, #tpu.memory_space<vmem>> -> memref<1x128xi32, #tpu.memory_space<vmem>>
    %dma_start3A_34 = tpu.memref_squeeze %dma_start3A_33 : memref<1x128xi32, #tpu.memory_space<vmem>> -> memref<128xi32, #tpu.memory_space<vmem>>
    %dma_start3A_35 = arith.constant 0 : i32
    %dma_start3A_36 = arith.constant 0 : i32
    %dma_start3A_37 = tpu.memref_slice %arg3[%dma_start3A_35, %dma_start3A_36] : memref<4000000x32xf32, #tpu.memory_space<hbm>> -> memref<4000000x32xf32, #tpu.memory_space<hbm>>
    tpu.enqueue_indirect_dma source(%dma_start3A_37 : memref<4000000x32xf32, #tpu.memory_space<hbm>>) target(%dma_start3A_31 : memref<128x32xf32, #tpu.memory_space<vmem>>) offsets(%dma_start3A_34 : memref<128xi32, #tpu.memory_space<vmem>>) semaphore(%arg17 : memref<!tpu.dma_semaphore, #tpu.memory_space<semaphore_mem>>)
    %dma_start3A_38 = arith.constant 1 : i32
    %dma_start3A_39 = arith.constant 128 : i32
    %dma_start3A_40 = arith.constant 0 : i32
    %dma_start3A_41 = tpu.memref_slice %arg12[%dma_start3A_39, %dma_start3A_40] : memref<512x32xf32, #tpu.memory_space<vmem>> -> memref<128x32xf32, #tpu.memory_space<vmem>>
    %dma_start3A_42 = arith.constant 0 : i32
    %dma_start3A_43 = tpu.memref_slice %arg8[%dma_start3A_38, %dma_start3A_42] : memref<4x128xi32, #tpu.memory_space<vmem>> -> memref<1x128xi32, #tpu.memory_space<vmem>>
    %dma_start3A_44 = tpu.memref_squeeze %dma_start3A_43 : memref<1x128xi32, #tpu.memory_space<vmem>> -> memref<128xi32, #tpu.memory_space<vmem>>
    %dma_start3A_45 = arith.constant 0 : i32
    %dma_start3A_46 = arith.constant 0 : i32
    %dma_start3A_47 = tpu.memref_slice %arg3[%dma_start3A_45, %dma_start3A_46] : memref<4000000x32xf32, #tpu.memory_space<hbm>> -> memref<4000000x32xf32, #tpu.memory_space<hbm>>
    tpu.enqueue_indirect_dma source(%dma_start3A_47 : memref<4000000x32xf32, #tpu.memory_space<hbm>>) target(%dma_start3A_41 : memref<128x32xf32, #tpu.memory_space<vmem>>) offsets(%dma_start3A_44 : memref<128xi32, #tpu.memory_space<vmem>>) semaphore(%arg17 : memref<!tpu.dma_semaphore, #tpu.memory_space<semaphore_mem>>)
    %dma_start3A_48 = arith.constant 2 : i32
    %dma_start3A_49 = arith.constant 256 : i32
    %dma_start3A_50 = arith.constant 0 : i32
    %dma_start3A_51 = tpu.memref_slice %arg11[%dma_start3A_49, %dma_start3A_50] : memref<512x32xf32, #tpu.memory_space<vmem>> -> memref<128x32xf32, #tpu.memory_space<vmem>>
    %dma_start3A_52 = arith.constant 0 : i32
    %dma_start3A_53 = tpu.memref_slice %arg7[%dma_start3A_48, %dma_start3A_52] : memref<4x128xi32, #tpu.memory_space<vmem>> -> memref<1x128xi32, #tpu.memory_space<vmem>>
    %dma_start3A_54 = tpu.memref_squeeze %dma_start3A_53 : memref<1x128xi32, #tpu.memory_space<vmem>> -> memref<128xi32, #tpu.memory_space<vmem>>
    %dma_start3A_55 = arith.constant 0 : i32
    %dma_start3A_56 = arith.constant 0 : i32
    %dma_start3A_57 = tpu.memref_slice %arg3[%dma_start3A_55, %dma_start3A_56] : memref<4000000x32xf32, #tpu.memory_space<hbm>> -> memref<4000000x32xf32, #tpu.memory_space<hbm>>
    tpu.enqueue_indirect_dma source(%dma_start3A_57 : memref<4000000x32xf32, #tpu.memory_space<hbm>>) target(%dma_start3A_51 : memref<128x32xf32, #tpu.memory_space<vmem>>) offsets(%dma_start3A_54 : memref<128xi32, #tpu.memory_space<vmem>>) semaphore(%arg17 : memref<!tpu.dma_semaphore, #tpu.memory_space<semaphore_mem>>)
    %dma_start3A_58 = arith.constant 2 : i32
    %dma_start3A_59 = arith.constant 256 : i32
    %dma_start3A_60 = arith.constant 0 : i32
    %dma_start3A_61 = tpu.memref_slice %arg12[%dma_start3A_59, %dma_start3A_60] : memref<512x32xf32, #tpu.memory_space<vmem>> -> memref<128x32xf32, #tpu.memory_space<vmem>>
    %dma_start3A_62 = arith.constant 0 : i32
    %dma_start3A_63 = tpu.memref_slice %arg8[%dma_start3A_58, %dma_start3A_62] : memref<4x128xi32, #tpu.memory_space<vmem>> -> memref<1x128xi32, #tpu.memory_space<vmem>>
    %dma_start3A_64 = tpu.memref_squeeze %dma_start3A_63 : memref<1x128xi32, #tpu.memory_space<vmem>> -> memref<128xi32, #tpu.memory_space<vmem>>
    %dma_start3A_65 = arith.constant 0 : i32
    %dma_start3A_66 = arith.constant 0 : i32
    %dma_start3A_67 = tpu.memref_slice %arg3[%dma_start3A_65, %dma_start3A_66] : memref<4000000x32xf32, #tpu.memory_space<hbm>> -> memref<4000000x32xf32, #tpu.memory_space<hbm>>
    tpu.enqueue_indirect_dma source(%dma_start3A_67 : memref<4000000x32xf32, #tpu.memory_space<hbm>>) target(%dma_start3A_61 : memref<128x32xf32, #tpu.memory_space<vmem>>) offsets(%dma_start3A_64 : memref<128xi32, #tpu.memory_space<vmem>>) semaphore(%arg17 : memref<!tpu.dma_semaphore, #tpu.memory_space<semaphore_mem>>)
    %dma_start3A_68 = arith.constant 3 : i32
    %dma_start3A_69 = arith.constant 384 : i32
    %dma_start3A_70 = arith.constant 0 : i32
    %dma_start3A_71 = tpu.memref_slice %arg11[%dma_start3A_69, %dma_start3A_70] : memref<512x32xf32, #tpu.memory_space<vmem>> -> memref<128x32xf32, #tpu.memory_space<vmem>>
    %dma_start3A_72 = arith.constant 0 : i32
    %dma_start3A_73 = tpu.memref_slice %arg7[%dma_start3A_68, %dma_start3A_72] : memref<4x128xi32, #tpu.memory_space<vmem>> -> memref<1x128xi32, #tpu.memory_space<vmem>>
    %dma_start3A_74 = tpu.memref_squeeze %dma_start3A_73 : memref<1x128xi32, #tpu.memory_space<vmem>> -> memref<128xi32, #tpu.memory_space<vmem>>
    %dma_start3A_75 = arith.constant 0 : i32
    %dma_start3A_76 = arith.constant 0 : i32
    %dma_start3A_77 = tpu.memref_slice %arg3[%dma_start3A_75, %dma_start3A_76] : memref<4000000x32xf32, #tpu.memory_space<hbm>> -> memref<4000000x32xf32, #tpu.memory_space<hbm>>
    tpu.enqueue_indirect_dma source(%dma_start3A_77 : memref<4000000x32xf32, #tpu.memory_space<hbm>>) target(%dma_start3A_71 : memref<128x32xf32, #tpu.memory_space<vmem>>) offsets(%dma_start3A_74 : memref<128xi32, #tpu.memory_space<vmem>>) semaphore(%arg17 : memref<!tpu.dma_semaphore, #tpu.memory_space<semaphore_mem>>)
    %dma_start3A_78 = arith.constant 3 : i32
    %dma_start3A_79 = arith.constant 384 : i32
    %dma_start3A_80 = arith.constant 0 : i32
    %dma_start3A_81 = tpu.memref_slice %arg12[%dma_start3A_79, %dma_start3A_80] : memref<512x32xf32, #tpu.memory_space<vmem>> -> memref<128x32xf32, #tpu.memory_space<vmem>>
    %dma_start3A_82 = arith.constant 0 : i32
    %dma_start3A_83 = tpu.memref_slice %arg8[%dma_start3A_78, %dma_start3A_82] : memref<4x128xi32, #tpu.memory_space<vmem>> -> memref<1x128xi32, #tpu.memory_space<vmem>>
    %dma_start3A_84 = tpu.memref_squeeze %dma_start3A_83 : memref<1x128xi32, #tpu.memory_space<vmem>> -> memref<128xi32, #tpu.memory_space<vmem>>
    %dma_start3A_85 = arith.constant 0 : i32
    %dma_start3A_86 = arith.constant 0 : i32
    %dma_start3A_87 = tpu.memref_slice %arg3[%dma_start3A_85, %dma_start3A_86] : memref<4000000x32xf32, #tpu.memory_space<hbm>> -> memref<4000000x32xf32, #tpu.memory_space<hbm>>
    tpu.enqueue_indirect_dma source(%dma_start3A_87 : memref<4000000x32xf32, #tpu.memory_space<hbm>>) target(%dma_start3A_81 : memref<128x32xf32, #tpu.memory_space<vmem>>) offsets(%dma_start3A_84 : memref<128xi32, #tpu.memory_space<vmem>>) semaphore(%arg17 : memref<!tpu.dma_semaphore, #tpu.memory_space<semaphore_mem>>)
    %scan3A_88 = arith.constant 0 : i32
    %scan3A_89 = arith.constant 0 : i32
    %scan3A_90 = arith.constant 13 : i32
    %scan3A_91 = arith.addi %scan3A_89, %scan3A_90 : i32
    %scan3A_92 = arith.constant 1 : i32
    %scan3A_93 = scf.for %scan3A_95 = %scan3A_89 to %scan3A_91 step %scan3A_92 iter_args(%scan3A_96 = %scan3A_88) -> (i32)  : i32 {
      %mul3A_97 = arith.constant 2 : i32
      %mul3A_98 = arith.muli %mul3A_97, %scan3A_95 : i32
      %add3A_99 = arith.constant 1 : i32
      %add3A_100 = arith.addi %mul3A_98, %add3A_99 : i32
      %lt3A = arith.constant 26 : i32
      %lt3A_101 = arith.cmpi slt, %add3A_100, %lt3A : i32
      %convert_element_type3A = arith.extui %lt3A_101 : i1 to i32
      %cond3A = arith.constant 0 : i32
      %cond3A_102 = arith.cmpi ne, %convert_element_type3A, %cond3A : i32
      scf.if %cond3A_102 {
        "tpu.region"() ({
          %run_scoped3A_379 = tpu.sem_alloc : memref<!tpu.dma_semaphore, #tpu.memory_space<semaphore_mem>>
          %dma_start3A_380 = tpu.memref_slice %arg2[%add3A_100, %mul3A_2] : memref<26x16384xf32, #tpu.memory_space<hbm>> -> memref<1x512xf32, #tpu.memory_space<hbm>>
          %dma_start3A_381 = tpu.memref_squeeze %dma_start3A_380 : memref<1x512xf32, #tpu.memory_space<hbm>> -> memref<512xf32, #tpu.memory_space<hbm>>
          %dma_start3A_382 = tpu.memref_slice %arg2[%add3A_100, %mul3A_2] : memref<26x16384xf32, #tpu.memory_space<hbm>> -> memref<1x512xf32, #tpu.memory_space<hbm>>
          %dma_start3A_383 = tpu.memref_squeeze %dma_start3A_382 : memref<1x512xf32, #tpu.memory_space<hbm>> -> memref<512xf32, #tpu.memory_space<hbm>>
          tpu.enqueue_dma source(%dma_start3A_383 : memref<512xf32, #tpu.memory_space<hbm>>) target(%arg6 : memref<512xf32, #tpu.memory_space<vmem>>) target_semaphore(%run_scoped3A_379 : memref<!tpu.dma_semaphore, #tpu.memory_space<semaphore_mem>>)
          %dma_wait3A_384 = tpu.memref_slice %arg2[%add3A_100, %mul3A_2] : memref<26x16384xf32, #tpu.memory_space<hbm>> -> memref<1x512xf32, #tpu.memory_space<hbm>>
          %dma_wait3A_385 = tpu.memref_squeeze %dma_wait3A_384 : memref<1x512xf32, #tpu.memory_space<hbm>> -> memref<512xf32, #tpu.memory_space<hbm>>
          %dma_wait3A_386 = tpu.memref_slice %arg2[%add3A_100, %mul3A_2] : memref<26x16384xf32, #tpu.memory_space<hbm>> -> memref<1x512xf32, #tpu.memory_space<hbm>>
          %dma_wait3A_387 = tpu.memref_squeeze %dma_wait3A_386 : memref<1x512xf32, #tpu.memory_space<hbm>> -> memref<512xf32, #tpu.memory_space<hbm>>
          tpu.wait_dma2 semaphore(%run_scoped3A_379 : memref<!tpu.dma_semaphore, #tpu.memory_space<semaphore_mem>>) src(%dma_wait3A_387 : memref<512xf32, #tpu.memory_space<hbm>>) dst(%arg6 : memref<512xf32, #tpu.memory_space<vmem>>)
          tpu.yield
        }) : () -> ()
        %scan3A_292 = arith.constant 0 : i32
        %scan3A_293 = arith.constant 0 : i32
        %scan3A_294 = arith.constant 32 : i32
        %scan3A_295 = arith.addi %scan3A_293, %scan3A_294 : i32
        %scan3A_296 = arith.constant 1 : i32
        %scan3A_297 = scf.for %scan3A_379 = %scan3A_293 to %scan3A_295 step %scan3A_296 iter_args(%scan3A_380 = %scan3A_292) -> (i32)  : i32 {
          %mul3A_381 = arith.constant 16 : i32
          %mul3A_382 = arith.muli %scan3A_379, %mul3A_381 : i32
          %get3A = arith.index_cast %mul3A_382 : i32 to index
          %get3A_383 = tpu.vector_load %arg6[%get3A] {strides = array<i32>} : memref<512xf32, #tpu.memory_space<vmem>>, vector<16xf32>,
          %get3A_384 = vector.shape_cast %get3A_383 : vector<16xf32> to vector<16xf32>
          %convert_element_type3A_385 = arith.fptosi %get3A_384 : vector<16xf32> to vector<16xi32>
          %convert_element_type3A_386 = arith.sitofp %convert_element_type3A_385 : vector<16xi32> to vector<16xf32>
          %sub3A = arith.subf %get3A_384, %convert_element_type3A_386 : vector<16xf32>
          %add3A_387 = arith.constant 1 : i32
          %add3A_388 = vector.broadcast %add3A_387 : i32 to vector<16xi32>
          %add3A_389 = arith.addi %convert_element_type3A_385, %add3A_388 : vector<16xi32>
          %min3A = arith.constant 999999 : i32
          %min3A_390 = vector.broadcast %min3A : i32 to vector<16xi32>
          %min3A_391 = arith.minsi %add3A_389, %min3A_390 : vector<16xi32>
          %jit3A = arith.constant 8 : i32
          %div3A = arith.divsi %scan3A_379, %jit3A : i32
          %sign3A = arith.constant 0 : i32
          %sign3A_392 = arith.cmpi sgt, %scan3A_379, %sign3A : i32
          %sign3A_393 = arith.extui %sign3A_392 : i1 to i32
          %sign3A_394 = arith.constant 0 : i32
          %sign3A_395 = arith.cmpi slt, %scan3A_379, %sign3A_394 : i32
          %sign3A_396 = arith.extui %sign3A_395 : i1 to i32
          %sign3A_397 = arith.subi %sign3A_393, %sign3A_396 : i32
          %sign3A_398 = arith.constant 0 : i32
          %sign3A_399 = arith.cmpi sgt, %jit3A, %sign3A_398 : i32
          %sign3A_400 = arith.extui %sign3A_399 : i1 to i32
          %sign3A_401 = arith.constant 0 : i32
          %sign3A_402 = arith.cmpi slt, %jit3A, %sign3A_401 : i32
          %sign3A_403 = arith.extui %sign3A_402 : i1 to i32
          %sign3A_404 = arith.subi %sign3A_400, %sign3A_403 : i32
          %ne3A = arith.cmpi ne, %sign3A_397, %sign3A_404 : i32
          %rem3A = arith.remsi %scan3A_379, %jit3A : i32
          %ne3A_405 = arith.constant 0 : i32
          %ne3A_406 = arith.cmpi ne, %rem3A, %ne3A_405 : i32
          %and3A = arith.andi %ne3A, %ne3A_406 : i1
          %sub3A_407 = arith.constant 1 : i32
          %sub3A_408 = arith.subi %div3A, %sub3A_407 : i32
          %select_n3A = arith.select %and3A, %sub3A_408, %div3A : i32
          %jit3A_409 = arith.constant 8 : i32
          %eq3A = arith.constant 0 : i32
          %eq3A_410 = arith.cmpi eq, %jit3A_409, %eq3A : i32
          %jit3A_411 = arith.constant 1 : i32
          %select_n3A_412 = arith.select %eq3A_410, %jit3A_411, %jit3A_409 : i32
          %rem3A_413 = arith.remsi %scan3A_379, %select_n3A_412 : i32
          %ne3A_414 = arith.constant 0 : i32
          %ne3A_415 = arith.cmpi ne, %rem3A_413, %ne3A_414 : i32
          %lt3A_416 = arith.constant 0 : i32
          %lt3A_417 = arith.cmpi slt, %rem3A_413, %lt3A_416 : i32
          %lt3A_418 = arith.constant 0 : i32
          %lt3A_419 = arith.cmpi slt, %select_n3A_412, %lt3A_418 : i32
          %ne3A_420 = arith.xori %lt3A_417, %lt3A_419 : i1
          %and3A_421 = arith.andi %ne3A_420, %ne3A_415 : i1
          %add3A_422 = arith.addi %rem3A_413, %select_n3A_412 : i32
          %select_n3A_423 = arith.select %and3A_421, %add3A_422, %rem3A_413 : i32
          %mul3A_424 = arith.constant 16 : i32
          %mul3A_425 = arith.muli %select_n3A_423, %mul3A_424 : i32
          %shift_left3A = arith.constant 2 : i32
          %shift_left3A_426 = vector.broadcast %shift_left3A : i32 to vector<16xi32>
          %shift_left3A_427 = arith.shli %convert_element_type3A_385, %shift_left3A_426 : vector<16xi32>
          %swap3A = arith.index_cast %select_n3A : i32 to index
          %swap3A_428 = arith.index_cast %mul3A_425 : i32 to index
          %swap3A_429 = tpu.vector_load %arg9[%swap3A, %swap3A_428] {strides = array<i32>} : memref<4x128xi32, #tpu.memory_space<vmem>>, vector<1x16xi32>,
          %swap3A_430 = vector.shape_cast %swap3A_429 : vector<1x16xi32> to vector<16xi32>
          %swap3A_431 = vector.shape_cast %shift_left3A_427 : vector<16xi32> to vector<1x16xi32>
          tpu.vector_store %arg9[%swap3A, %swap3A_428], %swap3A_431 {strides = array<i32>} : memref<4x128xi32, #tpu.memory_space<vmem>>, vector<1x16xi32>,
          %shift_left3A_432 = arith.constant 2 : i32
          %shift_left3A_433 = vector.broadcast %shift_left3A_432 : i32 to vector<16xi32>
          %shift_left3A_434 = arith.shli %min3A_391, %shift_left3A_433 : vector<16xi32>
          %swap3A_435 = arith.index_cast %select_n3A : i32 to index
          %swap3A_436 = arith.index_cast %mul3A_425 : i32 to index
          %swap3A_437 = tpu.vector_load %arg10[%swap3A_435, %swap3A_436] {strides = array<i32>} : memref<4x128xi32, #tpu.memory_space<vmem>>, vector<1x16xi32>,
          %swap3A_438 = vector.shape_cast %swap3A_437 : vector<1x16xi32> to vector<16xi32>
          %swap3A_439 = vector.shape_cast %shift_left3A_434 : vector<16xi32> to vector<1x16xi32>
          tpu.vector_store %arg10[%swap3A_435, %swap3A_436], %swap3A_439 {strides = array<i32>} : memref<4x128xi32, #tpu.memory_space<vmem>>, vector<1x16xi32>,
          %mul3A_440 = arith.constant 16 : i32
          %mul3A_441 = arith.muli %scan3A_379, %mul3A_440 : i32
          %swap3A_442 = arith.index_cast %mul3A_441 : i32 to index
          %swap3A_443 = tpu.vector_load %arg6[%swap3A_442] {strides = array<i32>} : memref<512xf32, #tpu.memory_space<vmem>>, vector<16xf32>,
          %swap3A_444 = vector.shape_cast %swap3A_443 : vector<16xf32> to vector<16xf32>
          %swap3A_445 = vector.shape_cast %sub3A : vector<16xf32> to vector<16xf32>
          tpu.vector_store %arg6[%swap3A_442], %swap3A_445 {strides = array<i32>} : memref<512xf32, #tpu.memory_space<vmem>>, vector<16xf32>,
          %scan3A_446 = arith.constant 0 : i32
          scf.yield %scan3A_446 : i32
        }
        %scan3A_298 = arith.constant 32 : i32
        %dma_start3A_299 = arith.constant 0 : i32
        %dma_start3A_300 = arith.constant 0 : i32
        %dma_start3A_301 = arith.constant 0 : i32
        %dma_start3A_302 = tpu.memref_slice %arg13[%dma_start3A_300, %dma_start3A_301] : memref<512x32xf32, #tpu.memory_space<vmem>> -> memref<128x32xf32, #tpu.memory_space<vmem>>
        %dma_start3A_303 = arith.constant 0 : i32
        %dma_start3A_304 = tpu.memref_slice %arg9[%dma_start3A_299, %dma_start3A_303] : memref<4x128xi32, #tpu.memory_space<vmem>> -> memref<1x128xi32, #tpu.memory_space<vmem>>
        %dma_start3A_305 = tpu.memref_squeeze %dma_start3A_304 : memref<1x128xi32, #tpu.memory_space<vmem>> -> memref<128xi32, #tpu.memory_space<vmem>>
        %dma_start3A_306 = arith.constant 0 : i32
        %dma_start3A_307 = arith.constant 0 : i32
        %dma_start3A_308 = tpu.memref_slice %arg3[%dma_start3A_306, %dma_start3A_307] : memref<4000000x32xf32, #tpu.memory_space<hbm>> -> memref<4000000x32xf32, #tpu.memory_space<hbm>>
        tpu.enqueue_indirect_dma source(%dma_start3A_308 : memref<4000000x32xf32, #tpu.memory_space<hbm>>) target(%dma_start3A_302 : memref<128x32xf32, #tpu.memory_space<vmem>>) offsets(%dma_start3A_305 : memref<128xi32, #tpu.memory_space<vmem>>) semaphore(%arg18 : memref<!tpu.dma_semaphore, #tpu.memory_space<semaphore_mem>>)
        %dma_start3A_309 = arith.constant 0 : i32
        %dma_start3A_310 = arith.constant 0 : i32
        %dma_start3A_311 = arith.constant 0 : i32
        %dma_start3A_312 = tpu.memref_slice %arg14[%dma_start3A_310, %dma_start3A_311] : memref<512x32xf32, #tpu.memory_space<vmem>> -> memref<128x32xf32, #tpu.memory_space<vmem>>
        %dma_start3A_313 = arith.constant 0 : i32
        %dma_start3A_314 = tpu.memref_slice %arg10[%dma_start3A_309, %dma_start3A_313] : memref<4x128xi32, #tpu.memory_space<vmem>> -> memref<1x128xi32, #tpu.memory_space<vmem>>
        %dma_start3A_315 = tpu.memref_squeeze %dma_start3A_314 : memref<1x128xi32, #tpu.memory_space<vmem>> -> memref<128xi32, #tpu.memory_space<vmem>>
        %dma_start3A_316 = arith.constant 0 : i32
        %dma_start3A_317 = arith.constant 0 : i32
        %dma_start3A_318 = tpu.memref_slice %arg3[%dma_start3A_316, %dma_start3A_317] : memref<4000000x32xf32, #tpu.memory_space<hbm>> -> memref<4000000x32xf32, #tpu.memory_space<hbm>>
        tpu.enqueue_indirect_dma source(%dma_start3A_318 : memref<4000000x32xf32, #tpu.memory_space<hbm>>) target(%dma_start3A_312 : memref<128x32xf32, #tpu.memory_space<vmem>>) offsets(%dma_start3A_315 : memref<128xi32, #tpu.memory_space<vmem>>) semaphore(%arg18 : memref<!tpu.dma_semaphore, #tpu.memory_space<semaphore_mem>>)
        %dma_start3A_319 = arith.constant 1 : i32
        %dma_start3A_320 = arith.constant 128 : i32
        %dma_start3A_321 = arith.constant 0 : i32
        %dma_start3A_322 = tpu.memref_slice %arg13[%dma_start3A_320, %dma_start3A_321] : memref<512x32xf32, #tpu.memory_space<vmem>> -> memref<128x32xf32, #tpu.memory_space<vmem>>
        %dma_start3A_323 = arith.constant 0 : i32
        %dma_start3A_324 = tpu.memref_slice %arg9[%dma_start3A_319, %dma_start3A_323] : memref<4x128xi32, #tpu.memory_space<vmem>> -> memref<1x128xi32, #tpu.memory_space<vmem>>
        %dma_start3A_325 = tpu.memref_squeeze %dma_start3A_324 : memref<1x128xi32, #tpu.memory_space<vmem>> -> memref<128xi32, #tpu.memory_space<vmem>>
        %dma_start3A_326 = arith.constant 0 : i32
        %dma_start3A_327 = arith.constant 0 : i32
        %dma_start3A_328 = tpu.memref_slice %arg3[%dma_start3A_326, %dma_start3A_327] : memref<4000000x32xf32, #tpu.memory_space<hbm>> -> memref<4000000x32xf32, #tpu.memory_space<hbm>>
        tpu.enqueue_indirect_dma source(%dma_start3A_328 : memref<4000000x32xf32, #tpu.memory_space<hbm>>) target(%dma_start3A_322 : memref<128x32xf32, #tpu.memory_space<vmem>>) offsets(%dma_start3A_325 : memref<128xi32, #tpu.memory_space<vmem>>) semaphore(%arg18 : memref<!tpu.dma_semaphore, #tpu.memory_space<semaphore_mem>>)
        %dma_start3A_329 = arith.constant 1 : i32
        %dma_start3A_330 = arith.constant 128 : i32
        %dma_start3A_331 = arith.constant 0 : i32
        %dma_start3A_332 = tpu.memref_slice %arg14[%dma_start3A_330, %dma_start3A_331] : memref<512x32xf32, #tpu.memory_space<vmem>> -> memref<128x32xf32, #tpu.memory_space<vmem>>
        %dma_start3A_333 = arith.constant 0 : i32
        %dma_start3A_334 = tpu.memref_slice %arg10[%dma_start3A_329, %dma_start3A_333] : memref<4x128xi32, #tpu.memory_space<vmem>> -> memref<1x128xi32, #tpu.memory_space<vmem>>
        %dma_start3A_335 = tpu.memref_squeeze %dma_start3A_334 : memref<1x128xi32, #tpu.memory_space<vmem>> -> memref<128xi32, #tpu.memory_space<vmem>>
        %dma_start3A_336 = arith.constant 0 : i32
        %dma_start3A_337 = arith.constant 0 : i32
        %dma_start3A_338 = tpu.memref_slice %arg3[%dma_start3A_336, %dma_start3A_337] : memref<4000000x32xf32, #tpu.memory_space<hbm>> -> memref<4000000x32xf32, #tpu.memory_space<hbm>>
        tpu.enqueue_indirect_dma source(%dma_start3A_338 : memref<4000000x32xf32, #tpu.memory_space<hbm>>) target(%dma_start3A_332 : memref<128x32xf32, #tpu.memory_space<vmem>>) offsets(%dma_start3A_335 : memref<128xi32, #tpu.memory_space<vmem>>) semaphore(%arg18 : memref<!tpu.dma_semaphore, #tpu.memory_space<semaphore_mem>>)
        %dma_start3A_339 = arith.constant 2 : i32
        %dma_start3A_340 = arith.constant 256 : i32
        %dma_start3A_341 = arith.constant 0 : i32
        %dma_start3A_342 = tpu.memref_slice %arg13[%dma_start3A_340, %dma_start3A_341] : memref<512x32xf32, #tpu.memory_space<vmem>> -> memref<128x32xf32, #tpu.memory_space<vmem>>
        %dma_start3A_343 = arith.constant 0 : i32
        %dma_start3A_344 = tpu.memref_slice %arg9[%dma_start3A_339, %dma_start3A_343] : memref<4x128xi32, #tpu.memory_space<vmem>> -> memref<1x128xi32, #tpu.memory_space<vmem>>
        %dma_start3A_345 = tpu.memref_squeeze %dma_start3A_344 : memref<1x128xi32, #tpu.memory_space<vmem>> -> memref<128xi32, #tpu.memory_space<vmem>>
        %dma_start3A_346 = arith.constant 0 : i32
        %dma_start3A_347 = arith.constant 0 : i32
        %dma_start3A_348 = tpu.memref_slice %arg3[%dma_start3A_346, %dma_start3A_347] : memref<4000000x32xf32, #tpu.memory_space<hbm>> -> memref<4000000x32xf32, #tpu.memory_space<hbm>>
        tpu.enqueue_indirect_dma source(%dma_start3A_348 : memref<4000000x32xf32, #tpu.memory_space<hbm>>) target(%dma_start3A_342 : memref<128x32xf32, #tpu.memory_space<vmem>>) offsets(%dma_start3A_345 : memref<128xi32, #tpu.memory_space<vmem>>) semaphore(%arg18 : memref<!tpu.dma_semaphore, #tpu.memory_space<semaphore_mem>>)
        %dma_start3A_349 = arith.constant 2 : i32
        %dma_start3A_350 = arith.constant 256 : i32
        %dma_start3A_351 = arith.constant 0 : i32
        %dma_start3A_352 = tpu.memref_slice %arg14[%dma_start3A_350, %dma_start3A_351] : memref<512x32xf32, #tpu.memory_space<vmem>> -> memref<128x32xf32, #tpu.memory_space<vmem>>
        %dma_start3A_353 = arith.constant 0 : i32
        %dma_start3A_354 = tpu.memref_slice %arg10[%dma_start3A_349, %dma_start3A_353] : memref<4x128xi32, #tpu.memory_space<vmem>> -> memref<1x128xi32, #tpu.memory_space<vmem>>
        %dma_start3A_355 = tpu.memref_squeeze %dma_start3A_354 : memref<1x128xi32, #tpu.memory_space<vmem>> -> memref<128xi32, #tpu.memory_space<vmem>>
        %dma_start3A_356 = arith.constant 0 : i32
        %dma_start3A_357 = arith.constant 0 : i32
        %dma_start3A_358 = tpu.memref_slice %arg3[%dma_start3A_356, %dma_start3A_357] : memref<4000000x32xf32, #tpu.memory_space<hbm>> -> memref<4000000x32xf32, #tpu.memory_space<hbm>>
        tpu.enqueue_indirect_dma source(%dma_start3A_358 : memref<4000000x32xf32, #tpu.memory_space<hbm>>) target(%dma_start3A_352 : memref<128x32xf32, #tpu.memory_space<vmem>>) offsets(%dma_start3A_355 : memref<128xi32, #tpu.memory_space<vmem>>) semaphore(%arg18 : memref<!tpu.dma_semaphore, #tpu.memory_space<semaphore_mem>>)
        %dma_start3A_359 = arith.constant 3 : i32
        %dma_start3A_360 = arith.constant 384 : i32
        %dma_start3A_361 = arith.constant 0 : i32
        %dma_start3A_362 = tpu.memref_slice %arg13[%dma_start3A_360, %dma_start3A_361] : memref<512x32xf32, #tpu.memory_space<vmem>> -> memref<128x32xf32, #tpu.memory_space<vmem>>
        %dma_start3A_363 = arith.constant 0 : i32
        %dma_start3A_364 = tpu.memref_slice %arg9[%dma_start3A_359, %dma_start3A_363] : memref<4x128xi32, #tpu.memory_space<vmem>> -> memref<1x128xi32, #tpu.memory_space<vmem>>
        %dma_start3A_365 = tpu.memref_squeeze %dma_start3A_364 : memref<1x128xi32, #tpu.memory_space<vmem>> -> memref<128xi32, #tpu.memory_space<vmem>>
        %dma_start3A_366 = arith.constant 0 : i32
        %dma_start3A_367 = arith.constant 0 : i32
        %dma_start3A_368 = tpu.memref_slice %arg3[%dma_start3A_366, %dma_start3A_367] : memref<4000000x32xf32, #tpu.memory_space<hbm>> -> memref<4000000x32xf32, #tpu.memory_space<hbm>>
        tpu.enqueue_indirect_dma source(%dma_start3A_368 : memref<4000000x32xf32, #tpu.memory_space<hbm>>) target(%dma_start3A_362 : memref<128x32xf32, #tpu.memory_space<vmem>>) offsets(%dma_start3A_365 : memref<128xi32, #tpu.memory_space<vmem>>) semaphore(%arg18 : memref<!tpu.dma_semaphore, #tpu.memory_space<semaphore_mem>>)
        %dma_start3A_369 = arith.constant 3 : i32
        %dma_start3A_370 = arith.constant 384 : i32
        %dma_start3A_371 = arith.constant 0 : i32
        %dma_start3A_372 = tpu.memref_slice %arg14[%dma_start3A_370, %dma_start3A_371] : memref<512x32xf32, #tpu.memory_space<vmem>> -> memref<128x32xf32, #tpu.memory_space<vmem>>
        %dma_start3A_373 = arith.constant 0 : i32
        %dma_start3A_374 = tpu.memref_slice %arg10[%dma_start3A_369, %dma_start3A_373] : memref<4x128xi32, #tpu.memory_space<vmem>> -> memref<1x128xi32, #tpu.memory_space<vmem>>
        %dma_start3A_375 = tpu.memref_squeeze %dma_start3A_374 : memref<1x128xi32, #tpu.memory_space<vmem>> -> memref<128xi32, #tpu.memory_space<vmem>>
        %dma_start3A_376 = arith.constant 0 : i32
        %dma_start3A_377 = arith.constant 0 : i32
        %dma_start3A_378 = tpu.memref_slice %arg3[%dma_start3A_376, %dma_start3A_377] : memref<4000000x32xf32, #tpu.memory_space<hbm>> -> memref<4000000x32xf32, #tpu.memory_space<hbm>>
        tpu.enqueue_indirect_dma source(%dma_start3A_378 : memref<4000000x32xf32, #tpu.memory_space<hbm>>) target(%dma_start3A_372 : memref<128x32xf32, #tpu.memory_space<vmem>>) offsets(%dma_start3A_375 : memref<128xi32, #tpu.memory_space<vmem>>) semaphore(%arg18 : memref<!tpu.dma_semaphore, #tpu.memory_space<semaphore_mem>>)
      } else {
      }
      %dma_wait3A = arith.constant 0 : i32
      %dma_wait3A_103 = arith.constant 0 : i32
      %dma_wait3A_104 = arith.constant 0 : i32
      %dma_wait3A_105 = tpu.memref_slice %arg11[%dma_wait3A_103, %dma_wait3A_104] : memref<512x32xf32, #tpu.memory_space<vmem>> -> memref<128x32xf32, #tpu.memory_space<vmem>>
      %dma_wait3A_106 = arith.constant 0 : i32
      %dma_wait3A_107 = tpu.memref_slice %arg7[%dma_wait3A, %dma_wait3A_106] : memref<4x128xi32, #tpu.memory_space<vmem>> -> memref<1x128xi32, #tpu.memory_space<vmem>>
      %dma_wait3A_108 = tpu.memref_squeeze %dma_wait3A_107 : memref<1x128xi32, #tpu.memory_space<vmem>> -> memref<128xi32, #tpu.memory_space<vmem>>
      %dma_wait3A_109 = arith.constant 0 : i32
      %dma_wait3A_110 = arith.constant 0 : i32
      %dma_wait3A_111 = tpu.memref_slice %arg3[%dma_wait3A_109, %dma_wait3A_110] : memref<4000000x32xf32, #tpu.memory_space<hbm>> -> memref<4000000x32xf32, #tpu.memory_space<hbm>>
      tpu.wait_indirect_dma semaphore(%arg17 : memref<!tpu.dma_semaphore, #tpu.memory_space<semaphore_mem>>) src(%dma_wait3A_111 : memref<4000000x32xf32, #tpu.memory_space<hbm>>) dst(%dma_wait3A_105 : memref<128x32xf32, #tpu.memory_space<vmem>>)
      %dma_wait3A_112 = arith.constant 0 : i32
      %dma_wait3A_113 = arith.constant 0 : i32
      %dma_wait3A_114 = arith.constant 0 : i32
      %dma_wait3A_115 = tpu.memref_slice %arg12[%dma_wait3A_113, %dma_wait3A_114] : memref<512x32xf32, #tpu.memory_space<vmem>> -> memref<128x32xf32, #tpu.memory_space<vmem>>
      %dma_wait3A_116 = arith.constant 0 : i32
      %dma_wait3A_117 = tpu.memref_slice %arg8[%dma_wait3A_112, %dma_wait3A_116] : memref<4x128xi32, #tpu.memory_space<vmem>> -> memref<1x128xi32, #tpu.memory_space<vmem>>
      %dma_wait3A_118 = tpu.memref_squeeze %dma_wait3A_117 : memref<1x128xi32, #tpu.memory_space<vmem>> -> memref<128xi32, #tpu.memory_space<vmem>>
      %dma_wait3A_119 = arith.constant 0 : i32
      %dma_wait3A_120 = arith.constant 0 : i32
      %dma_wait3A_121 = tpu.memref_slice %arg3[%dma_wait3A_119, %dma_wait3A_120] : memref<4000000x32xf32, #tpu.memory_space<hbm>> -> memref<4000000x32xf32, #tpu.memory_space<hbm>>
      tpu.wait_indirect_dma semaphore(%arg17 : memref<!tpu.dma_semaphore, #tpu.memory_space<semaphore_mem>>) src(%dma_wait3A_121 : memref<4000000x32xf32, #tpu.memory_space<hbm>>) dst(%dma_wait3A_115 : memref<128x32xf32, #tpu.memory_space<vmem>>)
      %dma_wait3A_122 = arith.constant 1 : i32
      %dma_wait3A_123 = arith.constant 128 : i32
      %dma_wait3A_124 = arith.constant 0 : i32
      %dma_wait3A_125 = tpu.memref_slice %arg11[%dma_wait3A_123, %dma_wait3A_124] : memref<512x32xf32, #tpu.memory_space<vmem>> -> memref<128x32xf32, #tpu.memory_space<vmem>>
      %dma_wait3A_126 = arith.constant 0 : i32
      %dma_wait3A_127 = tpu.memref_slice %arg7[%dma_wait3A_122, %dma_wait3A_126] : memref<4x128xi32, #tpu.memory_space<vmem>> -> memref<1x128xi32, #tpu.memory_space<vmem>>
      %dma_wait3A_128 = tpu.memref_squeeze %dma_wait3A_127 : memref<1x128xi32, #tpu.memory_space<vmem>> -> memref<128xi32, #tpu.memory_space<vmem>>
      %dma_wait3A_129 = arith.constant 0 : i32
      %dma_wait3A_130 = arith.constant 0 : i32
      %dma_wait3A_131 = tpu.memref_slice %arg3[%dma_wait3A_129, %dma_wait3A_130] : memref<4000000x32xf32, #tpu.memory_space<hbm>> -> memref<4000000x32xf32, #tpu.memory_space<hbm>>
      tpu.wait_indirect_dma semaphore(%arg17 : memref<!tpu.dma_semaphore, #tpu.memory_space<semaphore_mem>>) src(%dma_wait3A_131 : memref<4000000x32xf32, #tpu.memory_space<hbm>>) dst(%dma_wait3A_125 : memref<128x32xf32, #tpu.memory_space<vmem>>)
      %dma_wait3A_132 = arith.constant 1 : i32
      %dma_wait3A_133 = arith.constant 128 : i32
      %dma_wait3A_134 = arith.constant 0 : i32
      %dma_wait3A_135 = tpu.memref_slice %arg12[%dma_wait3A_133, %dma_wait3A_134] : memref<512x32xf32, #tpu.memory_space<vmem>> -> memref<128x32xf32, #tpu.memory_space<vmem>>
      %dma_wait3A_136 = arith.constant 0 : i32
      %dma_wait3A_137 = tpu.memref_slice %arg8[%dma_wait3A_132, %dma_wait3A_136] : memref<4x128xi32, #tpu.memory_space<vmem>> -> memref<1x128xi32, #tpu.memory_space<vmem>>
      %dma_wait3A_138 = tpu.memref_squeeze %dma_wait3A_137 : memref<1x128xi32, #tpu.memory_space<vmem>> -> memref<128xi32, #tpu.memory_space<vmem>>
      %dma_wait3A_139 = arith.constant 0 : i32
      %dma_wait3A_140 = arith.constant 0 : i32
      %dma_wait3A_141 = tpu.memref_slice %arg3[%dma_wait3A_139, %dma_wait3A_140] : memref<4000000x32xf32, #tpu.memory_space<hbm>> -> memref<4000000x32xf32, #tpu.memory_space<hbm>>
      tpu.wait_indirect_dma semaphore(%arg17 : memref<!tpu.dma_semaphore, #tpu.memory_space<semaphore_mem>>) src(%dma_wait3A_141 : memref<4000000x32xf32, #tpu.memory_space<hbm>>) dst(%dma_wait3A_135 : memref<128x32xf32, #tpu.memory_space<vmem>>)
      %dma_wait3A_142 = arith.constant 2 : i32
      %dma_wait3A_143 = arith.constant 256 : i32
      %dma_wait3A_144 = arith.constant 0 : i32
      %dma_wait3A_145 = tpu.memref_slice %arg11[%dma_wait3A_143, %dma_wait3A_144] : memref<512x32xf32, #tpu.memory_space<vmem>> -> memref<128x32xf32, #tpu.memory_space<vmem>>
      %dma_wait3A_146 = arith.constant 0 : i32
      %dma_wait3A_147 = tpu.memref_slice %arg7[%dma_wait3A_142, %dma_wait3A_146] : memref<4x128xi32, #tpu.memory_space<vmem>> -> memref<1x128xi32, #tpu.memory_space<vmem>>
      %dma_wait3A_148 = tpu.memref_squeeze %dma_wait3A_147 : memref<1x128xi32, #tpu.memory_space<vmem>> -> memref<128xi32, #tpu.memory_space<vmem>>
      %dma_wait3A_149 = arith.constant 0 : i32
      %dma_wait3A_150 = arith.constant 0 : i32
      %dma_wait3A_151 = tpu.memref_slice %arg3[%dma_wait3A_149, %dma_wait3A_150] : memref<4000000x32xf32, #tpu.memory_space<hbm>> -> memref<4000000x32xf32, #tpu.memory_space<hbm>>
      tpu.wait_indirect_dma semaphore(%arg17 : memref<!tpu.dma_semaphore, #tpu.memory_space<semaphore_mem>>) src(%dma_wait3A_151 : memref<4000000x32xf32, #tpu.memory_space<hbm>>) dst(%dma_wait3A_145 : memref<128x32xf32, #tpu.memory_space<vmem>>)
      %dma_wait3A_152 = arith.constant 2 : i32
      %dma_wait3A_153 = arith.constant 256 : i32
      %dma_wait3A_154 = arith.constant 0 : i32
      %dma_wait3A_155 = tpu.memref_slice %arg12[%dma_wait3A_153, %dma_wait3A_154] : memref<512x32xf32, #tpu.memory_space<vmem>> -> memref<128x32xf32, #tpu.memory_space<vmem>>
      %dma_wait3A_156 = arith.constant 0 : i32
      %dma_wait3A_157 = tpu.memref_slice %arg8[%dma_wait3A_152, %dma_wait3A_156] : memref<4x128xi32, #tpu.memory_space<vmem>> -> memref<1x128xi32, #tpu.memory_space<vmem>>
      %dma_wait3A_158 = tpu.memref_squeeze %dma_wait3A_157 : memref<1x128xi32, #tpu.memory_space<vmem>> -> memref<128xi32, #tpu.memory_space<vmem>>
      %dma_wait3A_159 = arith.constant 0 : i32
      %dma_wait3A_160 = arith.constant 0 : i32
      %dma_wait3A_161 = tpu.memref_slice %arg3[%dma_wait3A_159, %dma_wait3A_160] : memref<4000000x32xf32, #tpu.memory_space<hbm>> -> memref<4000000x32xf32, #tpu.memory_space<hbm>>
      tpu.wait_indirect_dma semaphore(%arg17 : memref<!tpu.dma_semaphore, #tpu.memory_space<semaphore_mem>>) src(%dma_wait3A_161 : memref<4000000x32xf32, #tpu.memory_space<hbm>>) dst(%dma_wait3A_155 : memref<128x32xf32, #tpu.memory_space<vmem>>)
      %dma_wait3A_162 = arith.constant 3 : i32
      %dma_wait3A_163 = arith.constant 384 : i32
      %dma_wait3A_164 = arith.constant 0 : i32
      %dma_wait3A_165 = tpu.memref_slice %arg11[%dma_wait3A_163, %dma_wait3A_164] : memref<512x32xf32, #tpu.memory_space<vmem>> -> memref<128x32xf32, #tpu.memory_space<vmem>>
      %dma_wait3A_166 = arith.constant 0 : i32
      %dma_wait3A_167 = tpu.memref_slice %arg7[%dma_wait3A_162, %dma_wait3A_166] : memref<4x128xi32, #tpu.memory_space<vmem>> -> memref<1x128xi32, #tpu.memory_space<vmem>>
      %dma_wait3A_168 = tpu.memref_squeeze %dma_wait3A_167 : memref<1x128xi32, #tpu.memory_space<vmem>> -> memref<128xi32, #tpu.memory_space<vmem>>
      %dma_wait3A_169 = arith.constant 0 : i32
      %dma_wait3A_170 = arith.constant 0 : i32
      %dma_wait3A_171 = tpu.memref_slice %arg3[%dma_wait3A_169, %dma_wait3A_170] : memref<4000000x32xf32, #tpu.memory_space<hbm>> -> memref<4000000x32xf32, #tpu.memory_space<hbm>>
      tpu.wait_indirect_dma semaphore(%arg17 : memref<!tpu.dma_semaphore, #tpu.memory_space<semaphore_mem>>) src(%dma_wait3A_171 : memref<4000000x32xf32, #tpu.memory_space<hbm>>) dst(%dma_wait3A_165 : memref<128x32xf32, #tpu.memory_space<vmem>>)
      %dma_wait3A_172 = arith.constant 3 : i32
      %dma_wait3A_173 = arith.constant 384 : i32
      %dma_wait3A_174 = arith.constant 0 : i32
      %dma_wait3A_175 = tpu.memref_slice %arg12[%dma_wait3A_173, %dma_wait3A_174] : memref<512x32xf32, #tpu.memory_space<vmem>> -> memref<128x32xf32, #tpu.memory_space<vmem>>
      %dma_wait3A_176 = arith.constant 0 : i32
      %dma_wait3A_177 = tpu.memref_slice %arg8[%dma_wait3A_172, %dma_wait3A_176] : memref<4x128xi32, #tpu.memory_space<vmem>> -> memref<1x128xi32, #tpu.memory_space<vmem>>
      %dma_wait3A_178 = tpu.memref_squeeze %dma_wait3A_177 : memref<1x128xi32, #tpu.memory_space<vmem>> -> memref<128xi32, #tpu.memory_space<vmem>>
      %dma_wait3A_179 = arith.constant 0 : i32
      %dma_wait3A_180 = arith.constant 0 : i32
      %dma_wait3A_181 = tpu.memref_slice %arg3[%dma_wait3A_179, %dma_wait3A_180] : memref<4000000x32xf32, #tpu.memory_space<hbm>> -> memref<4000000x32xf32, #tpu.memory_space<hbm>>
      tpu.wait_indirect_dma semaphore(%arg17 : memref<!tpu.dma_semaphore, #tpu.memory_space<semaphore_mem>>) src(%dma_wait3A_181 : memref<4000000x32xf32, #tpu.memory_space<hbm>>) dst(%dma_wait3A_175 : memref<128x32xf32, #tpu.memory_space<vmem>>)
      %mul3A_182 = arith.constant 2 : i32
      %mul3A_183 = arith.muli %mul3A_182, %scan3A_95 : i32
      %scan3A_184 = arith.constant 0 : i32
      %scan3A_185 = arith.constant 0 : i32
      %scan3A_186 = arith.constant 32 : i32
      %scan3A_187 = arith.addi %scan3A_185, %scan3A_186 : i32
      %scan3A_188 = arith.constant 1 : i32
      %scan3A_189 = scf.for %scan3A_292 = %scan3A_185 to %scan3A_187 step %scan3A_188 iter_args(%scan3A_293 = %scan3A_184) -> (i32)  : i32 {
        %mul3A_294 = arith.constant 16 : i32
        %mul3A_295 = arith.muli %scan3A_292, %mul3A_294 : i32
        %get3A = arith.index_cast %mul3A_295 : i32 to index
        %get3A_296 = tpu.vector_load %arg5[%get3A] {strides = array<i32>} : memref<512xf32, #tpu.memory_space<vmem>>, vector<16xf32>,
        %get3A_297 = vector.shape_cast %get3A_296 : vector<16xf32> to vector<16xf32>
        %mul3A_298 = arith.constant 16 : i32
        %mul3A_299 = arith.muli %scan3A_292, %mul3A_298 : i32
        %add3A_300 = arith.constant 0 : i32
        %add3A_301 = arith.addi %mul3A_299, %add3A_300 : i32
        %broadcast_in_dim3A = arith.constant 0 : i32
        %broadcast_in_dim3A_302 = vector.broadcast %broadcast_in_dim3A : i32 to vector<16x1xi32>
        %gather3A = vector.shape_cast %broadcast_in_dim3A_302 : vector<16x1xi32> to vector<16xi32>
        %gather3A_303 = tpu.dynamic_gather %get3A_297[%gather3A] in [0] : vector<16xf32>, vector<16xi32> -> vector<16xf32>
        %get3A_304 = arith.index_cast %add3A_301 : i32 to index
        %get3A_305 = arith.constant 0 : index
        %get3A_306 = tpu.vector_load %arg11[%get3A_304, %get3A_305] {strides = array<i32>} : memref<512x32xf32, #tpu.memory_space<vmem>>, vector<1x16xf32>,
        %get3A_307 = vector.shape_cast %get3A_306 : vector<1x16xf32> to vector<16xf32>
        %get3A_308 = arith.index_cast %add3A_301 : i32 to index
        %get3A_309 = arith.constant 0 : index
        %get3A_310 = tpu.vector_load %arg12[%get3A_308, %get3A_309] {strides = array<i32>} : memref<512x32xf32, #tpu.memory_space<vmem>>, vector<1x16xf32>,
        %get3A_311 = vector.shape_cast %get3A_310 : vector<1x16xf32> to vector<16xf32>
        %sub3A = arith.subf %get3A_311, %get3A_307 : vector<16xf32>
        %mul3A_312 = arith.mulf %gather3A_303, %sub3A : vector<16xf32>
        %add3A_313 = arith.addf %get3A_307, %mul3A_312 : vector<16xf32>
        %swap3A = arith.constant 0 : i32
        %swap3A_314 = arith.index_cast %add3A_301 : i32 to index
        %swap3A_315 = arith.index_cast %swap3A : i32 to index
        %swap3A_316 = arith.constant 0 : index
        %swap3A_317 = tpu.vector_load %arg15[%swap3A_314, %swap3A_315, %swap3A_316] {strides = array<i32>} : memref<512x1x32xf32, #tpu.memory_space<vmem>>, vector<1x1x16xf32>,
        %swap3A_318 = vector.shape_cast %swap3A_317 : vector<1x1x16xf32> to vector<16xf32>
        %swap3A_319 = vector.shape_cast %add3A_313 : vector<16xf32> to vector<1x1x16xf32>
        tpu.vector_store %arg15[%swap3A_314, %swap3A_315, %swap3A_316], %swap3A_319 {strides = array<i32>} : memref<512x1x32xf32, #tpu.memory_space<vmem>>, vector<1x1x16xf32>,
        %get3A_320 = arith.index_cast %add3A_301 : i32 to index
        %get3A_321 = arith.constant 16 : index
        %get3A_322 = tpu.vector_load %arg11[%get3A_320, %get3A_321] {strides = array<i32>} : memref<512x32xf32, #tpu.memory_space<vmem>>, vector<1x16xf32>,
        %get3A_323 = vector.shape_cast %get3A_322 : vector<1x16xf32> to vector<16xf32>
        %get3A_324 = arith.index_cast %add3A_301 : i32 to index
        %get3A_325 = arith.constant 16 : index
        %get3A_326 = tpu.vector_load %arg12[%get3A_324, %get3A_325] {strides = array<i32>} : memref<512x32xf32, #tpu.memory_space<vmem>>, vector<1x16xf32>,
        %get3A_327 = vector.shape_cast %get3A_326 : vector<1x16xf32> to vector<16xf32>
        %sub3A_328 = arith.subf %get3A_327, %get3A_323 : vector<16xf32>
        %mul3A_329 = arith.mulf %gather3A_303, %sub3A_328 : vector<16xf32>
        %add3A_330 = arith.addf %get3A_323, %mul3A_329 : vector<16xf32>
        %swap3A_331 = arith.constant 0 : i32
        %swap3A_332 = arith.index_cast %add3A_301 : i32 to index
        %swap3A_333 = arith.index_cast %swap3A_331 : i32 to index
        %swap3A_334 = arith.constant 16 : index
        %swap3A_335 = tpu.vector_load %arg15[%swap3A_332, %swap3A_333, %swap3A_334] {strides = array<i32>} : memref<512x1x32xf32, #tpu.memory_space<vmem>>, vector<1x1x16xf32>,
        %swap3A_336 = vector.shape_cast %swap3A_335 : vector<1x1x16xf32> to vector<16xf32>
        %swap3A_337 = vector.shape_cast %add3A_330 : vector<16xf32> to vector<1x1x16xf32>
        tpu.vector_store %arg15[%swap3A_332, %swap3A_333, %swap3A_334], %swap3A_337 {strides = array<i32>} : memref<512x1x32xf32, #tpu.memory_space<vmem>>, vector<1x1x16xf32>,
        %mul3A_338 = arith.constant 16 : i32
        %mul3A_339 = arith.muli %scan3A_292, %mul3A_338 : i32
        %add3A_340 = arith.constant 1 : i32
        %add3A_341 = arith.addi %mul3A_339, %add3A_340 : i32
        %broadcast_in_dim3A_342 = arith.constant 1 : i32
        %broadcast_in_dim3A_343 = vector.broadcast %broadcast_in_dim3A_342 : i32 to vector<16x1xi32>
        %gather3A_344 = vector.shape_cast %broadcast_in_dim3A_343 : vector<16x1xi32> to vector<16xi32>
        %gather3A_345 = tpu.dynamic_gather %get3A_297[%gather3A_344] in [0] : vector<16xf32>, vector<16xi32> -> vector<16xf32>
        %get3A_346 = arith.index_cast %add3A_341 : i32 to index
        %get3A_347 = arith.constant 0 : index
        %get3A_348 = tpu.vector_load %arg11[%get3A_346, %get3A_347] {strides = array<i32>} : memref<512x32xf32, #tpu.memory_space<vmem>>, vector<1x16xf32>,
        %get3A_349 = vector.shape_cast %get3A_348 : vector<1x16xf32> to vector<16xf32>
        %get3A_350 = arith.index_cast %add3A_341 : i32 to index
        %get3A_351 = arith.constant 0 : index
        %get3A_352 = tpu.vector_load %arg12[%get3A_350, %get3A_351] {strides = array<i32>} : memref<512x32xf32, #tpu.memory_space<vmem>>, vector<1x16xf32>,
        %get3A_353 = vector.shape_cast %get3A_352 : vector<1x16xf32> to vector<16xf32>
        %sub3A_354 = arith.subf %get3A_353, %get3A_349 : vector<16xf32>
        %mul3A_355 = arith.mulf %gather3A_345, %sub3A_354 : vector<16xf32>
        %add3A_356 = arith.addf %get3A_349, %mul3A_355 : vector<16xf32>
        %swap3A_357 = arith.constant 0 : i32
        %swap3A_358 = arith.index_cast %add3A_341 : i32 to index
        %swap3A_359 = arith.index_cast %swap3A_357 : i32 to index
        %swap3A_360 = arith.constant 0 : index
        %swap3A_361 = tpu.vector_load %arg15[%swap3A_358, %swap3A_359, %swap3A_360] {strides = array<i32>} : memref<512x1x32xf32, #tpu.memory_space<vmem>>, vector<1x1x16xf32>,
        %swap3A_362 = vector.shape_cast %swap3A_361 : vector<1x1x16xf32> to vector<16xf32>
        %swap3A_363 = vector.shape_cast %add3A_356 : vector<16xf32> to vector<1x1x16xf32>
        tpu.vector_store %arg15[%swap3A_358, %swap3A_359, %swap3A_360], %swap3A_363 {strides = array<i32>} : memref<512x1x32xf32, #tpu.memory_space<vmem>>, vector<1x1x16xf32>,
        %get3A_364 = arith.index_cast %add3A_341 : i32 to index
        %get3A_365 = arith.constant 16 : index
        %get3A_366 = tpu.vector_load %arg11[%get3A_364, %get3A_365] {strides = array<i32>} : memref<512x32xf32, #tpu.memory_space<vmem>>, vector<1x16xf32>,
        %get3A_367 = vector.shape_cast %get3A_366 : vector<1x16xf32> to vector<16xf32>
        %get3A_368 = arith.index_cast %add3A_341 : i32 to index
        %get3A_369 = arith.constant 16 : index
        %get3A_370 = tpu.vector_load %arg12[%get3A_368, %get3A_369] {strides = array<i32>} : memref<512x32xf32, #tpu.memory_space<vmem>>, vector<1x16xf32>,
        %get3A_371 = vector.shape_cast %get3A_370 : vector<1x16xf32> to vector<16xf32>
        %sub3A_372 = arith.subf %get3A_371, %get3A_367 : vector<16xf32>
        %mul3A_373 = arith.mulf %gather3A_345, %sub3A_372 : vector<16xf32>
        %add3A_374 = arith.addf %get3A_367, %mul3A_373 : vector<16xf32>
        %swap3A_375 = arith.constant 0 : i32
        %swap3A_376 = arith.index_cast %add3A_341 : i32 to index
        %swap3A_377 = arith.index_cast %swap3A_375 : i32 to index
        %swap3A_378 = arith.constant 16 : index
        %swap3A_379 = tpu.vector_load %arg15[%swap3A_376, %swap3A_377, %swap3A_378] {strides = array<i32>} : memref<512x1x32xf32, #tpu.memory_space<vmem>>, vector<1x1x16xf32>,
        %swap3A_380 = vector.shape_cast %swap3A_379 : vector<1x1x16xf32> to vector<16xf32>
        %swap3A_381 = vector.shape_cast %add3A_374 : vector<16xf32> to vector<1x1x16xf32>
        tpu.vector_store %arg15[%swap3A_376, %swap3A_377, %swap3A_378], %swap3A_381 {strides = array<i32>} : memref<512x1x32xf32, #tpu.memory_space<vmem>>, vector<1x1x16xf32>,
        %mul3A_382 = arith.constant 16 : i32
        %mul3A_383 = arith.muli %scan3A_292, %mul3A_382 : i32
        %add3A_384 = arith.constant 2 : i32
        %add3A_385 = arith.addi %mul3A_383, %add3A_384 : i32
        %broadcast_in_dim3A_386 = arith.constant 2 : i32
        %broadcast_in_dim3A_387 = vector.broadcast %broadcast_in_dim3A_386 : i32 to vector<16x1xi32>
        %gather3A_388 = vector.shape_cast %broadcast_in_dim3A_387 : vector<16x1xi32> to vector<16xi32>
        %gather3A_389 = tpu.dynamic_gather %get3A_297[%gather3A_388] in [0] : vector<16xf32>, vector<16xi32> -> vector<16xf32>
        %get3A_390 = arith.index_cast %add3A_385 : i32 to index
        %get3A_391 = arith.constant 0 : index
        %get3A_392 = tpu.vector_load %arg11[%get3A_390, %get3A_391] {strides = array<i32>} : memref<512x32xf32, #tpu.memory_space<vmem>>, vector<1x16xf32>,
        %get3A_393 = vector.shape_cast %get3A_392 : vector<1x16xf32> to vector<16xf32>
        %get3A_394 = arith.index_cast %add3A_385 : i32 to index
        %get3A_395 = arith.constant 0 : index
        %get3A_396 = tpu.vector_load %arg12[%get3A_394, %get3A_395] {strides = array<i32>} : memref<512x32xf32, #tpu.memory_space<vmem>>, vector<1x16xf32>,
        %get3A_397 = vector.shape_cast %get3A_396 : vector<1x16xf32> to vector<16xf32>
        %sub3A_398 = arith.subf %get3A_397, %get3A_393 : vector<16xf32>
        %mul3A_399 = arith.mulf %gather3A_389, %sub3A_398 : vector<16xf32>
        %add3A_400 = arith.addf %get3A_393, %mul3A_399 : vector<16xf32>
        %swap3A_401 = arith.constant 0 : i32
        %swap3A_402 = arith.index_cast %add3A_385 : i32 to index
        %swap3A_403 = arith.index_cast %swap3A_401 : i32 to index
        %swap3A_404 = arith.constant 0 : index
        %swap3A_405 = tpu.vector_load %arg15[%swap3A_402, %swap3A_403, %swap3A_404] {strides = array<i32>} : memref<512x1x32xf32, #tpu.memory_space<vmem>>, vector<1x1x16xf32>,
        %swap3A_406 = vector.shape_cast %swap3A_405 : vector<1x1x16xf32> to vector<16xf32>
        %swap3A_407 = vector.shape_cast %add3A_400 : vector<16xf32> to vector<1x1x16xf32>
        tpu.vector_store %arg15[%swap3A_402, %swap3A_403, %swap3A_404], %swap3A_407 {strides = array<i32>} : memref<512x1x32xf32, #tpu.memory_space<vmem>>, vector<1x1x16xf32>,
        %get3A_408 = arith.index_cast %add3A_385 : i32 to index
        %get3A_409 = arith.constant 16 : index
        %get3A_410 = tpu.vector_load %arg11[%get3A_408, %get3A_409] {strides = array<i32>} : memref<512x32xf32, #tpu.memory_space<vmem>>, vector<1x16xf32>,
        %get3A_411 = vector.shape_cast %get3A_410 : vector<1x16xf32> to vector<16xf32>
        %get3A_412 = arith.index_cast %add3A_385 : i32 to index
        %get3A_413 = arith.constant 16 : index
        %get3A_414 = tpu.vector_load %arg12[%get3A_412, %get3A_413] {strides = array<i32>} : memref<512x32xf32, #tpu.memory_space<vmem>>, vector<1x16xf32>,
        %get3A_415 = vector.shape_cast %get3A_414 : vector<1x16xf32> to vector<16xf32>
        %sub3A_416 = arith.subf %get3A_415, %get3A_411 : vector<16xf32>
        %mul3A_417 = arith.mulf %gather3A_389, %sub3A_416 : vector<16xf32>
        %add3A_418 = arith.addf %get3A_411, %mul3A_417 : vector<16xf32>
        %swap3A_419 = arith.constant 0 : i32
        %swap3A_420 = arith.index_cast %add3A_385 : i32 to index
        %swap3A_421 = arith.index_cast %swap3A_419 : i32 to index
        %swap3A_422 = arith.constant 16 : index
        %swap3A_423 = tpu.vector_load %arg15[%swap3A_420, %swap3A_421, %swap3A_422] {strides = array<i32>} : memref<512x1x32xf32, #tpu.memory_space<vmem>>, vector<1x1x16xf32>,
        %swap3A_424 = vector.shape_cast %swap3A_423 : vector<1x1x16xf32> to vector<16xf32>
        %swap3A_425 = vector.shape_cast %add3A_418 : vector<16xf32> to vector<1x1x16xf32>
        tpu.vector_store %arg15[%swap3A_420, %swap3A_421, %swap3A_422], %swap3A_425 {strides = array<i32>} : memref<512x1x32xf32, #tpu.memory_space<vmem>>, vector<1x1x16xf32>,
        %mul3A_426 = arith.constant 16 : i32
        %mul3A_427 = arith.muli %scan3A_292, %mul3A_426 : i32
        %add3A_428 = arith.constant 3 : i32
        %add3A_429 = arith.addi %mul3A_427, %add3A_428 : i32
        %broadcast_in_dim3A_430 = arith.constant 3 : i32
        %broadcast_in_dim3A_431 = vector.broadcast %broadcast_in_dim3A_430 : i32 to vector<16x1xi32>
        %gather3A_432 = vector.shape_cast %broadcast_in_dim3A_431 : vector<16x1xi32> to vector<16xi32>
        %gather3A_433 = tpu.dynamic_gather %get3A_297[%gather3A_432] in [0] : vector<16xf32>, vector<16xi32> -> vector<16xf32>
        %get3A_434 = arith.index_cast %add3A_429 : i32 to index
        %get3A_435 = arith.constant 0 : index
        %get3A_436 = tpu.vector_load %arg11[%get3A_434, %get3A_435] {strides = array<i32>} : memref<512x32xf32, #tpu.memory_space<vmem>>, vector<1x16xf32>,
        %get3A_437 = vector.shape_cast %get3A_436 : vector<1x16xf32> to vector<16xf32>
        %get3A_438 = arith.index_cast %add3A_429 : i32 to index
        %get3A_439 = arith.constant 0 : index
        %get3A_440 = tpu.vector_load %arg12[%get3A_438, %get3A_439] {strides = array<i32>} : memref<512x32xf32, #tpu.memory_space<vmem>>, vector<1x16xf32>,
        %get3A_441 = vector.shape_cast %get3A_440 : vector<1x16xf32> to vector<16xf32>
        %sub3A_442 = arith.subf %get3A_441, %get3A_437 : vector<16xf32>
        %mul3A_443 = arith.mulf %gather3A_433, %sub3A_442 : vector<16xf32>
        %add3A_444 = arith.addf %get3A_437, %mul3A_443 : vector<16xf32>
        %swap3A_445 = arith.constant 0 : i32
        %swap3A_446 = arith.index_cast %add3A_429 : i32 to index
        %swap3A_447 = arith.index_cast %swap3A_445 : i32 to index
        %swap3A_448 = arith.constant 0 : index
        %swap3A_449 = tpu.vector_load %arg15[%swap3A_446, %swap3A_447, %swap3A_448] {strides = array<i32>} : memref<512x1x32xf32, #tpu.memory_space<vmem>>, vector<1x1x16xf32>,
        %swap3A_450 = vector.shape_cast %swap3A_449 : vector<1x1x16xf32> to vector<16xf32>
        %swap3A_451 = vector.shape_cast %add3A_444 : vector<16xf32> to vector<1x1x16xf32>
        tpu.vector_store %arg15[%swap3A_446, %swap3A_447, %swap3A_448], %swap3A_451 {strides = array<i32>} : memref<512x1x32xf32, #tpu.memory_space<vmem>>, vector<1x1x16xf32>,
        %get3A_452 = arith.index_cast %add3A_429 : i32 to index
        %get3A_453 = arith.constant 16 : index
        %get3A_454 = tpu.vector_load %arg11[%get3A_452, %get3A_453] {strides = array<i32>} : memref<512x32xf32, #tpu.memory_space<vmem>>, vector<1x16xf32>,
        %get3A_455 = vector.shape_cast %get3A_454 : vector<1x16xf32> to vector<16xf32>
        %get3A_456 = arith.index_cast %add3A_429 : i32 to index
        %get3A_457 = arith.constant 16 : index
        %get3A_458 = tpu.vector_load %arg12[%get3A_456, %get3A_457] {strides = array<i32>} : memref<512x32xf32, #tpu.memory_space<vmem>>, vector<1x16xf32>,
        %get3A_459 = vector.shape_cast %get3A_458 : vector<1x16xf32> to vector<16xf32>
        %sub3A_460 = arith.subf %get3A_459, %get3A_455 : vector<16xf32>
        %mul3A_461 = arith.mulf %gather3A_433, %sub3A_460 : vector<16xf32>
        %add3A_462 = arith.addf %get3A_455, %mul3A_461 : vector<16xf32>
        %swap3A_463 = arith.constant 0 : i32
        %swap3A_464 = arith.index_cast %add3A_429 : i32 to index
        %swap3A_465 = arith.index_cast %swap3A_463 : i32 to index
        %swap3A_466 = arith.constant 16 : index
        %swap3A_467 = tpu.vector_load %arg15[%swap3A_464, %swap3A_465, %swap3A_466] {strides = array<i32>} : memref<512x1x32xf32, #tpu.memory_space<vmem>>, vector<1x1x16xf32>,
        %swap3A_468 = vector.shape_cast %swap3A_467 : vector<1x1x16xf32> to vector<16xf32>
        %swap3A_469 = vector.shape_cast %add3A_462 : vector<16xf32> to vector<1x1x16xf32>
        tpu.vector_store %arg15[%swap3A_464, %swap3A_465, %swap3A_466], %swap3A_469 {strides = array<i32>} : memref<512x1x32xf32, #tpu.memory_space<vmem>>, vector<1x1x16xf32>,
        %mul3A_470 = arith.constant 16 : i32
        %mul3A_471 = arith.muli %scan3A_292, %mul3A_470 : i32
        %add3A_472 = arith.constant 4 : i32
        %add3A_473 = arith.addi %mul3A_471, %add3A_472 : i32
        %broadcast_in_dim3A_474 = arith.constant 4 : i32
        %broadcast_in_dim3A_475 = vector.broadcast %broadcast_in_dim3A_474 : i32 to vector<16x1xi32>
        %gather3A_476 = vector.shape_cast %broadcast_in_dim3A_475 : vector<16x1xi32> to vector<16xi32>
        %gather3A_477 = tpu.dynamic_gather %get3A_297[%gather3A_476] in [0] : vector<16xf32>, vector<16xi32> -> vector<16xf32>
        %get3A_478 = arith.index_cast %add3A_473 : i32 to index
        %get3A_479 = arith.constant 0 : index
        %get3A_480 = tpu.vector_load %arg11[%get3A_478, %get3A_479] {strides = array<i32>} : memref<512x32xf32, #tpu.memory_space<vmem>>, vector<1x16xf32>,
        %get3A_481 = vector.shape_cast %get3A_480 : vector<1x16xf32> to vector<16xf32>
        %get3A_482 = arith.index_cast %add3A_473 : i32 to index
        %get3A_483 = arith.constant 0 : index
        %get3A_484 = tpu.vector_load %arg12[%get3A_482, %get3A_483] {strides = array<i32>} : memref<512x32xf32, #tpu.memory_space<vmem>>, vector<1x16xf32>,
        %get3A_485 = vector.shape_cast %get3A_484 : vector<1x16xf32> to vector<16xf32>
        %sub3A_486 = arith.subf %get3A_485, %get3A_481 : vector<16xf32>
        %mul3A_487 = arith.mulf %gather3A_477, %sub3A_486 : vector<16xf32>
        %add3A_488 = arith.addf %get3A_481, %mul3A_487 : vector<16xf32>
        %swap3A_489 = arith.constant 0 : i32
        %swap3A_490 = arith.index_cast %add3A_473 : i32 to index
        %swap3A_491 = arith.index_cast %swap3A_489 : i32 to index
        %swap3A_492 = arith.constant 0 : index
        %swap3A_493 = tpu.vector_load %arg15[%swap3A_490, %swap3A_491, %swap3A_492] {strides = array<i32>} : memref<512x1x32xf32, #tpu.memory_space<vmem>>, vector<1x1x16xf32>,
        %swap3A_494 = vector.shape_cast %swap3A_493 : vector<1x1x16xf32> to vector<16xf32>
        %swap3A_495 = vector.shape_cast %add3A_488 : vector<16xf32> to vector<1x1x16xf32>
        tpu.vector_store %arg15[%swap3A_490, %swap3A_491, %swap3A_492], %swap3A_495 {strides = array<i32>} : memref<512x1x32xf32, #tpu.memory_space<vmem>>, vector<1x1x16xf32>,
        %get3A_496 = arith.index_cast %add3A_473 : i32 to index
        %get3A_497 = arith.constant 16 : index
        %get3A_498 = tpu.vector_load %arg11[%get3A_496, %get3A_497] {strides = array<i32>} : memref<512x32xf32, #tpu.memory_space<vmem>>, vector<1x16xf32>,
        %get3A_499 = vector.shape_cast %get3A_498 : vector<1x16xf32> to vector<16xf32>
        %get3A_500 = arith.index_cast %add3A_473 : i32 to index
        %get3A_501 = arith.constant 16 : index
        %get3A_502 = tpu.vector_load %arg12[%get3A_500, %get3A_501] {strides = array<i32>} : memref<512x32xf32, #tpu.memory_space<vmem>>, vector<1x16xf32>,
        %get3A_503 = vector.shape_cast %get3A_502 : vector<1x16xf32> to vector<16xf32>
        %sub3A_504 = arith.subf %get3A_503, %get3A_499 : vector<16xf32>
        %mul3A_505 = arith.mulf %gather3A_477, %sub3A_504 : vector<16xf32>
        %add3A_506 = arith.addf %get3A_499, %mul3A_505 : vector<16xf32>
        %swap3A_507 = arith.constant 0 : i32
        %swap3A_508 = arith.index_cast %add3A_473 : i32 to index
        %swap3A_509 = arith.index_cast %swap3A_507 : i32 to index
        %swap3A_510 = arith.constant 16 : index
        %swap3A_511 = tpu.vector_load %arg15[%swap3A_508, %swap3A_509, %swap3A_510] {strides = array<i32>} : memref<512x1x32xf32, #tpu.memory_space<vmem>>, vector<1x1x16xf32>,
        %swap3A_512 = vector.shape_cast %swap3A_511 : vector<1x1x16xf32> to vector<16xf32>
        %swap3A_513 = vector.shape_cast %add3A_506 : vector<16xf32> to vector<1x1x16xf32>
        tpu.vector_store %arg15[%swap3A_508, %swap3A_509, %swap3A_510], %swap3A_513 {strides = array<i32>} : memref<512x1x32xf32, #tpu.memory_space<vmem>>, vector<1x1x16xf32>,
        %mul3A_514 = arith.constant 16 : i32
        %mul3A_515 = arith.muli %scan3A_292, %mul3A_514 : i32
        %add3A_516 = arith.constant 5 : i32
        %add3A_517 = arith.addi %mul3A_515, %add3A_516 : i32
        %broadcast_in_dim3A_518 = arith.constant 5 : i32
        %broadcast_in_dim3A_519 = vector.broadcast %broadcast_in_dim3A_518 : i32 to vector<16x1xi32>
        %gather3A_520 = vector.shape_cast %broadcast_in_dim3A_519 : vector<16x1xi32> to vector<16xi32>
        %gather3A_521 = tpu.dynamic_gather %get3A_297[%gather3A_520] in [0] : vector<16xf32>, vector<16xi32> -> vector<16xf32>
        %get3A_522 = arith.index_cast %add3A_517 : i32 to index
        %get3A_523 = arith.constant 0 : index
        %get3A_524 = tpu.vector_load %arg11[%get3A_522, %get3A_523] {strides = array<i32>} : memref<512x32xf32, #tpu.memory_space<vmem>>, vector<1x16xf32>,
        %get3A_525 = vector.shape_cast %get3A_524 : vector<1x16xf32> to vector<16xf32>
        %get3A_526 = arith.index_cast %add3A_517 : i32 to index
        %get3A_527 = arith.constant 0 : index
        %get3A_528 = tpu.vector_load %arg12[%get3A_526, %get3A_527] {strides = array<i32>} : memref<512x32xf32, #tpu.memory_space<vmem>>, vector<1x16xf32>,
        %get3A_529 = vector.shape_cast %get3A_528 : vector<1x16xf32> to vector<16xf32>
        %sub3A_530 = arith.subf %get3A_529, %get3A_525 : vector<16xf32>
        %mul3A_531 = arith.mulf %gather3A_521, %sub3A_530 : vector<16xf32>
        %add3A_532 = arith.addf %get3A_525, %mul3A_531 : vector<16xf32>
        %swap3A_533 = arith.constant 0 : i32
        %swap3A_534 = arith.index_cast %add3A_517 : i32 to index
        %swap3A_535 = arith.index_cast %swap3A_533 : i32 to index
        %swap3A_536 = arith.constant 0 : index
        %swap3A_537 = tpu.vector_load %arg15[%swap3A_534, %swap3A_535, %swap3A_536] {strides = array<i32>} : memref<512x1x32xf32, #tpu.memory_space<vmem>>, vector<1x1x16xf32>,
        %swap3A_538 = vector.shape_cast %swap3A_537 : vector<1x1x16xf32> to vector<16xf32>
        %swap3A_539 = vector.shape_cast %add3A_532 : vector<16xf32> to vector<1x1x16xf32>
        tpu.vector_store %arg15[%swap3A_534, %swap3A_535, %swap3A_536], %swap3A_539 {strides = array<i32>} : memref<512x1x32xf32, #tpu.memory_space<vmem>>, vector<1x1x16xf32>,
        %get3A_540 = arith.index_cast %add3A_517 : i32 to index
        %get3A_541 = arith.constant 16 : index
        %get3A_542 = tpu.vector_load %arg11[%get3A_540, %get3A_541] {strides = array<i32>} : memref<512x32xf32, #tpu.memory_space<vmem>>, vector<1x16xf32>,
        %get3A_543 = vector.shape_cast %get3A_542 : vector<1x16xf32> to vector<16xf32>
        %get3A_544 = arith.index_cast %add3A_517 : i32 to index
        %get3A_545 = arith.constant 16 : index
        %get3A_546 = tpu.vector_load %arg12[%get3A_544, %get3A_545] {strides = array<i32>} : memref<512x32xf32, #tpu.memory_space<vmem>>, vector<1x16xf32>,
        %get3A_547 = vector.shape_cast %get3A_546 : vector<1x16xf32> to vector<16xf32>
        %sub3A_548 = arith.subf %get3A_547, %get3A_543 : vector<16xf32>
        %mul3A_549 = arith.mulf %gather3A_521, %sub3A_548 : vector<16xf32>
        %add3A_550 = arith.addf %get3A_543, %mul3A_549 : vector<16xf32>
        %swap3A_551 = arith.constant 0 : i32
        %swap3A_552 = arith.index_cast %add3A_517 : i32 to index
        %swap3A_553 = arith.index_cast %swap3A_551 : i32 to index
        %swap3A_554 = arith.constant 16 : index
        %swap3A_555 = tpu.vector_load %arg15[%swap3A_552, %swap3A_553, %swap3A_554] {strides = array<i32>} : memref<512x1x32xf32, #tpu.memory_space<vmem>>, vector<1x1x16xf32>,
        %swap3A_556 = vector.shape_cast %swap3A_555 : vector<1x1x16xf32> to vector<16xf32>
        %swap3A_557 = vector.shape_cast %add3A_550 : vector<16xf32> to vector<1x1x16xf32>
        tpu.vector_store %arg15[%swap3A_552, %swap3A_553, %swap3A_554], %swap3A_557 {strides = array<i32>} : memref<512x1x32xf32, #tpu.memory_space<vmem>>, vector<1x1x16xf32>,
        %mul3A_558 = arith.constant 16 : i32
        %mul3A_559 = arith.muli %scan3A_292, %mul3A_558 : i32
        %add3A_560 = arith.constant 6 : i32
        %add3A_561 = arith.addi %mul3A_559, %add3A_560 : i32
        %broadcast_in_dim3A_562 = arith.constant 6 : i32
        %broadcast_in_dim3A_563 = vector.broadcast %broadcast_in_dim3A_562 : i32 to vector<16x1xi32>
        %gather3A_564 = vector.shape_cast %broadcast_in_dim3A_563 : vector<16x1xi32> to vector<16xi32>
        %gather3A_565 = tpu.dynamic_gather %get3A_297[%gather3A_564] in [0] : vector<16xf32>, vector<16xi32> -> vector<16xf32>
        %get3A_566 = arith.index_cast %add3A_561 : i32 to index
        %get3A_567 = arith.constant 0 : index
        %get3A_568 = tpu.vector_load %arg11[%get3A_566, %get3A_567] {strides = array<i32>} : memref<512x32xf32, #tpu.memory_space<vmem>>, vector<1x16xf32>,
        %get3A_569 = vector.shape_cast %get3A_568 : vector<1x16xf32> to vector<16xf32>
        %get3A_570 = arith.index_cast %add3A_561 : i32 to index
        %get3A_571 = arith.constant 0 : index
        %get3A_572 = tpu.vector_load %arg12[%get3A_570, %get3A_571] {strides = array<i32>} : memref<512x32xf32, #tpu.memory_space<vmem>>, vector<1x16xf32>,
        %get3A_573 = vector.shape_cast %get3A_572 : vector<1x16xf32> to vector<16xf32>
        %sub3A_574 = arith.subf %get3A_573, %get3A_569 : vector<16xf32>
        %mul3A_575 = arith.mulf %gather3A_565, %sub3A_574 : vector<16xf32>
        %add3A_576 = arith.addf %get3A_569, %mul3A_575 : vector<16xf32>
        %swap3A_577 = arith.constant 0 : i32
        %swap3A_578 = arith.index_cast %add3A_561 : i32 to index
        %swap3A_579 = arith.index_cast %swap3A_577 : i32 to index
        %swap3A_580 = arith.constant 0 : index
        %swap3A_581 = tpu.vector_load %arg15[%swap3A_578, %swap3A_579, %swap3A_580] {strides = array<i32>} : memref<512x1x32xf32, #tpu.memory_space<vmem>>, vector<1x1x16xf32>,
        %swap3A_582 = vector.shape_cast %swap3A_581 : vector<1x1x16xf32> to vector<16xf32>
        %swap3A_583 = vector.shape_cast %add3A_576 : vector<16xf32> to vector<1x1x16xf32>
        tpu.vector_store %arg15[%swap3A_578, %swap3A_579, %swap3A_580], %swap3A_583 {strides = array<i32>} : memref<512x1x32xf32, #tpu.memory_space<vmem>>, vector<1x1x16xf32>,
        %get3A_584 = arith.index_cast %add3A_561 : i32 to index
        %get3A_585 = arith.constant 16 : index
        %get3A_586 = tpu.vector_load %arg11[%get3A_584, %get3A_585] {strides = array<i32>} : memref<512x32xf32, #tpu.memory_space<vmem>>, vector<1x16xf32>,
        %get3A_587 = vector.shape_cast %get3A_586 : vector<1x16xf32> to vector<16xf32>
        %get3A_588 = arith.index_cast %add3A_561 : i32 to index
        %get3A_589 = arith.constant 16 : index
        %get3A_590 = tpu.vector_load %arg12[%get3A_588, %get3A_589] {strides = array<i32>} : memref<512x32xf32, #tpu.memory_space<vmem>>, vector<1x16xf32>,
        %get3A_591 = vector.shape_cast %get3A_590 : vector<1x16xf32> to vector<16xf32>
        %sub3A_592 = arith.subf %get3A_591, %get3A_587 : vector<16xf32>
        %mul3A_593 = arith.mulf %gather3A_565, %sub3A_592 : vector<16xf32>
        %add3A_594 = arith.addf %get3A_587, %mul3A_593 : vector<16xf32>
        %swap3A_595 = arith.constant 0 : i32
        %swap3A_596 = arith.index_cast %add3A_561 : i32 to index
        %swap3A_597 = arith.index_cast %swap3A_595 : i32 to index
        %swap3A_598 = arith.constant 16 : index
        %swap3A_599 = tpu.vector_load %arg15[%swap3A_596, %swap3A_597, %swap3A_598] {strides = array<i32>} : memref<512x1x32xf32, #tpu.memory_space<vmem>>, vector<1x1x16xf32>,
        %swap3A_600 = vector.shape_cast %swap3A_599 : vector<1x1x16xf32> to vector<16xf32>
        %swap3A_601 = vector.shape_cast %add3A_594 : vector<16xf32> to vector<1x1x16xf32>
        tpu.vector_store %arg15[%swap3A_596, %swap3A_597, %swap3A_598], %swap3A_601 {strides = array<i32>} : memref<512x1x32xf32, #tpu.memory_space<vmem>>, vector<1x1x16xf32>,
        %mul3A_602 = arith.constant 16 : i32
        %mul3A_603 = arith.muli %scan3A_292, %mul3A_602 : i32
        %add3A_604 = arith.constant 7 : i32
        %add3A_605 = arith.addi %mul3A_603, %add3A_604 : i32
        %broadcast_in_dim3A_606 = arith.constant 7 : i32
        %broadcast_in_dim3A_607 = vector.broadcast %broadcast_in_dim3A_606 : i32 to vector<16x1xi32>
        %gather3A_608 = vector.shape_cast %broadcast_in_dim3A_607 : vector<16x1xi32> to vector<16xi32>
        %gather3A_609 = tpu.dynamic_gather %get3A_297[%gather3A_608] in [0] : vector<16xf32>, vector<16xi32> -> vector<16xf32>
        %get3A_610 = arith.index_cast %add3A_605 : i32 to index
        %get3A_611 = arith.constant 0 : index
        %get3A_612 = tpu.vector_load %arg11[%get3A_610, %get3A_611] {strides = array<i32>} : memref<512x32xf32, #tpu.memory_space<vmem>>, vector<1x16xf32>,
        %get3A_613 = vector.shape_cast %get3A_612 : vector<1x16xf32> to vector<16xf32>
        %get3A_614 = arith.index_cast %add3A_605 : i32 to index
        %get3A_615 = arith.constant 0 : index
        %get3A_616 = tpu.vector_load %arg12[%get3A_614, %get3A_615] {strides = array<i32>} : memref<512x32xf32, #tpu.memory_space<vmem>>, vector<1x16xf32>,
        %get3A_617 = vector.shape_cast %get3A_616 : vector<1x16xf32> to vector<16xf32>
        %sub3A_618 = arith.subf %get3A_617, %get3A_613 : vector<16xf32>
        %mul3A_619 = arith.mulf %gather3A_609, %sub3A_618 : vector<16xf32>
        %add3A_620 = arith.addf %get3A_613, %mul3A_619 : vector<16xf32>
        %swap3A_621 = arith.constant 0 : i32
        %swap3A_622 = arith.index_cast %add3A_605 : i32 to index
        %swap3A_623 = arith.index_cast %swap3A_621 : i32 to index
        %swap3A_624 = arith.constant 0 : index
        %swap3A_625 = tpu.vector_load %arg15[%swap3A_622, %swap3A_623, %swap3A_624] {strides = array<i32>} : memref<512x1x32xf32, #tpu.memory_space<vmem>>, vector<1x1x16xf32>,
        %swap3A_626 = vector.shape_cast %swap3A_625 : vector<1x1x16xf32> to vector<16xf32>
        %swap3A_627 = vector.shape_cast %add3A_620 : vector<16xf32> to vector<1x1x16xf32>
        tpu.vector_store %arg15[%swap3A_622, %swap3A_623, %swap3A_624], %swap3A_627 {strides = array<i32>} : memref<512x1x32xf32, #tpu.memory_space<vmem>>, vector<1x1x16xf32>,
        %get3A_628 = arith.index_cast %add3A_605 : i32 to index
        %get3A_629 = arith.constant 16 : index
        %get3A_630 = tpu.vector_load %arg11[%get3A_628, %get3A_629] {strides = array<i32>} : memref<512x32xf32, #tpu.memory_space<vmem>>, vector<1x16xf32>,
        %get3A_631 = vector.shape_cast %get3A_630 : vector<1x16xf32> to vector<16xf32>
        %get3A_632 = arith.index_cast %add3A_605 : i32 to index
        %get3A_633 = arith.constant 16 : index
        %get3A_634 = tpu.vector_load %arg12[%get3A_632, %get3A_633] {strides = array<i32>} : memref<512x32xf32, #tpu.memory_space<vmem>>, vector<1x16xf32>,
        %get3A_635 = vector.shape_cast %get3A_634 : vector<1x16xf32> to vector<16xf32>
        %sub3A_636 = arith.subf %get3A_635, %get3A_631 : vector<16xf32>
        %mul3A_637 = arith.mulf %gather3A_609, %sub3A_636 : vector<16xf32>
        %add3A_638 = arith.addf %get3A_631, %mul3A_637 : vector<16xf32>
        %swap3A_639 = arith.constant 0 : i32
        %swap3A_640 = arith.index_cast %add3A_605 : i32 to index
        %swap3A_641 = arith.index_cast %swap3A_639 : i32 to index
        %swap3A_642 = arith.constant 16 : index
        %swap3A_643 = tpu.vector_load %arg15[%swap3A_640, %swap3A_641, %swap3A_642] {strides = array<i32>} : memref<512x1x32xf32, #tpu.memory_space<vmem>>, vector<1x1x16xf32>,
        %swap3A_644 = vector.shape_cast %swap3A_643 : vector<1x1x16xf32> to vector<16xf32>
        %swap3A_645 = vector.shape_cast %add3A_638 : vector<16xf32> to vector<1x1x16xf32>
        tpu.vector_store %arg15[%swap3A_640, %swap3A_641, %swap3A_642], %swap3A_645 {strides = array<i32>} : memref<512x1x32xf32, #tpu.memory_space<vmem>>, vector<1x1x16xf32>,
        %mul3A_646 = arith.constant 16 : i32
        %mul3A_647 = arith.muli %scan3A_292, %mul3A_646 : i32
        %add3A_648 = arith.constant 8 : i32
        %add3A_649 = arith.addi %mul3A_647, %add3A_648 : i32
        %broadcast_in_dim3A_650 = arith.constant 8 : i32
        %broadcast_in_dim3A_651 = vector.broadcast %broadcast_in_dim3A_650 : i32 to vector<16x1xi32>
        %gather3A_652 = vector.shape_cast %broadcast_in_dim3A_651 : vector<16x1xi32> to vector<16xi32>
        %gather3A_653 = tpu.dynamic_gather %get3A_297[%gather3A_652] in [0] : vector<16xf32>, vector<16xi32> -> vector<16xf32>
        %get3A_654 = arith.index_cast %add3A_649 : i32 to index
        %get3A_655 = arith.constant 0 : index
        %get3A_656 = tpu.vector_load %arg11[%get3A_654, %get3A_655] {strides = array<i32>} : memref<512x32xf32, #tpu.memory_space<vmem>>, vector<1x16xf32>,
        %get3A_657 = vector.shape_cast %get3A_656 : vector<1x16xf32> to vector<16xf32>
        %get3A_658 = arith.index_cast %add3A_649 : i32 to index
        %get3A_659 = arith.constant 0 : index
        %get3A_660 = tpu.vector_load %arg12[%get3A_658, %get3A_659] {strides = array<i32>} : memref<512x32xf32, #tpu.memory_space<vmem>>, vector<1x16xf32>,
        %get3A_661 = vector.shape_cast %get3A_660 : vector<1x16xf32> to vector<16xf32>
        %sub3A_662 = arith.subf %get3A_661, %get3A_657 : vector<16xf32>
        %mul3A_663 = arith.mulf %gather3A_653, %sub3A_662 : vector<16xf32>
        %add3A_664 = arith.addf %get3A_657, %mul3A_663 : vector<16xf32>
        %swap3A_665 = arith.constant 0 : i32
        %swap3A_666 = arith.index_cast %add3A_649 : i32 to index
        %swap3A_667 = arith.index_cast %swap3A_665 : i32 to index
        %swap3A_668 = arith.constant 0 : index
        %swap3A_669 = tpu.vector_load %arg15[%swap3A_666, %swap3A_667, %swap3A_668] {strides = array<i32>} : memref<512x1x32xf32, #tpu.memory_space<vmem>>, vector<1x1x16xf32>,
        %swap3A_670 = vector.shape_cast %swap3A_669 : vector<1x1x16xf32> to vector<16xf32>
        %swap3A_671 = vector.shape_cast %add3A_664 : vector<16xf32> to vector<1x1x16xf32>
        tpu.vector_store %arg15[%swap3A_666, %swap3A_667, %swap3A_668], %swap3A_671 {strides = array<i32>} : memref<512x1x32xf32, #tpu.memory_space<vmem>>, vector<1x1x16xf32>,
        %get3A_672 = arith.index_cast %add3A_649 : i32 to index
        %get3A_673 = arith.constant 16 : index
        %get3A_674 = tpu.vector_load %arg11[%get3A_672, %get3A_673] {strides = array<i32>} : memref<512x32xf32, #tpu.memory_space<vmem>>, vector<1x16xf32>,
        %get3A_675 = vector.shape_cast %get3A_674 : vector<1x16xf32> to vector<16xf32>
        %get3A_676 = arith.index_cast %add3A_649 : i32 to index
        %get3A_677 = arith.constant 16 : index
        %get3A_678 = tpu.vector_load %arg12[%get3A_676, %get3A_677] {strides = array<i32>} : memref<512x32xf32, #tpu.memory_space<vmem>>, vector<1x16xf32>,
        %get3A_679 = vector.shape_cast %get3A_678 : vector<1x16xf32> to vector<16xf32>
        %sub3A_680 = arith.subf %get3A_679, %get3A_675 : vector<16xf32>
        %mul3A_681 = arith.mulf %gather3A_653, %sub3A_680 : vector<16xf32>
        %add3A_682 = arith.addf %get3A_675, %mul3A_681 : vector<16xf32>
        %swap3A_683 = arith.constant 0 : i32
        %swap3A_684 = arith.index_cast %add3A_649 : i32 to index
        %swap3A_685 = arith.index_cast %swap3A_683 : i32 to index
        %swap3A_686 = arith.constant 16 : index
        %swap3A_687 = tpu.vector_load %arg15[%swap3A_684, %swap3A_685, %swap3A_686] {strides = array<i32>} : memref<512x1x32xf32, #tpu.memory_space<vmem>>, vector<1x1x16xf32>,
        %swap3A_688 = vector.shape_cast %swap3A_687 : vector<1x1x16xf32> to vector<16xf32>
        %swap3A_689 = vector.shape_cast %add3A_682 : vector<16xf32> to vector<1x1x16xf32>
        tpu.vector_store %arg15[%swap3A_684, %swap3A_685, %swap3A_686], %swap3A_689 {strides = array<i32>} : memref<512x1x32xf32, #tpu.memory_space<vmem>>, vector<1x1x16xf32>,
        %mul3A_690 = arith.constant 16 : i32
        %mul3A_691 = arith.muli %scan3A_292, %mul3A_690 : i32
        %add3A_692 = arith.constant 9 : i32
        %add3A_693 = arith.addi %mul3A_691, %add3A_692 : i32
        %broadcast_in_dim3A_694 = arith.constant 9 : i32
        %broadcast_in_dim3A_695 = vector.broadcast %broadcast_in_dim3A_694 : i32 to vector<16x1xi32>
        %gather3A_696 = vector.shape_cast %broadcast_in_dim3A_695 : vector<16x1xi32> to vector<16xi32>
        %gather3A_697 = tpu.dynamic_gather %get3A_297[%gather3A_696] in [0] : vector<16xf32>, vector<16xi32> -> vector<16xf32>
        %get3A_698 = arith.index_cast %add3A_693 : i32 to index
        %get3A_699 = arith.constant 0 : index
        %get3A_700 = tpu.vector_load %arg11[%get3A_698, %get3A_699] {strides = array<i32>} : memref<512x32xf32, #tpu.memory_space<vmem>>, vector<1x16xf32>,
        %get3A_701 = vector.shape_cast %get3A_700 : vector<1x16xf32> to vector<16xf32>
        %get3A_702 = arith.index_cast %add3A_693 : i32 to index
        %get3A_703 = arith.constant 0 : index
        %get3A_704 = tpu.vector_load %arg12[%get3A_702, %get3A_703] {strides = array<i32>} : memref<512x32xf32, #tpu.memory_space<vmem>>, vector<1x16xf32>,
        %get3A_705 = vector.shape_cast %get3A_704 : vector<1x16xf32> to vector<16xf32>
        %sub3A_706 = arith.subf %get3A_705, %get3A_701 : vector<16xf32>
        %mul3A_707 = arith.mulf %gather3A_697, %sub3A_706 : vector<16xf32>
        %add3A_708 = arith.addf %get3A_701, %mul3A_707 : vector<16xf32>
        %swap3A_709 = arith.constant 0 : i32
        %swap3A_710 = arith.index_cast %add3A_693 : i32 to index
        %swap3A_711 = arith.index_cast %swap3A_709 : i32 to index
        %swap3A_712 = arith.constant 0 : index
        %swap3A_713 = tpu.vector_load %arg15[%swap3A_710, %swap3A_711, %swap3A_712] {strides = array<i32>} : memref<512x1x32xf32, #tpu.memory_space<vmem>>, vector<1x1x16xf32>,
        %swap3A_714 = vector.shape_cast %swap3A_713 : vector<1x1x16xf32> to vector<16xf32>
        %swap3A_715 = vector.shape_cast %add3A_708 : vector<16xf32> to vector<1x1x16xf32>
        tpu.vector_store %arg15[%swap3A_710, %swap3A_711, %swap3A_712], %swap3A_715 {strides = array<i32>} : memref<512x1x32xf32, #tpu.memory_space<vmem>>, vector<1x1x16xf32>,
        %get3A_716 = arith.index_cast %add3A_693 : i32 to index
        %get3A_717 = arith.constant 16 : index
        %get3A_718 = tpu.vector_load %arg11[%get3A_716, %get3A_717] {strides = array<i32>} : memref<512x32xf32, #tpu.memory_space<vmem>>, vector<1x16xf32>,
        %get3A_719 = vector.shape_cast %get3A_718 : vector<1x16xf32> to vector<16xf32>
        %get3A_720 = arith.index_cast %add3A_693 : i32 to index
        %get3A_721 = arith.constant 16 : index
        %get3A_722 = tpu.vector_load %arg12[%get3A_720, %get3A_721] {strides = array<i32>} : memref<512x32xf32, #tpu.memory_space<vmem>>, vector<1x16xf32>,
        %get3A_723 = vector.shape_cast %get3A_722 : vector<1x16xf32> to vector<16xf32>
        %sub3A_724 = arith.subf %get3A_723, %get3A_719 : vector<16xf32>
        %mul3A_725 = arith.mulf %gather3A_697, %sub3A_724 : vector<16xf32>
        %add3A_726 = arith.addf %get3A_719, %mul3A_725 : vector<16xf32>
        %swap3A_727 = arith.constant 0 : i32
        %swap3A_728 = arith.index_cast %add3A_693 : i32 to index
        %swap3A_729 = arith.index_cast %swap3A_727 : i32 to index
        %swap3A_730 = arith.constant 16 : index
        %swap3A_731 = tpu.vector_load %arg15[%swap3A_728, %swap3A_729, %swap3A_730] {strides = array<i32>} : memref<512x1x32xf32, #tpu.memory_space<vmem>>, vector<1x1x16xf32>,
        %swap3A_732 = vector.shape_cast %swap3A_731 : vector<1x1x16xf32> to vector<16xf32>
        %swap3A_733 = vector.shape_cast %add3A_726 : vector<16xf32> to vector<1x1x16xf32>
        tpu.vector_store %arg15[%swap3A_728, %swap3A_729, %swap3A_730], %swap3A_733 {strides = array<i32>} : memref<512x1x32xf32, #tpu.memory_space<vmem>>, vector<1x1x16xf32>,
        %mul3A_734 = arith.constant 16 : i32
        %mul3A_735 = arith.muli %scan3A_292, %mul3A_734 : i32
        %add3A_736 = arith.constant 10 : i32
        %add3A_737 = arith.addi %mul3A_735, %add3A_736 : i32
        %broadcast_in_dim3A_738 = arith.constant 10 : i32
        %broadcast_in_dim3A_739 = vector.broadcast %broadcast_in_dim3A_738 : i32 to vector<16x1xi32>
        %gather3A_740 = vector.shape_cast %broadcast_in_dim3A_739 : vector<16x1xi32> to vector<16xi32>
        %gather3A_741 = tpu.dynamic_gather %get3A_297[%gather3A_740] in [0] : vector<16xf32>, vector<16xi32> -> vector<16xf32>
        %get3A_742 = arith.index_cast %add3A_737 : i32 to index
        %get3A_743 = arith.constant 0 : index
        %get3A_744 = tpu.vector_load %arg11[%get3A_742, %get3A_743] {strides = array<i32>} : memref<512x32xf32, #tpu.memory_space<vmem>>, vector<1x16xf32>,
        %get3A_745 = vector.shape_cast %get3A_744 : vector<1x16xf32> to vector<16xf32>
        %get3A_746 = arith.index_cast %add3A_737 : i32 to index
        %get3A_747 = arith.constant 0 : index
        %get3A_748 = tpu.vector_load %arg12[%get3A_746, %get3A_747] {strides = array<i32>} : memref<512x32xf32, #tpu.memory_space<vmem>>, vector<1x16xf32>,
        %get3A_749 = vector.shape_cast %get3A_748 : vector<1x16xf32> to vector<16xf32>
        %sub3A_750 = arith.subf %get3A_749, %get3A_745 : vector<16xf32>
        %mul3A_751 = arith.mulf %gather3A_741, %sub3A_750 : vector<16xf32>
        %add3A_752 = arith.addf %get3A_745, %mul3A_751 : vector<16xf32>
        %swap3A_753 = arith.constant 0 : i32
        %swap3A_754 = arith.index_cast %add3A_737 : i32 to index
        %swap3A_755 = arith.index_cast %swap3A_753 : i32 to index
        %swap3A_756 = arith.constant 0 : index
        %swap3A_757 = tpu.vector_load %arg15[%swap3A_754, %swap3A_755, %swap3A_756] {strides = array<i32>} : memref<512x1x32xf32, #tpu.memory_space<vmem>>, vector<1x1x16xf32>,
        %swap3A_758 = vector.shape_cast %swap3A_757 : vector<1x1x16xf32> to vector<16xf32>
        %swap3A_759 = vector.shape_cast %add3A_752 : vector<16xf32> to vector<1x1x16xf32>
        tpu.vector_store %arg15[%swap3A_754, %swap3A_755, %swap3A_756], %swap3A_759 {strides = array<i32>} : memref<512x1x32xf32, #tpu.memory_space<vmem>>, vector<1x1x16xf32>,
        %get3A_760 = arith.index_cast %add3A_737 : i32 to index
        %get3A_761 = arith.constant 16 : index
        %get3A_762 = tpu.vector_load %arg11[%get3A_760, %get3A_761] {strides = array<i32>} : memref<512x32xf32, #tpu.memory_space<vmem>>, vector<1x16xf32>,
        %get3A_763 = vector.shape_cast %get3A_762 : vector<1x16xf32> to vector<16xf32>
        %get3A_764 = arith.index_cast %add3A_737 : i32 to index
        %get3A_765 = arith.constant 16 : index
        %get3A_766 = tpu.vector_load %arg12[%get3A_764, %get3A_765] {strides = array<i32>} : memref<512x32xf32, #tpu.memory_space<vmem>>, vector<1x16xf32>,
        %get3A_767 = vector.shape_cast %get3A_766 : vector<1x16xf32> to vector<16xf32>
        %sub3A_768 = arith.subf %get3A_767, %get3A_763 : vector<16xf32>
        %mul3A_769 = arith.mulf %gather3A_741, %sub3A_768 : vector<16xf32>
        %add3A_770 = arith.addf %get3A_763, %mul3A_769 : vector<16xf32>
        %swap3A_771 = arith.constant 0 : i32
        %swap3A_772 = arith.index_cast %add3A_737 : i32 to index
        %swap3A_773 = arith.index_cast %swap3A_771 : i32 to index
        %swap3A_774 = arith.constant 16 : index
        %swap3A_775 = tpu.vector_load %arg15[%swap3A_772, %swap3A_773, %swap3A_774] {strides = array<i32>} : memref<512x1x32xf32, #tpu.memory_space<vmem>>, vector<1x1x16xf32>,
        %swap3A_776 = vector.shape_cast %swap3A_775 : vector<1x1x16xf32> to vector<16xf32>
        %swap3A_777 = vector.shape_cast %add3A_770 : vector<16xf32> to vector<1x1x16xf32>
        tpu.vector_store %arg15[%swap3A_772, %swap3A_773, %swap3A_774], %swap3A_777 {strides = array<i32>} : memref<512x1x32xf32, #tpu.memory_space<vmem>>, vector<1x1x16xf32>,
        %mul3A_778 = arith.constant 16 : i32
        %mul3A_779 = arith.muli %scan3A_292, %mul3A_778 : i32
        %add3A_780 = arith.constant 11 : i32
        %add3A_781 = arith.addi %mul3A_779, %add3A_780 : i32
        %broadcast_in_dim3A_782 = arith.constant 11 : i32
        %broadcast_in_dim3A_783 = vector.broadcast %broadcast_in_dim3A_782 : i32 to vector<16x1xi32>
        %gather3A_784 = vector.shape_cast %broadcast_in_dim3A_783 : vector<16x1xi32> to vector<16xi32>
        %gather3A_785 = tpu.dynamic_gather %get3A_297[%gather3A_784] in [0] : vector<16xf32>, vector<16xi32> -> vector<16xf32>
        %get3A_786 = arith.index_cast %add3A_781 : i32 to index
        %get3A_787 = arith.constant 0 : index
        %get3A_788 = tpu.vector_load %arg11[%get3A_786, %get3A_787] {strides = array<i32>} : memref<512x32xf32, #tpu.memory_space<vmem>>, vector<1x16xf32>,
        %get3A_789 = vector.shape_cast %get3A_788 : vector<1x16xf32> to vector<16xf32>
        %get3A_790 = arith.index_cast %add3A_781 : i32 to index
        %get3A_791 = arith.constant 0 : index
        %get3A_792 = tpu.vector_load %arg12[%get3A_790, %get3A_791] {strides = array<i32>} : memref<512x32xf32, #tpu.memory_space<vmem>>, vector<1x16xf32>,
        %get3A_793 = vector.shape_cast %get3A_792 : vector<1x16xf32> to vector<16xf32>
        %sub3A_794 = arith.subf %get3A_793, %get3A_789 : vector<16xf32>
        %mul3A_795 = arith.mulf %gather3A_785, %sub3A_794 : vector<16xf32>
        %add3A_796 = arith.addf %get3A_789, %mul3A_795 : vector<16xf32>
        %swap3A_797 = arith.constant 0 : i32
        %swap3A_798 = arith.index_cast %add3A_781 : i32 to index
        %swap3A_799 = arith.index_cast %swap3A_797 : i32 to index
        %swap3A_800 = arith.constant 0 : index
        %swap3A_801 = tpu.vector_load %arg15[%swap3A_798, %swap3A_799, %swap3A_800] {strides = array<i32>} : memref<512x1x32xf32, #tpu.memory_space<vmem>>, vector<1x1x16xf32>,
        %swap3A_802 = vector.shape_cast %swap3A_801 : vector<1x1x16xf32> to vector<16xf32>
        %swap3A_803 = vector.shape_cast %add3A_796 : vector<16xf32> to vector<1x1x16xf32>
        tpu.vector_store %arg15[%swap3A_798, %swap3A_799, %swap3A_800], %swap3A_803 {strides = array<i32>} : memref<512x1x32xf32, #tpu.memory_space<vmem>>, vector<1x1x16xf32>,
        %get3A_804 = arith.index_cast %add3A_781 : i32 to index
        %get3A_805 = arith.constant 16 : index
        %get3A_806 = tpu.vector_load %arg11[%get3A_804, %get3A_805] {strides = array<i32>} : memref<512x32xf32, #tpu.memory_space<vmem>>, vector<1x16xf32>,
        %get3A_807 = vector.shape_cast %get3A_806 : vector<1x16xf32> to vector<16xf32>
        %get3A_808 = arith.index_cast %add3A_781 : i32 to index
        %get3A_809 = arith.constant 16 : index
        %get3A_810 = tpu.vector_load %arg12[%get3A_808, %get3A_809] {strides = array<i32>} : memref<512x32xf32, #tpu.memory_space<vmem>>, vector<1x16xf32>,
        %get3A_811 = vector.shape_cast %get3A_810 : vector<1x16xf32> to vector<16xf32>
        %sub3A_812 = arith.subf %get3A_811, %get3A_807 : vector<16xf32>
        %mul3A_813 = arith.mulf %gather3A_785, %sub3A_812 : vector<16xf32>
        %add3A_814 = arith.addf %get3A_807, %mul3A_813 : vector<16xf32>
        %swap3A_815 = arith.constant 0 : i32
        %swap3A_816 = arith.index_cast %add3A_781 : i32 to index
        %swap3A_817 = arith.index_cast %swap3A_815 : i32 to index
        %swap3A_818 = arith.constant 16 : index
        %swap3A_819 = tpu.vector_load %arg15[%swap3A_816, %swap3A_817, %swap3A_818] {strides = array<i32>} : memref<512x1x32xf32, #tpu.memory_space<vmem>>, vector<1x1x16xf32>,
        %swap3A_820 = vector.shape_cast %swap3A_819 : vector<1x1x16xf32> to vector<16xf32>
        %swap3A_821 = vector.shape_cast %add3A_814 : vector<16xf32> to vector<1x1x16xf32>
        tpu.vector_store %arg15[%swap3A_816, %swap3A_817, %swap3A_818], %swap3A_821 {strides = array<i32>} : memref<512x1x32xf32, #tpu.memory_space<vmem>>, vector<1x1x16xf32>,
        %mul3A_822 = arith.constant 16 : i32
        %mul3A_823 = arith.muli %scan3A_292, %mul3A_822 : i32
        %add3A_824 = arith.constant 12 : i32
        %add3A_825 = arith.addi %mul3A_823, %add3A_824 : i32
        %broadcast_in_dim3A_826 = arith.constant 12 : i32
        %broadcast_in_dim3A_827 = vector.broadcast %broadcast_in_dim3A_826 : i32 to vector<16x1xi32>
        %gather3A_828 = vector.shape_cast %broadcast_in_dim3A_827 : vector<16x1xi32> to vector<16xi32>
        %gather3A_829 = tpu.dynamic_gather %get3A_297[%gather3A_828] in [0] : vector<16xf32>, vector<16xi32> -> vector<16xf32>
        %get3A_830 = arith.index_cast %add3A_825 : i32 to index
        %get3A_831 = arith.constant 0 : index
        %get3A_832 = tpu.vector_load %arg11[%get3A_830, %get3A_831] {strides = array<i32>} : memref<512x32xf32, #tpu.memory_space<vmem>>, vector<1x16xf32>,
        %get3A_833 = vector.shape_cast %get3A_832 : vector<1x16xf32> to vector<16xf32>
        %get3A_834 = arith.index_cast %add3A_825 : i32 to index
        %get3A_835 = arith.constant 0 : index
        %get3A_836 = tpu.vector_load %arg12[%get3A_834, %get3A_835] {strides = array<i32>} : memref<512x32xf32, #tpu.memory_space<vmem>>, vector<1x16xf32>,
        %get3A_837 = vector.shape_cast %get3A_836 : vector<1x16xf32> to vector<16xf32>
        %sub3A_838 = arith.subf %get3A_837, %get3A_833 : vector<16xf32>
        %mul3A_839 = arith.mulf %gather3A_829, %sub3A_838 : vector<16xf32>
        %add3A_840 = arith.addf %get3A_833, %mul3A_839 : vector<16xf32>
        %swap3A_841 = arith.constant 0 : i32
        %swap3A_842 = arith.index_cast %add3A_825 : i32 to index
        %swap3A_843 = arith.index_cast %swap3A_841 : i32 to index
        %swap3A_844 = arith.constant 0 : index
        %swap3A_845 = tpu.vector_load %arg15[%swap3A_842, %swap3A_843, %swap3A_844] {strides = array<i32>} : memref<512x1x32xf32, #tpu.memory_space<vmem>>, vector<1x1x16xf32>,
        %swap3A_846 = vector.shape_cast %swap3A_845 : vector<1x1x16xf32> to vector<16xf32>
        %swap3A_847 = vector.shape_cast %add3A_840 : vector<16xf32> to vector<1x1x16xf32>
        tpu.vector_store %arg15[%swap3A_842, %swap3A_843, %swap3A_844], %swap3A_847 {strides = array<i32>} : memref<512x1x32xf32, #tpu.memory_space<vmem>>, vector<1x1x16xf32>,
        %get3A_848 = arith.index_cast %add3A_825 : i32 to index
        %get3A_849 = arith.constant 16 : index
        %get3A_850 = tpu.vector_load %arg11[%get3A_848, %get3A_849] {strides = array<i32>} : memref<512x32xf32, #tpu.memory_space<vmem>>, vector<1x16xf32>,
        %get3A_851 = vector.shape_cast %get3A_850 : vector<1x16xf32> to vector<16xf32>
        %get3A_852 = arith.index_cast %add3A_825 : i32 to index
        %get3A_853 = arith.constant 16 : index
        %get3A_854 = tpu.vector_load %arg12[%get3A_852, %get3A_853] {strides = array<i32>} : memref<512x32xf32, #tpu.memory_space<vmem>>, vector<1x16xf32>,
        %get3A_855 = vector.shape_cast %get3A_854 : vector<1x16xf32> to vector<16xf32>
        %sub3A_856 = arith.subf %get3A_855, %get3A_851 : vector<16xf32>
        %mul3A_857 = arith.mulf %gather3A_829, %sub3A_856 : vector<16xf32>
        %add3A_858 = arith.addf %get3A_851, %mul3A_857 : vector<16xf32>
        %swap3A_859 = arith.constant 0 : i32
        %swap3A_860 = arith.index_cast %add3A_825 : i32 to index
        %swap3A_861 = arith.index_cast %swap3A_859 : i32 to index
        %swap3A_862 = arith.constant 16 : index
        %swap3A_863 = tpu.vector_load %arg15[%swap3A_860, %swap3A_861, %swap3A_862] {strides = array<i32>} : memref<512x1x32xf32, #tpu.memory_space<vmem>>, vector<1x1x16xf32>,
        %swap3A_864 = vector.shape_cast %swap3A_863 : vector<1x1x16xf32> to vector<16xf32>
        %swap3A_865 = vector.shape_cast %add3A_858 : vector<16xf32> to vector<1x1x16xf32>
        tpu.vector_store %arg15[%swap3A_860, %swap3A_861, %swap3A_862], %swap3A_865 {strides = array<i32>} : memref<512x1x32xf32, #tpu.memory_space<vmem>>, vector<1x1x16xf32>,
        %mul3A_866 = arith.constant 16 : i32
        %mul3A_867 = arith.muli %scan3A_292, %mul3A_866 : i32
        %add3A_868 = arith.constant 13 : i32
        %add3A_869 = arith.addi %mul3A_867, %add3A_868 : i32
        %broadcast_in_dim3A_870 = arith.constant 13 : i32
        %broadcast_in_dim3A_871 = vector.broadcast %broadcast_in_dim3A_870 : i32 to vector<16x1xi32>
        %gather3A_872 = vector.shape_cast %broadcast_in_dim3A_871 : vector<16x1xi32> to vector<16xi32>
        %gather3A_873 = tpu.dynamic_gather %get3A_297[%gather3A_872] in [0] : vector<16xf32>, vector<16xi32> -> vector<16xf32>
        %get3A_874 = arith.index_cast %add3A_869 : i32 to index
        %get3A_875 = arith.constant 0 : index
        %get3A_876 = tpu.vector_load %arg11[%get3A_874, %get3A_875] {strides = array<i32>} : memref<512x32xf32, #tpu.memory_space<vmem>>, vector<1x16xf32>,
        %get3A_877 = vector.shape_cast %get3A_876 : vector<1x16xf32> to vector<16xf32>
        %get3A_878 = arith.index_cast %add3A_869 : i32 to index
        %get3A_879 = arith.constant 0 : index
        %get3A_880 = tpu.vector_load %arg12[%get3A_878, %get3A_879] {strides = array<i32>} : memref<512x32xf32, #tpu.memory_space<vmem>>, vector<1x16xf32>,
        %get3A_881 = vector.shape_cast %get3A_880 : vector<1x16xf32> to vector<16xf32>
        %sub3A_882 = arith.subf %get3A_881, %get3A_877 : vector<16xf32>
        %mul3A_883 = arith.mulf %gather3A_873, %sub3A_882 : vector<16xf32>
        %add3A_884 = arith.addf %get3A_877, %mul3A_883 : vector<16xf32>
        %swap3A_885 = arith.constant 0 : i32
        %swap3A_886 = arith.index_cast %add3A_869 : i32 to index
        %swap3A_887 = arith.index_cast %swap3A_885 : i32 to index
        %swap3A_888 = arith.constant 0 : index
        %swap3A_889 = tpu.vector_load %arg15[%swap3A_886, %swap3A_887, %swap3A_888] {strides = array<i32>} : memref<512x1x32xf32, #tpu.memory_space<vmem>>, vector<1x1x16xf32>,
        %swap3A_890 = vector.shape_cast %swap3A_889 : vector<1x1x16xf32> to vector<16xf32>
        %swap3A_891 = vector.shape_cast %add3A_884 : vector<16xf32> to vector<1x1x16xf32>
        tpu.vector_store %arg15[%swap3A_886, %swap3A_887, %swap3A_888], %swap3A_891 {strides = array<i32>} : memref<512x1x32xf32, #tpu.memory_space<vmem>>, vector<1x1x16xf32>,
        %get3A_892 = arith.index_cast %add3A_869 : i32 to index
        %get3A_893 = arith.constant 16 : index
        %get3A_894 = tpu.vector_load %arg11[%get3A_892, %get3A_893] {strides = array<i32>} : memref<512x32xf32, #tpu.memory_space<vmem>>, vector<1x16xf32>,
        %get3A_895 = vector.shape_cast %get3A_894 : vector<1x16xf32> to vector<16xf32>
        %get3A_896 = arith.index_cast %add3A_869 : i32 to index
        %get3A_897 = arith.constant 16 : index
        %get3A_898 = tpu.vector_load %arg12[%get3A_896, %get3A_897] {strides = array<i32>} : memref<512x32xf32, #tpu.memory_space<vmem>>, vector<1x16xf32>,
        %get3A_899 = vector.shape_cast %get3A_898 : vector<1x16xf32> to vector<16xf32>
        %sub3A_900 = arith.subf %get3A_899, %get3A_895 : vector<16xf32>
        %mul3A_901 = arith.mulf %gather3A_873, %sub3A_900 : vector<16xf32>
        %add3A_902 = arith.addf %get3A_895, %mul3A_901 : vector<16xf32>
        %swap3A_903 = arith.constant 0 : i32
        %swap3A_904 = arith.index_cast %add3A_869 : i32 to index
        %swap3A_905 = arith.index_cast %swap3A_903 : i32 to index
        %swap3A_906 = arith.constant 16 : index
        %swap3A_907 = tpu.vector_load %arg15[%swap3A_904, %swap3A_905, %swap3A_906] {strides = array<i32>} : memref<512x1x32xf32, #tpu.memory_space<vmem>>, vector<1x1x16xf32>,
        %swap3A_908 = vector.shape_cast %swap3A_907 : vector<1x1x16xf32> to vector<16xf32>
        %swap3A_909 = vector.shape_cast %add3A_902 : vector<16xf32> to vector<1x1x16xf32>
        tpu.vector_store %arg15[%swap3A_904, %swap3A_905, %swap3A_906], %swap3A_909 {strides = array<i32>} : memref<512x1x32xf32, #tpu.memory_space<vmem>>, vector<1x1x16xf32>,
        %mul3A_910 = arith.constant 16 : i32
        %mul3A_911 = arith.muli %scan3A_292, %mul3A_910 : i32
        %add3A_912 = arith.constant 14 : i32
        %add3A_913 = arith.addi %mul3A_911, %add3A_912 : i32
        %broadcast_in_dim3A_914 = arith.constant 14 : i32
        %broadcast_in_dim3A_915 = vector.broadcast %broadcast_in_dim3A_914 : i32 to vector<16x1xi32>
        %gather3A_916 = vector.shape_cast %broadcast_in_dim3A_915 : vector<16x1xi32> to vector<16xi32>
        %gather3A_917 = tpu.dynamic_gather %get3A_297[%gather3A_916] in [0] : vector<16xf32>, vector<16xi32> -> vector<16xf32>
        %get3A_918 = arith.index_cast %add3A_913 : i32 to index
        %get3A_919 = arith.constant 0 : index
        %get3A_920 = tpu.vector_load %arg11[%get3A_918, %get3A_919] {strides = array<i32>} : memref<512x32xf32, #tpu.memory_space<vmem>>, vector<1x16xf32>,
        %get3A_921 = vector.shape_cast %get3A_920 : vector<1x16xf32> to vector<16xf32>
        %get3A_922 = arith.index_cast %add3A_913 : i32 to index
        %get3A_923 = arith.constant 0 : index
        %get3A_924 = tpu.vector_load %arg12[%get3A_922, %get3A_923] {strides = array<i32>} : memref<512x32xf32, #tpu.memory_space<vmem>>, vector<1x16xf32>,
        %get3A_925 = vector.shape_cast %get3A_924 : vector<1x16xf32> to vector<16xf32>
        %sub3A_926 = arith.subf %get3A_925, %get3A_921 : vector<16xf32>
        %mul3A_927 = arith.mulf %gather3A_917, %sub3A_926 : vector<16xf32>
        %add3A_928 = arith.addf %get3A_921, %mul3A_927 : vector<16xf32>
        %swap3A_929 = arith.constant 0 : i32
        %swap3A_930 = arith.index_cast %add3A_913 : i32 to index
        %swap3A_931 = arith.index_cast %swap3A_929 : i32 to index
        %swap3A_932 = arith.constant 0 : index
        %swap3A_933 = tpu.vector_load %arg15[%swap3A_930, %swap3A_931, %swap3A_932] {strides = array<i32>} : memref<512x1x32xf32, #tpu.memory_space<vmem>>, vector<1x1x16xf32>,
        %swap3A_934 = vector.shape_cast %swap3A_933 : vector<1x1x16xf32> to vector<16xf32>
        %swap3A_935 = vector.shape_cast %add3A_928 : vector<16xf32> to vector<1x1x16xf32>
        tpu.vector_store %arg15[%swap3A_930, %swap3A_931, %swap3A_932], %swap3A_935 {strides = array<i32>} : memref<512x1x32xf32, #tpu.memory_space<vmem>>, vector<1x1x16xf32>,
        %get3A_936 = arith.index_cast %add3A_913 : i32 to index
        %get3A_937 = arith.constant 16 : index
        %get3A_938 = tpu.vector_load %arg11[%get3A_936, %get3A_937] {strides = array<i32>} : memref<512x32xf32, #tpu.memory_space<vmem>>, vector<1x16xf32>,
        %get3A_939 = vector.shape_cast %get3A_938 : vector<1x16xf32> to vector<16xf32>
        %get3A_940 = arith.index_cast %add3A_913 : i32 to index
        %get3A_941 = arith.constant 16 : index
        %get3A_942 = tpu.vector_load %arg12[%get3A_940, %get3A_941] {strides = array<i32>} : memref<512x32xf32, #tpu.memory_space<vmem>>, vector<1x16xf32>,
        %get3A_943 = vector.shape_cast %get3A_942 : vector<1x16xf32> to vector<16xf32>
        %sub3A_944 = arith.subf %get3A_943, %get3A_939 : vector<16xf32>
        %mul3A_945 = arith.mulf %gather3A_917, %sub3A_944 : vector<16xf32>
        %add3A_946 = arith.addf %get3A_939, %mul3A_945 : vector<16xf32>
        %swap3A_947 = arith.constant 0 : i32
        %swap3A_948 = arith.index_cast %add3A_913 : i32 to index
        %swap3A_949 = arith.index_cast %swap3A_947 : i32 to index
        %swap3A_950 = arith.constant 16 : index
        %swap3A_951 = tpu.vector_load %arg15[%swap3A_948, %swap3A_949, %swap3A_950] {strides = array<i32>} : memref<512x1x32xf32, #tpu.memory_space<vmem>>, vector<1x1x16xf32>,
        %swap3A_952 = vector.shape_cast %swap3A_951 : vector<1x1x16xf32> to vector<16xf32>
        %swap3A_953 = vector.shape_cast %add3A_946 : vector<16xf32> to vector<1x1x16xf32>
        tpu.vector_store %arg15[%swap3A_948, %swap3A_949, %swap3A_950], %swap3A_953 {strides = array<i32>} : memref<512x1x32xf32, #tpu.memory_space<vmem>>, vector<1x1x16xf32>,
        %mul3A_954 = arith.constant 16 : i32
        %mul3A_955 = arith.muli %scan3A_292, %mul3A_954 : i32
        %add3A_956 = arith.constant 15 : i32
        %add3A_957 = arith.addi %mul3A_955, %add3A_956 : i32
        %broadcast_in_dim3A_958 = arith.constant 15 : i32
        %broadcast_in_dim3A_959 = vector.broadcast %broadcast_in_dim3A_958 : i32 to vector<16x1xi32>
        %gather3A_960 = vector.shape_cast %broadcast_in_dim3A_959 : vector<16x1xi32> to vector<16xi32>
        %gather3A_961 = tpu.dynamic_gather %get3A_297[%gather3A_960] in [0] : vector<16xf32>, vector<16xi32> -> vector<16xf32>
        %get3A_962 = arith.index_cast %add3A_957 : i32 to index
        %get3A_963 = arith.constant 0 : index
        %get3A_964 = tpu.vector_load %arg11[%get3A_962, %get3A_963] {strides = array<i32>} : memref<512x32xf32, #tpu.memory_space<vmem>>, vector<1x16xf32>,
        %get3A_965 = vector.shape_cast %get3A_964 : vector<1x16xf32> to vector<16xf32>
        %get3A_966 = arith.index_cast %add3A_957 : i32 to index
        %get3A_967 = arith.constant 0 : index
        %get3A_968 = tpu.vector_load %arg12[%get3A_966, %get3A_967] {strides = array<i32>} : memref<512x32xf32, #tpu.memory_space<vmem>>, vector<1x16xf32>,
        %get3A_969 = vector.shape_cast %get3A_968 : vector<1x16xf32> to vector<16xf32>
        %sub3A_970 = arith.subf %get3A_969, %get3A_965 : vector<16xf32>
        %mul3A_971 = arith.mulf %gather3A_961, %sub3A_970 : vector<16xf32>
        %add3A_972 = arith.addf %get3A_965, %mul3A_971 : vector<16xf32>
        %swap3A_973 = arith.constant 0 : i32
        %swap3A_974 = arith.index_cast %add3A_957 : i32 to index
        %swap3A_975 = arith.index_cast %swap3A_973 : i32 to index
        %swap3A_976 = arith.constant 0 : index
        %swap3A_977 = tpu.vector_load %arg15[%swap3A_974, %swap3A_975, %swap3A_976] {strides = array<i32>} : memref<512x1x32xf32, #tpu.memory_space<vmem>>, vector<1x1x16xf32>,
        %swap3A_978 = vector.shape_cast %swap3A_977 : vector<1x1x16xf32> to vector<16xf32>
        %swap3A_979 = vector.shape_cast %add3A_972 : vector<16xf32> to vector<1x1x16xf32>
        tpu.vector_store %arg15[%swap3A_974, %swap3A_975, %swap3A_976], %swap3A_979 {strides = array<i32>} : memref<512x1x32xf32, #tpu.memory_space<vmem>>, vector<1x1x16xf32>,
        %get3A_980 = arith.index_cast %add3A_957 : i32 to index
        %get3A_981 = arith.constant 16 : index
        %get3A_982 = tpu.vector_load %arg11[%get3A_980, %get3A_981] {strides = array<i32>} : memref<512x32xf32, #tpu.memory_space<vmem>>, vector<1x16xf32>,
        %get3A_983 = vector.shape_cast %get3A_982 : vector<1x16xf32> to vector<16xf32>
        %get3A_984 = arith.index_cast %add3A_957 : i32 to index
        %get3A_985 = arith.constant 16 : index
        %get3A_986 = tpu.vector_load %arg12[%get3A_984, %get3A_985] {strides = array<i32>} : memref<512x32xf32, #tpu.memory_space<vmem>>, vector<1x16xf32>,
        %get3A_987 = vector.shape_cast %get3A_986 : vector<1x16xf32> to vector<16xf32>
        %sub3A_988 = arith.subf %get3A_987, %get3A_983 : vector<16xf32>
        %mul3A_989 = arith.mulf %gather3A_961, %sub3A_988 : vector<16xf32>
        %add3A_990 = arith.addf %get3A_983, %mul3A_989 : vector<16xf32>
        %swap3A_991 = arith.constant 0 : i32
        %swap3A_992 = arith.index_cast %add3A_957 : i32 to index
        %swap3A_993 = arith.index_cast %swap3A_991 : i32 to index
        %swap3A_994 = arith.constant 16 : index
        %swap3A_995 = tpu.vector_load %arg15[%swap3A_992, %swap3A_993, %swap3A_994] {strides = array<i32>} : memref<512x1x32xf32, #tpu.memory_space<vmem>>, vector<1x1x16xf32>,
        %swap3A_996 = vector.shape_cast %swap3A_995 : vector<1x1x16xf32> to vector<16xf32>
        %swap3A_997 = vector.shape_cast %add3A_990 : vector<16xf32> to vector<1x1x16xf32>
        tpu.vector_store %arg15[%swap3A_992, %swap3A_993, %swap3A_994], %swap3A_997 {strides = array<i32>} : memref<512x1x32xf32, #tpu.memory_space<vmem>>, vector<1x1x16xf32>,
        %scan3A_998 = arith.constant 0 : i32
        scf.yield %scan3A_998 : i32
      }
      %scan3A_190 = arith.constant 32 : i32
      "tpu.region"() ({
        %run_scoped3A_292 = tpu.sem_alloc : memref<!tpu.dma_semaphore, #tpu.memory_space<semaphore_mem>>
        %dma_start3A_293 = arith.constant 0 : i32
        %dma_start3A_294 = tpu.memref_slice %arg4[%mul3A_2, %mul3A_183, %dma_start3A_293] : memref<16384x26x32xf32, #tpu.memory_space<hbm>> -> memref<512x1x32xf32, #tpu.memory_space<hbm>>
        %dma_start3A_295 = arith.constant 0 : i32
        %dma_start3A_296 = tpu.memref_slice %arg4[%mul3A_2, %mul3A_183, %dma_start3A_295] : memref<16384x26x32xf32, #tpu.memory_space<hbm>> -> memref<512x1x32xf32, #tpu.memory_space<hbm>>
        tpu.enqueue_dma source(%arg15 : memref<512x1x32xf32, #tpu.memory_space<vmem>>) target(%dma_start3A_296 : memref<512x1x32xf32, #tpu.memory_space<hbm>>) target_semaphore(%run_scoped3A_292 : memref<!tpu.dma_semaphore, #tpu.memory_space<semaphore_mem>>)
        %dma_wait3A_297 = arith.constant 0 : i32
        %dma_wait3A_298 = tpu.memref_slice %arg4[%mul3A_2, %mul3A_183, %dma_wait3A_297] : memref<16384x26x32xf32, #tpu.memory_space<hbm>> -> memref<512x1x32xf32, #tpu.memory_space<hbm>>
        %dma_wait3A_299 = arith.constant 0 : i32
        %dma_wait3A_300 = tpu.memref_slice %arg4[%mul3A_2, %mul3A_183, %dma_wait3A_299] : memref<16384x26x32xf32, #tpu.memory_space<hbm>> -> memref<512x1x32xf32, #tpu.memory_space<hbm>>
        tpu.wait_dma2 semaphore(%run_scoped3A_292 : memref<!tpu.dma_semaphore, #tpu.memory_space<semaphore_mem>>) src(%arg15 : memref<512x1x32xf32, #tpu.memory_space<vmem>>) dst(%dma_wait3A_300 : memref<512x1x32xf32, #tpu.memory_space<hbm>>)
        tpu.yield
      }) : () -> ()
      %mul3A_191 = arith.constant 2 : i32
      %mul3A_192 = arith.muli %mul3A_191, %scan3A_95 : i32
      %add3A_193 = arith.constant 2 : i32
      %add3A_194 = arith.addi %mul3A_192, %add3A_193 : i32
      %lt3A_195 = arith.constant 26 : i32
      %lt3A_196 = arith.cmpi slt, %add3A_194, %lt3A_195 : i32
      %convert_element_type3A_197 = arith.extui %lt3A_196 : i1 to i32
      %cond3A_198 = arith.constant 0 : i32
      %cond3A_199 = arith.cmpi ne, %convert_element_type3A_197, %cond3A_198 : i32
      scf.if %cond3A_199 {
        "tpu.region"() ({
          %run_scoped3A_379 = tpu.sem_alloc : memref<!tpu.dma_semaphore, #tpu.memory_space<semaphore_mem>>
          %dma_start3A_380 = tpu.memref_slice %arg2[%add3A_194, %mul3A_2] : memref<26x16384xf32, #tpu.memory_space<hbm>> -> memref<1x512xf32, #tpu.memory_space<hbm>>
          %dma_start3A_381 = tpu.memref_squeeze %dma_start3A_380 : memref<1x512xf32, #tpu.memory_space<hbm>> -> memref<512xf32, #tpu.memory_space<hbm>>
          %dma_start3A_382 = tpu.memref_slice %arg2[%add3A_194, %mul3A_2] : memref<26x16384xf32, #tpu.memory_space<hbm>> -> memref<1x512xf32, #tpu.memory_space<hbm>>
          %dma_start3A_383 = tpu.memref_squeeze %dma_start3A_382 : memref<1x512xf32, #tpu.memory_space<hbm>> -> memref<512xf32, #tpu.memory_space<hbm>>
          tpu.enqueue_dma source(%dma_start3A_383 : memref<512xf32, #tpu.memory_space<hbm>>) target(%arg5 : memref<512xf32, #tpu.memory_space<vmem>>) target_semaphore(%run_scoped3A_379 : memref<!tpu.dma_semaphore, #tpu.memory_space<semaphore_mem>>)
          %dma_wait3A_384 = tpu.memref_slice %arg2[%add3A_194, %mul3A_2] : memref<26x16384xf32, #tpu.memory_space<hbm>> -> memref<1x512xf32, #tpu.memory_space<hbm>>
          %dma_wait3A_385 = tpu.memref_squeeze %dma_wait3A_384 : memref<1x512xf32, #tpu.memory_space<hbm>> -> memref<512xf32, #tpu.memory_space<hbm>>
          %dma_wait3A_386 = tpu.memref_slice %arg2[%add3A_194, %mul3A_2] : memref<26x16384xf32, #tpu.memory_space<hbm>> -> memref<1x512xf32, #tpu.memory_space<hbm>>
          %dma_wait3A_387 = tpu.memref_squeeze %dma_wait3A_386 : memref<1x512xf32, #tpu.memory_space<hbm>> -> memref<512xf32, #tpu.memory_space<hbm>>
          tpu.wait_dma2 semaphore(%run_scoped3A_379 : memref<!tpu.dma_semaphore, #tpu.memory_space<semaphore_mem>>) src(%dma_wait3A_387 : memref<512xf32, #tpu.memory_space<hbm>>) dst(%arg5 : memref<512xf32, #tpu.memory_space<vmem>>)
          tpu.yield
        }) : () -> ()
        %scan3A_292 = arith.constant 0 : i32
        %scan3A_293 = arith.constant 0 : i32
        %scan3A_294 = arith.constant 32 : i32
        %scan3A_295 = arith.addi %scan3A_293, %scan3A_294 : i32
        %scan3A_296 = arith.constant 1 : i32
        %scan3A_297 = scf.for %scan3A_379 = %scan3A_293 to %scan3A_295 step %scan3A_296 iter_args(%scan3A_380 = %scan3A_292) -> (i32)  : i32 {
          %mul3A_381 = arith.constant 16 : i32
          %mul3A_382 = arith.muli %scan3A_379, %mul3A_381 : i32
          %get3A = arith.index_cast %mul3A_382 : i32 to index
          %get3A_383 = tpu.vector_load %arg5[%get3A] {strides = array<i32>} : memref<512xf32, #tpu.memory_space<vmem>>, vector<16xf32>,
          %get3A_384 = vector.shape_cast %get3A_383 : vector<16xf32> to vector<16xf32>
          %convert_element_type3A_385 = arith.fptosi %get3A_384 : vector<16xf32> to vector<16xi32>
          %convert_element_type3A_386 = arith.sitofp %convert_element_type3A_385 : vector<16xi32> to vector<16xf32>
          %sub3A = arith.subf %get3A_384, %convert_element_type3A_386 : vector<16xf32>
          %add3A_387 = arith.constant 1 : i32
          %add3A_388 = vector.broadcast %add3A_387 : i32 to vector<16xi32>
          %add3A_389 = arith.addi %convert_element_type3A_385, %add3A_388 : vector<16xi32>
          %min3A = arith.constant 999999 : i32
          %min3A_390 = vector.broadcast %min3A : i32 to vector<16xi32>
          %min3A_391 = arith.minsi %add3A_389, %min3A_390 : vector<16xi32>
          %jit3A = arith.constant 8 : i32
          %div3A = arith.divsi %scan3A_379, %jit3A : i32
          %sign3A = arith.constant 0 : i32
          %sign3A_392 = arith.cmpi sgt, %scan3A_379, %sign3A : i32
          %sign3A_393 = arith.extui %sign3A_392 : i1 to i32
          %sign3A_394 = arith.constant 0 : i32
          %sign3A_395 = arith.cmpi slt, %scan3A_379, %sign3A_394 : i32
          %sign3A_396 = arith.extui %sign3A_395 : i1 to i32
          %sign3A_397 = arith.subi %sign3A_393, %sign3A_396 : i32
          %sign3A_398 = arith.constant 0 : i32
          %sign3A_399 = arith.cmpi sgt, %jit3A, %sign3A_398 : i32
          %sign3A_400 = arith.extui %sign3A_399 : i1 to i32
          %sign3A_401 = arith.constant 0 : i32
          %sign3A_402 = arith.cmpi slt, %jit3A, %sign3A_401 : i32
          %sign3A_403 = arith.extui %sign3A_402 : i1 to i32
          %sign3A_404 = arith.subi %sign3A_400, %sign3A_403 : i32
          %ne3A = arith.cmpi ne, %sign3A_397, %sign3A_404 : i32
          %rem3A = arith.remsi %scan3A_379, %jit3A : i32
          %ne3A_405 = arith.constant 0 : i32
          %ne3A_406 = arith.cmpi ne, %rem3A, %ne3A_405 : i32
          %and3A = arith.andi %ne3A, %ne3A_406 : i1
          %sub3A_407 = arith.constant 1 : i32
          %sub3A_408 = arith.subi %div3A, %sub3A_407 : i32
          %select_n3A = arith.select %and3A, %sub3A_408, %div3A : i32
          %jit3A_409 = arith.constant 8 : i32
          %eq3A = arith.constant 0 : i32
          %eq3A_410 = arith.cmpi eq, %jit3A_409, %eq3A : i32
          %jit3A_411 = arith.constant 1 : i32
          %select_n3A_412 = arith.select %eq3A_410, %jit3A_411, %jit3A_409 : i32
          %rem3A_413 = arith.remsi %scan3A_379, %select_n3A_412 : i32
          %ne3A_414 = arith.constant 0 : i32
          %ne3A_415 = arith.cmpi ne, %rem3A_413, %ne3A_414 : i32
          %lt3A_416 = arith.constant 0 : i32
          %lt3A_417 = arith.cmpi slt, %rem3A_413, %lt3A_416 : i32
          %lt3A_418 = arith.constant 0 : i32
          %lt3A_419 = arith.cmpi slt, %select_n3A_412, %lt3A_418 : i32
          %ne3A_420 = arith.xori %lt3A_417, %lt3A_419 : i1
          %and3A_421 = arith.andi %ne3A_420, %ne3A_415 : i1
          %add3A_422 = arith.addi %rem3A_413, %select_n3A_412 : i32
          %select_n3A_423 = arith.select %and3A_421, %add3A_422, %rem3A_413 : i32
          %mul3A_424 = arith.constant 16 : i32
          %mul3A_425 = arith.muli %select_n3A_423, %mul3A_424 : i32
          %shift_left3A = arith.constant 2 : i32
          %shift_left3A_426 = vector.broadcast %shift_left3A : i32 to vector<16xi32>
          %shift_left3A_427 = arith.shli %convert_element_type3A_385, %shift_left3A_426 : vector<16xi32>
          %swap3A = arith.index_cast %select_n3A : i32 to index
          %swap3A_428 = arith.index_cast %mul3A_425 : i32 to index
          %swap3A_429 = tpu.vector_load %arg7[%swap3A, %swap3A_428] {strides = array<i32>} : memref<4x128xi32, #tpu.memory_space<vmem>>, vector<1x16xi32>,
          %swap3A_430 = vector.shape_cast %swap3A_429 : vector<1x16xi32> to vector<16xi32>
          %swap3A_431 = vector.shape_cast %shift_left3A_427 : vector<16xi32> to vector<1x16xi32>
          tpu.vector_store %arg7[%swap3A, %swap3A_428], %swap3A_431 {strides = array<i32>} : memref<4x128xi32, #tpu.memory_space<vmem>>, vector<1x16xi32>,
          %shift_left3A_432 = arith.constant 2 : i32
          %shift_left3A_433 = vector.broadcast %shift_left3A_432 : i32 to vector<16xi32>
          %shift_left3A_434 = arith.shli %min3A_391, %shift_left3A_433 : vector<16xi32>
          %swap3A_435 = arith.index_cast %select_n3A : i32 to index
          %swap3A_436 = arith.index_cast %mul3A_425 : i32 to index
          %swap3A_437 = tpu.vector_load %arg8[%swap3A_435, %swap3A_436] {strides = array<i32>} : memref<4x128xi32, #tpu.memory_space<vmem>>, vector<1x16xi32>,
          %swap3A_438 = vector.shape_cast %swap3A_437 : vector<1x16xi32> to vector<16xi32>
          %swap3A_439 = vector.shape_cast %shift_left3A_434 : vector<16xi32> to vector<1x16xi32>
          tpu.vector_store %arg8[%swap3A_435, %swap3A_436], %swap3A_439 {strides = array<i32>} : memref<4x128xi32, #tpu.memory_space<vmem>>, vector<1x16xi32>,
          %mul3A_440 = arith.constant 16 : i32
          %mul3A_441 = arith.muli %scan3A_379, %mul3A_440 : i32
          %swap3A_442 = arith.index_cast %mul3A_441 : i32 to index
          %swap3A_443 = tpu.vector_load %arg5[%swap3A_442] {strides = array<i32>} : memref<512xf32, #tpu.memory_space<vmem>>, vector<16xf32>,
          %swap3A_444 = vector.shape_cast %swap3A_443 : vector<16xf32> to vector<16xf32>
          %swap3A_445 = vector.shape_cast %sub3A : vector<16xf32> to vector<16xf32>
          tpu.vector_store %arg5[%swap3A_442], %swap3A_445 {strides = array<i32>} : memref<512xf32, #tpu.memory_space<vmem>>, vector<16xf32>,
          %scan3A_446 = arith.constant 0 : i32
          scf.yield %scan3A_446 : i32
        }
        %scan3A_298 = arith.constant 32 : i32
        %dma_start3A_299 = arith.constant 0 : i32
        %dma_start3A_300 = arith.constant 0 : i32
        %dma_start3A_301 = arith.constant 0 : i32
        %dma_start3A_302 = tpu.memref_slice %arg11[%dma_start3A_300, %dma_start3A_301] : memref<512x32xf32, #tpu.memory_space<vmem>> -> memref<128x32xf32, #tpu.memory_space<vmem>>
        %dma_start3A_303 = arith.constant 0 : i32
        %dma_start3A_304 = tpu.memref_slice %arg7[%dma_start3A_299, %dma_start3A_303] : memref<4x128xi32, #tpu.memory_space<vmem>> -> memref<1x128xi32, #tpu.memory_space<vmem>>
        %dma_start3A_305 = tpu.memref_squeeze %dma_start3A_304 : memref<1x128xi32, #tpu.memory_space<vmem>> -> memref<128xi32, #tpu.memory_space<vmem>>
        %dma_start3A_306 = arith.constant 0 : i32
        %dma_start3A_307 = arith.constant 0 : i32
        %dma_start3A_308 = tpu.memref_slice %arg3[%dma_start3A_306, %dma_start3A_307] : memref<4000000x32xf32, #tpu.memory_space<hbm>> -> memref<4000000x32xf32, #tpu.memory_space<hbm>>
        tpu.enqueue_indirect_dma source(%dma_start3A_308 : memref<4000000x32xf32, #tpu.memory_space<hbm>>) target(%dma_start3A_302 : memref<128x32xf32, #tpu.memory_space<vmem>>) offsets(%dma_start3A_305 : memref<128xi32, #tpu.memory_space<vmem>>) semaphore(%arg17 : memref<!tpu.dma_semaphore, #tpu.memory_space<semaphore_mem>>)
        %dma_start3A_309 = arith.constant 0 : i32
        %dma_start3A_310 = arith.constant 0 : i32
        %dma_start3A_311 = arith.constant 0 : i32
        %dma_start3A_312 = tpu.memref_slice %arg12[%dma_start3A_310, %dma_start3A_311] : memref<512x32xf32, #tpu.memory_space<vmem>> -> memref<128x32xf32, #tpu.memory_space<vmem>>
        %dma_start3A_313 = arith.constant 0 : i32
        %dma_start3A_314 = tpu.memref_slice %arg8[%dma_start3A_309, %dma_start3A_313] : memref<4x128xi32, #tpu.memory_space<vmem>> -> memref<1x128xi32, #tpu.memory_space<vmem>>
        %dma_start3A_315 = tpu.memref_squeeze %dma_start3A_314 : memref<1x128xi32, #tpu.memory_space<vmem>> -> memref<128xi32, #tpu.memory_space<vmem>>
        %dma_start3A_316 = arith.constant 0 : i32
        %dma_start3A_317 = arith.constant 0 : i32
        %dma_start3A_318 = tpu.memref_slice %arg3[%dma_start3A_316, %dma_start3A_317] : memref<4000000x32xf32, #tpu.memory_space<hbm>> -> memref<4000000x32xf32, #tpu.memory_space<hbm>>
        tpu.enqueue_indirect_dma source(%dma_start3A_318 : memref<4000000x32xf32, #tpu.memory_space<hbm>>) target(%dma_start3A_312 : memref<128x32xf32, #tpu.memory_space<vmem>>) offsets(%dma_start3A_315 : memref<128xi32, #tpu.memory_space<vmem>>) semaphore(%arg17 : memref<!tpu.dma_semaphore, #tpu.memory_space<semaphore_mem>>)
        %dma_start3A_319 = arith.constant 1 : i32
        %dma_start3A_320 = arith.constant 128 : i32
        %dma_start3A_321 = arith.constant 0 : i32
        %dma_start3A_322 = tpu.memref_slice %arg11[%dma_start3A_320, %dma_start3A_321] : memref<512x32xf32, #tpu.memory_space<vmem>> -> memref<128x32xf32, #tpu.memory_space<vmem>>
        %dma_start3A_323 = arith.constant 0 : i32
        %dma_start3A_324 = tpu.memref_slice %arg7[%dma_start3A_319, %dma_start3A_323] : memref<4x128xi32, #tpu.memory_space<vmem>> -> memref<1x128xi32, #tpu.memory_space<vmem>>
        %dma_start3A_325 = tpu.memref_squeeze %dma_start3A_324 : memref<1x128xi32, #tpu.memory_space<vmem>> -> memref<128xi32, #tpu.memory_space<vmem>>
        %dma_start3A_326 = arith.constant 0 : i32
        %dma_start3A_327 = arith.constant 0 : i32
        %dma_start3A_328 = tpu.memref_slice %arg3[%dma_start3A_326, %dma_start3A_327] : memref<4000000x32xf32, #tpu.memory_space<hbm>> -> memref<4000000x32xf32, #tpu.memory_space<hbm>>
        tpu.enqueue_indirect_dma source(%dma_start3A_328 : memref<4000000x32xf32, #tpu.memory_space<hbm>>) target(%dma_start3A_322 : memref<128x32xf32, #tpu.memory_space<vmem>>) offsets(%dma_start3A_325 : memref<128xi32, #tpu.memory_space<vmem>>) semaphore(%arg17 : memref<!tpu.dma_semaphore, #tpu.memory_space<semaphore_mem>>)
        %dma_start3A_329 = arith.constant 1 : i32
        %dma_start3A_330 = arith.constant 128 : i32
        %dma_start3A_331 = arith.constant 0 : i32
        %dma_start3A_332 = tpu.memref_slice %arg12[%dma_start3A_330, %dma_start3A_331] : memref<512x32xf32, #tpu.memory_space<vmem>> -> memref<128x32xf32, #tpu.memory_space<vmem>>
        %dma_start3A_333 = arith.constant 0 : i32
        %dma_start3A_334 = tpu.memref_slice %arg8[%dma_start3A_329, %dma_start3A_333] : memref<4x128xi32, #tpu.memory_space<vmem>> -> memref<1x128xi32, #tpu.memory_space<vmem>>
        %dma_start3A_335 = tpu.memref_squeeze %dma_start3A_334 : memref<1x128xi32, #tpu.memory_space<vmem>> -> memref<128xi32, #tpu.memory_space<vmem>>
        %dma_start3A_336 = arith.constant 0 : i32
        %dma_start3A_337 = arith.constant 0 : i32
        %dma_start3A_338 = tpu.memref_slice %arg3[%dma_start3A_336, %dma_start3A_337] : memref<4000000x32xf32, #tpu.memory_space<hbm>> -> memref<4000000x32xf32, #tpu.memory_space<hbm>>
        tpu.enqueue_indirect_dma source(%dma_start3A_338 : memref<4000000x32xf32, #tpu.memory_space<hbm>>) target(%dma_start3A_332 : memref<128x32xf32, #tpu.memory_space<vmem>>) offsets(%dma_start3A_335 : memref<128xi32, #tpu.memory_space<vmem>>) semaphore(%arg17 : memref<!tpu.dma_semaphore, #tpu.memory_space<semaphore_mem>>)
        %dma_start3A_339 = arith.constant 2 : i32
        %dma_start3A_340 = arith.constant 256 : i32
        %dma_start3A_341 = arith.constant 0 : i32
        %dma_start3A_342 = tpu.memref_slice %arg11[%dma_start3A_340, %dma_start3A_341] : memref<512x32xf32, #tpu.memory_space<vmem>> -> memref<128x32xf32, #tpu.memory_space<vmem>>
        %dma_start3A_343 = arith.constant 0 : i32
        %dma_start3A_344 = tpu.memref_slice %arg7[%dma_start3A_339, %dma_start3A_343] : memref<4x128xi32, #tpu.memory_space<vmem>> -> memref<1x128xi32, #tpu.memory_space<vmem>>
        %dma_start3A_345 = tpu.memref_squeeze %dma_start3A_344 : memref<1x128xi32, #tpu.memory_space<vmem>> -> memref<128xi32, #tpu.memory_space<vmem>>
        %dma_start3A_346 = arith.constant 0 : i32
        %dma_start3A_347 = arith.constant 0 : i32
        %dma_start3A_348 = tpu.memref_slice %arg3[%dma_start3A_346, %dma_start3A_347] : memref<4000000x32xf32, #tpu.memory_space<hbm>> -> memref<4000000x32xf32, #tpu.memory_space<hbm>>
        tpu.enqueue_indirect_dma source(%dma_start3A_348 : memref<4000000x32xf32, #tpu.memory_space<hbm>>) target(%dma_start3A_342 : memref<128x32xf32, #tpu.memory_space<vmem>>) offsets(%dma_start3A_345 : memref<128xi32, #tpu.memory_space<vmem>>) semaphore(%arg17 : memref<!tpu.dma_semaphore, #tpu.memory_space<semaphore_mem>>)
        %dma_start3A_349 = arith.constant 2 : i32
        %dma_start3A_350 = arith.constant 256 : i32
        %dma_start3A_351 = arith.constant 0 : i32
        %dma_start3A_352 = tpu.memref_slice %arg12[%dma_start3A_350, %dma_start3A_351] : memref<512x32xf32, #tpu.memory_space<vmem>> -> memref<128x32xf32, #tpu.memory_space<vmem>>
        %dma_start3A_353 = arith.constant 0 : i32
        %dma_start3A_354 = tpu.memref_slice %arg8[%dma_start3A_349, %dma_start3A_353] : memref<4x128xi32, #tpu.memory_space<vmem>> -> memref<1x128xi32, #tpu.memory_space<vmem>>
        %dma_start3A_355 = tpu.memref_squeeze %dma_start3A_354 : memref<1x128xi32, #tpu.memory_space<vmem>> -> memref<128xi32, #tpu.memory_space<vmem>>
        %dma_start3A_356 = arith.constant 0 : i32
        %dma_start3A_357 = arith.constant 0 : i32
        %dma_start3A_358 = tpu.memref_slice %arg3[%dma_start3A_356, %dma_start3A_357] : memref<4000000x32xf32, #tpu.memory_space<hbm>> -> memref<4000000x32xf32, #tpu.memory_space<hbm>>
        tpu.enqueue_indirect_dma source(%dma_start3A_358 : memref<4000000x32xf32, #tpu.memory_space<hbm>>) target(%dma_start3A_352 : memref<128x32xf32, #tpu.memory_space<vmem>>) offsets(%dma_start3A_355 : memref<128xi32, #tpu.memory_space<vmem>>) semaphore(%arg17 : memref<!tpu.dma_semaphore, #tpu.memory_space<semaphore_mem>>)
        %dma_start3A_359 = arith.constant 3 : i32
        %dma_start3A_360 = arith.constant 384 : i32
        %dma_start3A_361 = arith.constant 0 : i32
        %dma_start3A_362 = tpu.memref_slice %arg11[%dma_start3A_360, %dma_start3A_361] : memref<512x32xf32, #tpu.memory_space<vmem>> -> memref<128x32xf32, #tpu.memory_space<vmem>>
        %dma_start3A_363 = arith.constant 0 : i32
        %dma_start3A_364 = tpu.memref_slice %arg7[%dma_start3A_359, %dma_start3A_363] : memref<4x128xi32, #tpu.memory_space<vmem>> -> memref<1x128xi32, #tpu.memory_space<vmem>>
        %dma_start3A_365 = tpu.memref_squeeze %dma_start3A_364 : memref<1x128xi32, #tpu.memory_space<vmem>> -> memref<128xi32, #tpu.memory_space<vmem>>
        %dma_start3A_366 = arith.constant 0 : i32
        %dma_start3A_367 = arith.constant 0 : i32
        %dma_start3A_368 = tpu.memref_slice %arg3[%dma_start3A_366, %dma_start3A_367] : memref<4000000x32xf32, #tpu.memory_space<hbm>> -> memref<4000000x32xf32, #tpu.memory_space<hbm>>
        tpu.enqueue_indirect_dma source(%dma_start3A_368 : memref<4000000x32xf32, #tpu.memory_space<hbm>>) target(%dma_start3A_362 : memref<128x32xf32, #tpu.memory_space<vmem>>) offsets(%dma_start3A_365 : memref<128xi32, #tpu.memory_space<vmem>>) semaphore(%arg17 : memref<!tpu.dma_semaphore, #tpu.memory_space<semaphore_mem>>)
        %dma_start3A_369 = arith.constant 3 : i32
        %dma_start3A_370 = arith.constant 384 : i32
        %dma_start3A_371 = arith.constant 0 : i32
        %dma_start3A_372 = tpu.memref_slice %arg12[%dma_start3A_370, %dma_start3A_371] : memref<512x32xf32, #tpu.memory_space<vmem>> -> memref<128x32xf32, #tpu.memory_space<vmem>>
        %dma_start3A_373 = arith.constant 0 : i32
        %dma_start3A_374 = tpu.memref_slice %arg8[%dma_start3A_369, %dma_start3A_373] : memref<4x128xi32, #tpu.memory_space<vmem>> -> memref<1x128xi32, #tpu.memory_space<vmem>>
        %dma_start3A_375 = tpu.memref_squeeze %dma_start3A_374 : memref<1x128xi32, #tpu.memory_space<vmem>> -> memref<128xi32, #tpu.memory_space<vmem>>
        %dma_start3A_376 = arith.constant 0 : i32
        %dma_start3A_377 = arith.constant 0 : i32
        %dma_start3A_378 = tpu.memref_slice %arg3[%dma_start3A_376, %dma_start3A_377] : memref<4000000x32xf32, #tpu.memory_space<hbm>> -> memref<4000000x32xf32, #tpu.memory_space<hbm>>
        tpu.enqueue_indirect_dma source(%dma_start3A_378 : memref<4000000x32xf32, #tpu.memory_space<hbm>>) target(%dma_start3A_372 : memref<128x32xf32, #tpu.memory_space<vmem>>) offsets(%dma_start3A_375 : memref<128xi32, #tpu.memory_space<vmem>>) semaphore(%arg17 : memref<!tpu.dma_semaphore, #tpu.memory_space<semaphore_mem>>)
      } else {
      }
      %dma_wait3A_200 = arith.constant 0 : i32
      %dma_wait3A_201 = arith.constant 0 : i32
      %dma_wait3A_202 = arith.constant 0 : i32
      %dma_wait3A_203 = tpu.memref_slice %arg13[%dma_wait3A_201, %dma_wait3A_202] : memref<512x32xf32, #tpu.memory_space<vmem>> -> memref<128x32xf32, #tpu.memory_space<vmem>>
      %dma_wait3A_204 = arith.constant 0 : i32
      %dma_wait3A_205 = tpu.memref_slice %arg9[%dma_wait3A_200, %dma_wait3A_204] : memref<4x128xi32, #tpu.memory_space<vmem>> -> memref<1x128xi32, #tpu.memory_space<vmem>>
      %dma_wait3A_206 = tpu.memref_squeeze %dma_wait3A_205 : memref<1x128xi32, #tpu.memory_space<vmem>> -> memref<128xi32, #tpu.memory_space<vmem>>
      %dma_wait3A_207 = arith.constant 0 : i32
      %dma_wait3A_208 = arith.constant 0 : i32
      %dma_wait3A_209 = tpu.memref_slice %arg3[%dma_wait3A_207, %dma_wait3A_208] : memref<4000000x32xf32, #tpu.memory_space<hbm>> -> memref<4000000x32xf32, #tpu.memory_space<hbm>>
      tpu.wait_indirect_dma semaphore(%arg18 : memref<!tpu.dma_semaphore, #tpu.memory_space<semaphore_mem>>) src(%dma_wait3A_209 : memref<4000000x32xf32, #tpu.memory_space<hbm>>) dst(%dma_wait3A_203 : memref<128x32xf32, #tpu.memory_space<vmem>>)
      %dma_wait3A_210 = arith.constant 0 : i32
      %dma_wait3A_211 = arith.constant 0 : i32
      %dma_wait3A_212 = arith.constant 0 : i32
      %dma_wait3A_213 = tpu.memref_slice %arg14[%dma_wait3A_211, %dma_wait3A_212] : memref<512x32xf32, #tpu.memory_space<vmem>> -> memref<128x32xf32, #tpu.memory_space<vmem>>
      %dma_wait3A_214 = arith.constant 0 : i32
      %dma_wait3A_215 = tpu.memref_slice %arg10[%dma_wait3A_210, %dma_wait3A_214] : memref<4x128xi32, #tpu.memory_space<vmem>> -> memref<1x128xi32, #tpu.memory_space<vmem>>
      %dma_wait3A_216 = tpu.memref_squeeze %dma_wait3A_215 : memref<1x128xi32, #tpu.memory_space<vmem>> -> memref<128xi32, #tpu.memory_space<vmem>>
      %dma_wait3A_217 = arith.constant 0 : i32
      %dma_wait3A_218 = arith.constant 0 : i32
      %dma_wait3A_219 = tpu.memref_slice %arg3[%dma_wait3A_217, %dma_wait3A_218] : memref<4000000x32xf32, #tpu.memory_space<hbm>> -> memref<4000000x32xf32, #tpu.memory_space<hbm>>
      tpu.wait_indirect_dma semaphore(%arg18 : memref<!tpu.dma_semaphore, #tpu.memory_space<semaphore_mem>>) src(%dma_wait3A_219 : memref<4000000x32xf32, #tpu.memory_space<hbm>>) dst(%dma_wait3A_213 : memref<128x32xf32, #tpu.memory_space<vmem>>)
      %dma_wait3A_220 = arith.constant 1 : i32
      %dma_wait3A_221 = arith.constant 128 : i32
      %dma_wait3A_222 = arith.constant 0 : i32
      %dma_wait3A_223 = tpu.memref_slice %arg13[%dma_wait3A_221, %dma_wait3A_222] : memref<512x32xf32, #tpu.memory_space<vmem>> -> memref<128x32xf32, #tpu.memory_space<vmem>>
      %dma_wait3A_224 = arith.constant 0 : i32
      %dma_wait3A_225 = tpu.memref_slice %arg9[%dma_wait3A_220, %dma_wait3A_224] : memref<4x128xi32, #tpu.memory_space<vmem>> -> memref<1x128xi32, #tpu.memory_space<vmem>>
      %dma_wait3A_226 = tpu.memref_squeeze %dma_wait3A_225 : memref<1x128xi32, #tpu.memory_space<vmem>> -> memref<128xi32, #tpu.memory_space<vmem>>
      %dma_wait3A_227 = arith.constant 0 : i32
      %dma_wait3A_228 = arith.constant 0 : i32
      %dma_wait3A_229 = tpu.memref_slice %arg3[%dma_wait3A_227, %dma_wait3A_228] : memref<4000000x32xf32, #tpu.memory_space<hbm>> -> memref<4000000x32xf32, #tpu.memory_space<hbm>>
      tpu.wait_indirect_dma semaphore(%arg18 : memref<!tpu.dma_semaphore, #tpu.memory_space<semaphore_mem>>) src(%dma_wait3A_229 : memref<4000000x32xf32, #tpu.memory_space<hbm>>) dst(%dma_wait3A_223 : memref<128x32xf32, #tpu.memory_space<vmem>>)
      %dma_wait3A_230 = arith.constant 1 : i32
      %dma_wait3A_231 = arith.constant 128 : i32
      %dma_wait3A_232 = arith.constant 0 : i32
      %dma_wait3A_233 = tpu.memref_slice %arg14[%dma_wait3A_231, %dma_wait3A_232] : memref<512x32xf32, #tpu.memory_space<vmem>> -> memref<128x32xf32, #tpu.memory_space<vmem>>
      %dma_wait3A_234 = arith.constant 0 : i32
      %dma_wait3A_235 = tpu.memref_slice %arg10[%dma_wait3A_230, %dma_wait3A_234] : memref<4x128xi32, #tpu.memory_space<vmem>> -> memref<1x128xi32, #tpu.memory_space<vmem>>
      %dma_wait3A_236 = tpu.memref_squeeze %dma_wait3A_235 : memref<1x128xi32, #tpu.memory_space<vmem>> -> memref<128xi32, #tpu.memory_space<vmem>>
      %dma_wait3A_237 = arith.constant 0 : i32
      %dma_wait3A_238 = arith.constant 0 : i32
      %dma_wait3A_239 = tpu.memref_slice %arg3[%dma_wait3A_237, %dma_wait3A_238] : memref<4000000x32xf32, #tpu.memory_space<hbm>> -> memref<4000000x32xf32, #tpu.memory_space<hbm>>
      tpu.wait_indirect_dma semaphore(%arg18 : memref<!tpu.dma_semaphore, #tpu.memory_space<semaphore_mem>>) src(%dma_wait3A_239 : memref<4000000x32xf32, #tpu.memory_space<hbm>>) dst(%dma_wait3A_233 : memref<128x32xf32, #tpu.memory_space<vmem>>)
      %dma_wait3A_240 = arith.constant 2 : i32
      %dma_wait3A_241 = arith.constant 256 : i32
      %dma_wait3A_242 = arith.constant 0 : i32
      %dma_wait3A_243 = tpu.memref_slice %arg13[%dma_wait3A_241, %dma_wait3A_242] : memref<512x32xf32, #tpu.memory_space<vmem>> -> memref<128x32xf32, #tpu.memory_space<vmem>>
      %dma_wait3A_244 = arith.constant 0 : i32
      %dma_wait3A_245 = tpu.memref_slice %arg9[%dma_wait3A_240, %dma_wait3A_244] : memref<4x128xi32, #tpu.memory_space<vmem>> -> memref<1x128xi32, #tpu.memory_space<vmem>>
      %dma_wait3A_246 = tpu.memref_squeeze %dma_wait3A_245 : memref<1x128xi32, #tpu.memory_space<vmem>> -> memref<128xi32, #tpu.memory_space<vmem>>
      %dma_wait3A_247 = arith.constant 0 : i32
      %dma_wait3A_248 = arith.constant 0 : i32
      %dma_wait3A_249 = tpu.memref_slice %arg3[%dma_wait3A_247, %dma_wait3A_248] : memref<4000000x32xf32, #tpu.memory_space<hbm>> -> memref<4000000x32xf32, #tpu.memory_space<hbm>>
      tpu.wait_indirect_dma semaphore(%arg18 : memref<!tpu.dma_semaphore, #tpu.memory_space<semaphore_mem>>) src(%dma_wait3A_249 : memref<4000000x32xf32, #tpu.memory_space<hbm>>) dst(%dma_wait3A_243 : memref<128x32xf32, #tpu.memory_space<vmem>>)
      %dma_wait3A_250 = arith.constant 2 : i32
      %dma_wait3A_251 = arith.constant 256 : i32
      %dma_wait3A_252 = arith.constant 0 : i32
      %dma_wait3A_253 = tpu.memref_slice %arg14[%dma_wait3A_251, %dma_wait3A_252] : memref<512x32xf32, #tpu.memory_space<vmem>> -> memref<128x32xf32, #tpu.memory_space<vmem>>
      %dma_wait3A_254 = arith.constant 0 : i32
      %dma_wait3A_255 = tpu.memref_slice %arg10[%dma_wait3A_250, %dma_wait3A_254] : memref<4x128xi32, #tpu.memory_space<vmem>> -> memref<1x128xi32, #tpu.memory_space<vmem>>
      %dma_wait3A_256 = tpu.memref_squeeze %dma_wait3A_255 : memref<1x128xi32, #tpu.memory_space<vmem>> -> memref<128xi32, #tpu.memory_space<vmem>>
      %dma_wait3A_257 = arith.constant 0 : i32
      %dma_wait3A_258 = arith.constant 0 : i32
      %dma_wait3A_259 = tpu.memref_slice %arg3[%dma_wait3A_257, %dma_wait3A_258] : memref<4000000x32xf32, #tpu.memory_space<hbm>> -> memref<4000000x32xf32, #tpu.memory_space<hbm>>
      tpu.wait_indirect_dma semaphore(%arg18 : memref<!tpu.dma_semaphore, #tpu.memory_space<semaphore_mem>>) src(%dma_wait3A_259 : memref<4000000x32xf32, #tpu.memory_space<hbm>>) dst(%dma_wait3A_253 : memref<128x32xf32, #tpu.memory_space<vmem>>)
      %dma_wait3A_260 = arith.constant 3 : i32
      %dma_wait3A_261 = arith.constant 384 : i32
      %dma_wait3A_262 = arith.constant 0 : i32
      %dma_wait3A_263 = tpu.memref_slice %arg13[%dma_wait3A_261, %dma_wait3A_262] : memref<512x32xf32, #tpu.memory_space<vmem>> -> memref<128x32xf32, #tpu.memory_space<vmem>>
      %dma_wait3A_264 = arith.constant 0 : i32
      %dma_wait3A_265 = tpu.memref_slice %arg9[%dma_wait3A_260, %dma_wait3A_264] : memref<4x128xi32, #tpu.memory_space<vmem>> -> memref<1x128xi32, #tpu.memory_space<vmem>>
      %dma_wait3A_266 = tpu.memref_squeeze %dma_wait3A_265 : memref<1x128xi32, #tpu.memory_space<vmem>> -> memref<128xi32, #tpu.memory_space<vmem>>
      %dma_wait3A_267 = arith.constant 0 : i32
      %dma_wait3A_268 = arith.constant 0 : i32
      %dma_wait3A_269 = tpu.memref_slice %arg3[%dma_wait3A_267, %dma_wait3A_268] : memref<4000000x32xf32, #tpu.memory_space<hbm>> -> memref<4000000x32xf32, #tpu.memory_space<hbm>>
      tpu.wait_indirect_dma semaphore(%arg18 : memref<!tpu.dma_semaphore, #tpu.memory_space<semaphore_mem>>) src(%dma_wait3A_269 : memref<4000000x32xf32, #tpu.memory_space<hbm>>) dst(%dma_wait3A_263 : memref<128x32xf32, #tpu.memory_space<vmem>>)
      %dma_wait3A_270 = arith.constant 3 : i32
      %dma_wait3A_271 = arith.constant 384 : i32
      %dma_wait3A_272 = arith.constant 0 : i32
      %dma_wait3A_273 = tpu.memref_slice %arg14[%dma_wait3A_271, %dma_wait3A_272] : memref<512x32xf32, #tpu.memory_space<vmem>> -> memref<128x32xf32, #tpu.memory_space<vmem>>
      %dma_wait3A_274 = arith.constant 0 : i32
      %dma_wait3A_275 = tpu.memref_slice %arg10[%dma_wait3A_270, %dma_wait3A_274] : memref<4x128xi32, #tpu.memory_space<vmem>> -> memref<1x128xi32, #tpu.memory_space<vmem>>
      %dma_wait3A_276 = tpu.memref_squeeze %dma_wait3A_275 : memref<1x128xi32, #tpu.memory_space<vmem>> -> memref<128xi32, #tpu.memory_space<vmem>>
      %dma_wait3A_277 = arith.constant 0 : i32
      %dma_wait3A_278 = arith.constant 0 : i32
      %dma_wait3A_279 = tpu.memref_slice %arg3[%dma_wait3A_277, %dma_wait3A_278] : memref<4000000x32xf32, #tpu.memory_space<hbm>> -> memref<4000000x32xf32, #tpu.memory_space<hbm>>
      tpu.wait_indirect_dma semaphore(%arg18 : memref<!tpu.dma_semaphore, #tpu.memory_space<semaphore_mem>>) src(%dma_wait3A_279 : memref<4000000x32xf32, #tpu.memory_space<hbm>>) dst(%dma_wait3A_273 : memref<128x32xf32, #tpu.memory_space<vmem>>)
      %mul3A_280 = arith.constant 2 : i32
      %mul3A_281 = arith.muli %mul3A_280, %scan3A_95 : i32
      %add3A_282 = arith.constant 1 : i32
      %add3A_283 = arith.addi %mul3A_281, %add3A_282 : i32
      %scan3A_284 = arith.constant 0 : i32
      %scan3A_285 = arith.constant 0 : i32
      %scan3A_286 = arith.constant 32 : i32
      %scan3A_287 = arith.addi %scan3A_285, %scan3A_286 : i32
      %scan3A_288 = arith.constant 1 : i32
      %scan3A_289 = scf.for %scan3A_292 = %scan3A_285 to %scan3A_287 step %scan3A_288 iter_args(%scan3A_293 = %scan3A_284) -> (i32)  : i32 {
        %mul3A_294 = arith.constant 16 : i32
        %mul3A_295 = arith.muli %scan3A_292, %mul3A_294 : i32
        %get3A = arith.index_cast %mul3A_295 : i32 to index
        %get3A_296 = tpu.vector_load %arg6[%get3A] {strides = array<i32>} : memref<512xf32, #tpu.memory_space<vmem>>, vector<16xf32>,
        %get3A_297 = vector.shape_cast %get3A_296 : vector<16xf32> to vector<16xf32>
        %mul3A_298 = arith.constant 16 : i32
        %mul3A_299 = arith.muli %scan3A_292, %mul3A_298 : i32
        %add3A_300 = arith.constant 0 : i32
        %add3A_301 = arith.addi %mul3A_299, %add3A_300 : i32
        %broadcast_in_dim3A = arith.constant 0 : i32
        %broadcast_in_dim3A_302 = vector.broadcast %broadcast_in_dim3A : i32 to vector<16x1xi32>
        %gather3A = vector.shape_cast %broadcast_in_dim3A_302 : vector<16x1xi32> to vector<16xi32>
        %gather3A_303 = tpu.dynamic_gather %get3A_297[%gather3A] in [0] : vector<16xf32>, vector<16xi32> -> vector<16xf32>
        %get3A_304 = arith.index_cast %add3A_301 : i32 to index
        %get3A_305 = arith.constant 0 : index
        %get3A_306 = tpu.vector_load %arg13[%get3A_304, %get3A_305] {strides = array<i32>} : memref<512x32xf32, #tpu.memory_space<vmem>>, vector<1x16xf32>,
        %get3A_307 = vector.shape_cast %get3A_306 : vector<1x16xf32> to vector<16xf32>
        %get3A_308 = arith.index_cast %add3A_301 : i32 to index
        %get3A_309 = arith.constant 0 : index
        %get3A_310 = tpu.vector_load %arg14[%get3A_308, %get3A_309] {strides = array<i32>} : memref<512x32xf32, #tpu.memory_space<vmem>>, vector<1x16xf32>,
        %get3A_311 = vector.shape_cast %get3A_310 : vector<1x16xf32> to vector<16xf32>
        %sub3A = arith.subf %get3A_311, %get3A_307 : vector<16xf32>
        %mul3A_312 = arith.mulf %gather3A_303, %sub3A : vector<16xf32>
        %add3A_313 = arith.addf %get3A_307, %mul3A_312 : vector<16xf32>
        %swap3A = arith.constant 0 : i32
        %swap3A_314 = arith.index_cast %add3A_301 : i32 to index
        %swap3A_315 = arith.index_cast %swap3A : i32 to index
        %swap3A_316 = arith.constant 0 : index
        %swap3A_317 = tpu.vector_load %arg16[%swap3A_314, %swap3A_315, %swap3A_316] {strides = array<i32>} : memref<512x1x32xf32, #tpu.memory_space<vmem>>, vector<1x1x16xf32>,
        %swap3A_318 = vector.shape_cast %swap3A_317 : vector<1x1x16xf32> to vector<16xf32>
        %swap3A_319 = vector.shape_cast %add3A_313 : vector<16xf32> to vector<1x1x16xf32>
        tpu.vector_store %arg16[%swap3A_314, %swap3A_315, %swap3A_316], %swap3A_319 {strides = array<i32>} : memref<512x1x32xf32, #tpu.memory_space<vmem>>, vector<1x1x16xf32>,
        %get3A_320 = arith.index_cast %add3A_301 : i32 to index
        %get3A_321 = arith.constant 16 : index
        %get3A_322 = tpu.vector_load %arg13[%get3A_320, %get3A_321] {strides = array<i32>} : memref<512x32xf32, #tpu.memory_space<vmem>>, vector<1x16xf32>,
        %get3A_323 = vector.shape_cast %get3A_322 : vector<1x16xf32> to vector<16xf32>
        %get3A_324 = arith.index_cast %add3A_301 : i32 to index
        %get3A_325 = arith.constant 16 : index
        %get3A_326 = tpu.vector_load %arg14[%get3A_324, %get3A_325] {strides = array<i32>} : memref<512x32xf32, #tpu.memory_space<vmem>>, vector<1x16xf32>,
        %get3A_327 = vector.shape_cast %get3A_326 : vector<1x16xf32> to vector<16xf32>
        %sub3A_328 = arith.subf %get3A_327, %get3A_323 : vector<16xf32>
        %mul3A_329 = arith.mulf %gather3A_303, %sub3A_328 : vector<16xf32>
        %add3A_330 = arith.addf %get3A_323, %mul3A_329 : vector<16xf32>
        %swap3A_331 = arith.constant 0 : i32
        %swap3A_332 = arith.index_cast %add3A_301 : i32 to index
        %swap3A_333 = arith.index_cast %swap3A_331 : i32 to index
        %swap3A_334 = arith.constant 16 : index
        %swap3A_335 = tpu.vector_load %arg16[%swap3A_332, %swap3A_333, %swap3A_334] {strides = array<i32>} : memref<512x1x32xf32, #tpu.memory_space<vmem>>, vector<1x1x16xf32>,
        %swap3A_336 = vector.shape_cast %swap3A_335 : vector<1x1x16xf32> to vector<16xf32>
        %swap3A_337 = vector.shape_cast %add3A_330 : vector<16xf32> to vector<1x1x16xf32>
        tpu.vector_store %arg16[%swap3A_332, %swap3A_333, %swap3A_334], %swap3A_337 {strides = array<i32>} : memref<512x1x32xf32, #tpu.memory_space<vmem>>, vector<1x1x16xf32>,
        %mul3A_338 = arith.constant 16 : i32
        %mul3A_339 = arith.muli %scan3A_292, %mul3A_338 : i32
        %add3A_340 = arith.constant 1 : i32
        %add3A_341 = arith.addi %mul3A_339, %add3A_340 : i32
        %broadcast_in_dim3A_342 = arith.constant 1 : i32
        %broadcast_in_dim3A_343 = vector.broadcast %broadcast_in_dim3A_342 : i32 to vector<16x1xi32>
        %gather3A_344 = vector.shape_cast %broadcast_in_dim3A_343 : vector<16x1xi32> to vector<16xi32>
        %gather3A_345 = tpu.dynamic_gather %get3A_297[%gather3A_344] in [0] : vector<16xf32>, vector<16xi32> -> vector<16xf32>
        %get3A_346 = arith.index_cast %add3A_341 : i32 to index
        %get3A_347 = arith.constant 0 : index
        %get3A_348 = tpu.vector_load %arg13[%get3A_346, %get3A_347] {strides = array<i32>} : memref<512x32xf32, #tpu.memory_space<vmem>>, vector<1x16xf32>,
        %get3A_349 = vector.shape_cast %get3A_348 : vector<1x16xf32> to vector<16xf32>
        %get3A_350 = arith.index_cast %add3A_341 : i32 to index
        %get3A_351 = arith.constant 0 : index
        %get3A_352 = tpu.vector_load %arg14[%get3A_350, %get3A_351] {strides = array<i32>} : memref<512x32xf32, #tpu.memory_space<vmem>>, vector<1x16xf32>,
        %get3A_353 = vector.shape_cast %get3A_352 : vector<1x16xf32> to vector<16xf32>
        %sub3A_354 = arith.subf %get3A_353, %get3A_349 : vector<16xf32>
        %mul3A_355 = arith.mulf %gather3A_345, %sub3A_354 : vector<16xf32>
        %add3A_356 = arith.addf %get3A_349, %mul3A_355 : vector<16xf32>
        %swap3A_357 = arith.constant 0 : i32
        %swap3A_358 = arith.index_cast %add3A_341 : i32 to index
        %swap3A_359 = arith.index_cast %swap3A_357 : i32 to index
        %swap3A_360 = arith.constant 0 : index
        %swap3A_361 = tpu.vector_load %arg16[%swap3A_358, %swap3A_359, %swap3A_360] {strides = array<i32>} : memref<512x1x32xf32, #tpu.memory_space<vmem>>, vector<1x1x16xf32>,
        %swap3A_362 = vector.shape_cast %swap3A_361 : vector<1x1x16xf32> to vector<16xf32>
        %swap3A_363 = vector.shape_cast %add3A_356 : vector<16xf32> to vector<1x1x16xf32>
        tpu.vector_store %arg16[%swap3A_358, %swap3A_359, %swap3A_360], %swap3A_363 {strides = array<i32>} : memref<512x1x32xf32, #tpu.memory_space<vmem>>, vector<1x1x16xf32>,
        %get3A_364 = arith.index_cast %add3A_341 : i32 to index
        %get3A_365 = arith.constant 16 : index
        %get3A_366 = tpu.vector_load %arg13[%get3A_364, %get3A_365] {strides = array<i32>} : memref<512x32xf32, #tpu.memory_space<vmem>>, vector<1x16xf32>,
        %get3A_367 = vector.shape_cast %get3A_366 : vector<1x16xf32> to vector<16xf32>
        %get3A_368 = arith.index_cast %add3A_341 : i32 to index
        %get3A_369 = arith.constant 16 : index
        %get3A_370 = tpu.vector_load %arg14[%get3A_368, %get3A_369] {strides = array<i32>} : memref<512x32xf32, #tpu.memory_space<vmem>>, vector<1x16xf32>,
        %get3A_371 = vector.shape_cast %get3A_370 : vector<1x16xf32> to vector<16xf32>
        %sub3A_372 = arith.subf %get3A_371, %get3A_367 : vector<16xf32>
        %mul3A_373 = arith.mulf %gather3A_345, %sub3A_372 : vector<16xf32>
        %add3A_374 = arith.addf %get3A_367, %mul3A_373 : vector<16xf32>
        %swap3A_375 = arith.constant 0 : i32
        %swap3A_376 = arith.index_cast %add3A_341 : i32 to index
        %swap3A_377 = arith.index_cast %swap3A_375 : i32 to index
        %swap3A_378 = arith.constant 16 : index
        %swap3A_379 = tpu.vector_load %arg16[%swap3A_376, %swap3A_377, %swap3A_378] {strides = array<i32>} : memref<512x1x32xf32, #tpu.memory_space<vmem>>, vector<1x1x16xf32>,
        %swap3A_380 = vector.shape_cast %swap3A_379 : vector<1x1x16xf32> to vector<16xf32>
        %swap3A_381 = vector.shape_cast %add3A_374 : vector<16xf32> to vector<1x1x16xf32>
        tpu.vector_store %arg16[%swap3A_376, %swap3A_377, %swap3A_378], %swap3A_381 {strides = array<i32>} : memref<512x1x32xf32, #tpu.memory_space<vmem>>, vector<1x1x16xf32>,
        %mul3A_382 = arith.constant 16 : i32
        %mul3A_383 = arith.muli %scan3A_292, %mul3A_382 : i32
        %add3A_384 = arith.constant 2 : i32
        %add3A_385 = arith.addi %mul3A_383, %add3A_384 : i32
        %broadcast_in_dim3A_386 = arith.constant 2 : i32
        %broadcast_in_dim3A_387 = vector.broadcast %broadcast_in_dim3A_386 : i32 to vector<16x1xi32>
        %gather3A_388 = vector.shape_cast %broadcast_in_dim3A_387 : vector<16x1xi32> to vector<16xi32>
        %gather3A_389 = tpu.dynamic_gather %get3A_297[%gather3A_388] in [0] : vector<16xf32>, vector<16xi32> -> vector<16xf32>
        %get3A_390 = arith.index_cast %add3A_385 : i32 to index
        %get3A_391 = arith.constant 0 : index
        %get3A_392 = tpu.vector_load %arg13[%get3A_390, %get3A_391] {strides = array<i32>} : memref<512x32xf32, #tpu.memory_space<vmem>>, vector<1x16xf32>,
        %get3A_393 = vector.shape_cast %get3A_392 : vector<1x16xf32> to vector<16xf32>
        %get3A_394 = arith.index_cast %add3A_385 : i32 to index
        %get3A_395 = arith.constant 0 : index
        %get3A_396 = tpu.vector_load %arg14[%get3A_394, %get3A_395] {strides = array<i32>} : memref<512x32xf32, #tpu.memory_space<vmem>>, vector<1x16xf32>,
        %get3A_397 = vector.shape_cast %get3A_396 : vector<1x16xf32> to vector<16xf32>
        %sub3A_398 = arith.subf %get3A_397, %get3A_393 : vector<16xf32>
        %mul3A_399 = arith.mulf %gather3A_389, %sub3A_398 : vector<16xf32>
        %add3A_400 = arith.addf %get3A_393, %mul3A_399 : vector<16xf32>
        %swap3A_401 = arith.constant 0 : i32
        %swap3A_402 = arith.index_cast %add3A_385 : i32 to index
        %swap3A_403 = arith.index_cast %swap3A_401 : i32 to index
        %swap3A_404 = arith.constant 0 : index
        %swap3A_405 = tpu.vector_load %arg16[%swap3A_402, %swap3A_403, %swap3A_404] {strides = array<i32>} : memref<512x1x32xf32, #tpu.memory_space<vmem>>, vector<1x1x16xf32>,
        %swap3A_406 = vector.shape_cast %swap3A_405 : vector<1x1x16xf32> to vector<16xf32>
        %swap3A_407 = vector.shape_cast %add3A_400 : vector<16xf32> to vector<1x1x16xf32>
        tpu.vector_store %arg16[%swap3A_402, %swap3A_403, %swap3A_404], %swap3A_407 {strides = array<i32>} : memref<512x1x32xf32, #tpu.memory_space<vmem>>, vector<1x1x16xf32>,
        %get3A_408 = arith.index_cast %add3A_385 : i32 to index
        %get3A_409 = arith.constant 16 : index
        %get3A_410 = tpu.vector_load %arg13[%get3A_408, %get3A_409] {strides = array<i32>} : memref<512x32xf32, #tpu.memory_space<vmem>>, vector<1x16xf32>,
        %get3A_411 = vector.shape_cast %get3A_410 : vector<1x16xf32> to vector<16xf32>
        %get3A_412 = arith.index_cast %add3A_385 : i32 to index
        %get3A_413 = arith.constant 16 : index
        %get3A_414 = tpu.vector_load %arg14[%get3A_412, %get3A_413] {strides = array<i32>} : memref<512x32xf32, #tpu.memory_space<vmem>>, vector<1x16xf32>,
        %get3A_415 = vector.shape_cast %get3A_414 : vector<1x16xf32> to vector<16xf32>
        %sub3A_416 = arith.subf %get3A_415, %get3A_411 : vector<16xf32>
        %mul3A_417 = arith.mulf %gather3A_389, %sub3A_416 : vector<16xf32>
        %add3A_418 = arith.addf %get3A_411, %mul3A_417 : vector<16xf32>
        %swap3A_419 = arith.constant 0 : i32
        %swap3A_420 = arith.index_cast %add3A_385 : i32 to index
        %swap3A_421 = arith.index_cast %swap3A_419 : i32 to index
        %swap3A_422 = arith.constant 16 : index
        %swap3A_423 = tpu.vector_load %arg16[%swap3A_420, %swap3A_421, %swap3A_422] {strides = array<i32>} : memref<512x1x32xf32, #tpu.memory_space<vmem>>, vector<1x1x16xf32>,
        %swap3A_424 = vector.shape_cast %swap3A_423 : vector<1x1x16xf32> to vector<16xf32>
        %swap3A_425 = vector.shape_cast %add3A_418 : vector<16xf32> to vector<1x1x16xf32>
        tpu.vector_store %arg16[%swap3A_420, %swap3A_421, %swap3A_422], %swap3A_425 {strides = array<i32>} : memref<512x1x32xf32, #tpu.memory_space<vmem>>, vector<1x1x16xf32>,
        %mul3A_426 = arith.constant 16 : i32
        %mul3A_427 = arith.muli %scan3A_292, %mul3A_426 : i32
        %add3A_428 = arith.constant 3 : i32
        %add3A_429 = arith.addi %mul3A_427, %add3A_428 : i32
        %broadcast_in_dim3A_430 = arith.constant 3 : i32
        %broadcast_in_dim3A_431 = vector.broadcast %broadcast_in_dim3A_430 : i32 to vector<16x1xi32>
        %gather3A_432 = vector.shape_cast %broadcast_in_dim3A_431 : vector<16x1xi32> to vector<16xi32>
        %gather3A_433 = tpu.dynamic_gather %get3A_297[%gather3A_432] in [0] : vector<16xf32>, vector<16xi32> -> vector<16xf32>
        %get3A_434 = arith.index_cast %add3A_429 : i32 to index
        %get3A_435 = arith.constant 0 : index
        %get3A_436 = tpu.vector_load %arg13[%get3A_434, %get3A_435] {strides = array<i32>} : memref<512x32xf32, #tpu.memory_space<vmem>>, vector<1x16xf32>,
        %get3A_437 = vector.shape_cast %get3A_436 : vector<1x16xf32> to vector<16xf32>
        %get3A_438 = arith.index_cast %add3A_429 : i32 to index
        %get3A_439 = arith.constant 0 : index
        %get3A_440 = tpu.vector_load %arg14[%get3A_438, %get3A_439] {strides = array<i32>} : memref<512x32xf32, #tpu.memory_space<vmem>>, vector<1x16xf32>,
        %get3A_441 = vector.shape_cast %get3A_440 : vector<1x16xf32> to vector<16xf32>
        %sub3A_442 = arith.subf %get3A_441, %get3A_437 : vector<16xf32>
        %mul3A_443 = arith.mulf %gather3A_433, %sub3A_442 : vector<16xf32>
        %add3A_444 = arith.addf %get3A_437, %mul3A_443 : vector<16xf32>
        %swap3A_445 = arith.constant 0 : i32
        %swap3A_446 = arith.index_cast %add3A_429 : i32 to index
        %swap3A_447 = arith.index_cast %swap3A_445 : i32 to index
        %swap3A_448 = arith.constant 0 : index
        %swap3A_449 = tpu.vector_load %arg16[%swap3A_446, %swap3A_447, %swap3A_448] {strides = array<i32>} : memref<512x1x32xf32, #tpu.memory_space<vmem>>, vector<1x1x16xf32>,
        %swap3A_450 = vector.shape_cast %swap3A_449 : vector<1x1x16xf32> to vector<16xf32>
        %swap3A_451 = vector.shape_cast %add3A_444 : vector<16xf32> to vector<1x1x16xf32>
        tpu.vector_store %arg16[%swap3A_446, %swap3A_447, %swap3A_448], %swap3A_451 {strides = array<i32>} : memref<512x1x32xf32, #tpu.memory_space<vmem>>, vector<1x1x16xf32>,
        %get3A_452 = arith.index_cast %add3A_429 : i32 to index
        %get3A_453 = arith.constant 16 : index
        %get3A_454 = tpu.vector_load %arg13[%get3A_452, %get3A_453] {strides = array<i32>} : memref<512x32xf32, #tpu.memory_space<vmem>>, vector<1x16xf32>,
        %get3A_455 = vector.shape_cast %get3A_454 : vector<1x16xf32> to vector<16xf32>
        %get3A_456 = arith.index_cast %add3A_429 : i32 to index
        %get3A_457 = arith.constant 16 : index
        %get3A_458 = tpu.vector_load %arg14[%get3A_456, %get3A_457] {strides = array<i32>} : memref<512x32xf32, #tpu.memory_space<vmem>>, vector<1x16xf32>,
        %get3A_459 = vector.shape_cast %get3A_458 : vector<1x16xf32> to vector<16xf32>
        %sub3A_460 = arith.subf %get3A_459, %get3A_455 : vector<16xf32>
        %mul3A_461 = arith.mulf %gather3A_433, %sub3A_460 : vector<16xf32>
        %add3A_462 = arith.addf %get3A_455, %mul3A_461 : vector<16xf32>
        %swap3A_463 = arith.constant 0 : i32
        %swap3A_464 = arith.index_cast %add3A_429 : i32 to index
        %swap3A_465 = arith.index_cast %swap3A_463 : i32 to index
        %swap3A_466 = arith.constant 16 : index
        %swap3A_467 = tpu.vector_load %arg16[%swap3A_464, %swap3A_465, %swap3A_466] {strides = array<i32>} : memref<512x1x32xf32, #tpu.memory_space<vmem>>, vector<1x1x16xf32>,
        %swap3A_468 = vector.shape_cast %swap3A_467 : vector<1x1x16xf32> to vector<16xf32>
        %swap3A_469 = vector.shape_cast %add3A_462 : vector<16xf32> to vector<1x1x16xf32>
        tpu.vector_store %arg16[%swap3A_464, %swap3A_465, %swap3A_466], %swap3A_469 {strides = array<i32>} : memref<512x1x32xf32, #tpu.memory_space<vmem>>, vector<1x1x16xf32>,
        %mul3A_470 = arith.constant 16 : i32
        %mul3A_471 = arith.muli %scan3A_292, %mul3A_470 : i32
        %add3A_472 = arith.constant 4 : i32
        %add3A_473 = arith.addi %mul3A_471, %add3A_472 : i32
        %broadcast_in_dim3A_474 = arith.constant 4 : i32
        %broadcast_in_dim3A_475 = vector.broadcast %broadcast_in_dim3A_474 : i32 to vector<16x1xi32>
        %gather3A_476 = vector.shape_cast %broadcast_in_dim3A_475 : vector<16x1xi32> to vector<16xi32>
        %gather3A_477 = tpu.dynamic_gather %get3A_297[%gather3A_476] in [0] : vector<16xf32>, vector<16xi32> -> vector<16xf32>
        %get3A_478 = arith.index_cast %add3A_473 : i32 to index
        %get3A_479 = arith.constant 0 : index
        %get3A_480 = tpu.vector_load %arg13[%get3A_478, %get3A_479] {strides = array<i32>} : memref<512x32xf32, #tpu.memory_space<vmem>>, vector<1x16xf32>,
        %get3A_481 = vector.shape_cast %get3A_480 : vector<1x16xf32> to vector<16xf32>
        %get3A_482 = arith.index_cast %add3A_473 : i32 to index
        %get3A_483 = arith.constant 0 : index
        %get3A_484 = tpu.vector_load %arg14[%get3A_482, %get3A_483] {strides = array<i32>} : memref<512x32xf32, #tpu.memory_space<vmem>>, vector<1x16xf32>,
        %get3A_485 = vector.shape_cast %get3A_484 : vector<1x16xf32> to vector<16xf32>
        %sub3A_486 = arith.subf %get3A_485, %get3A_481 : vector<16xf32>
        %mul3A_487 = arith.mulf %gather3A_477, %sub3A_486 : vector<16xf32>
        %add3A_488 = arith.addf %get3A_481, %mul3A_487 : vector<16xf32>
        %swap3A_489 = arith.constant 0 : i32
        %swap3A_490 = arith.index_cast %add3A_473 : i32 to index
        %swap3A_491 = arith.index_cast %swap3A_489 : i32 to index
        %swap3A_492 = arith.constant 0 : index
        %swap3A_493 = tpu.vector_load %arg16[%swap3A_490, %swap3A_491, %swap3A_492] {strides = array<i32>} : memref<512x1x32xf32, #tpu.memory_space<vmem>>, vector<1x1x16xf32>,
        %swap3A_494 = vector.shape_cast %swap3A_493 : vector<1x1x16xf32> to vector<16xf32>
        %swap3A_495 = vector.shape_cast %add3A_488 : vector<16xf32> to vector<1x1x16xf32>
        tpu.vector_store %arg16[%swap3A_490, %swap3A_491, %swap3A_492], %swap3A_495 {strides = array<i32>} : memref<512x1x32xf32, #tpu.memory_space<vmem>>, vector<1x1x16xf32>,
        %get3A_496 = arith.index_cast %add3A_473 : i32 to index
        %get3A_497 = arith.constant 16 : index
        %get3A_498 = tpu.vector_load %arg13[%get3A_496, %get3A_497] {strides = array<i32>} : memref<512x32xf32, #tpu.memory_space<vmem>>, vector<1x16xf32>,
        %get3A_499 = vector.shape_cast %get3A_498 : vector<1x16xf32> to vector<16xf32>
        %get3A_500 = arith.index_cast %add3A_473 : i32 to index
        %get3A_501 = arith.constant 16 : index
        %get3A_502 = tpu.vector_load %arg14[%get3A_500, %get3A_501] {strides = array<i32>} : memref<512x32xf32, #tpu.memory_space<vmem>>, vector<1x16xf32>,
        %get3A_503 = vector.shape_cast %get3A_502 : vector<1x16xf32> to vector<16xf32>
        %sub3A_504 = arith.subf %get3A_503, %get3A_499 : vector<16xf32>
        %mul3A_505 = arith.mulf %gather3A_477, %sub3A_504 : vector<16xf32>
        %add3A_506 = arith.addf %get3A_499, %mul3A_505 : vector<16xf32>
        %swap3A_507 = arith.constant 0 : i32
        %swap3A_508 = arith.index_cast %add3A_473 : i32 to index
        %swap3A_509 = arith.index_cast %swap3A_507 : i32 to index
        %swap3A_510 = arith.constant 16 : index
        %swap3A_511 = tpu.vector_load %arg16[%swap3A_508, %swap3A_509, %swap3A_510] {strides = array<i32>} : memref<512x1x32xf32, #tpu.memory_space<vmem>>, vector<1x1x16xf32>,
        %swap3A_512 = vector.shape_cast %swap3A_511 : vector<1x1x16xf32> to vector<16xf32>
        %swap3A_513 = vector.shape_cast %add3A_506 : vector<16xf32> to vector<1x1x16xf32>
        tpu.vector_store %arg16[%swap3A_508, %swap3A_509, %swap3A_510], %swap3A_513 {strides = array<i32>} : memref<512x1x32xf32, #tpu.memory_space<vmem>>, vector<1x1x16xf32>,
        %mul3A_514 = arith.constant 16 : i32
        %mul3A_515 = arith.muli %scan3A_292, %mul3A_514 : i32
        %add3A_516 = arith.constant 5 : i32
        %add3A_517 = arith.addi %mul3A_515, %add3A_516 : i32
        %broadcast_in_dim3A_518 = arith.constant 5 : i32
        %broadcast_in_dim3A_519 = vector.broadcast %broadcast_in_dim3A_518 : i32 to vector<16x1xi32>
        %gather3A_520 = vector.shape_cast %broadcast_in_dim3A_519 : vector<16x1xi32> to vector<16xi32>
        %gather3A_521 = tpu.dynamic_gather %get3A_297[%gather3A_520] in [0] : vector<16xf32>, vector<16xi32> -> vector<16xf32>
        %get3A_522 = arith.index_cast %add3A_517 : i32 to index
        %get3A_523 = arith.constant 0 : index
        %get3A_524 = tpu.vector_load %arg13[%get3A_522, %get3A_523] {strides = array<i32>} : memref<512x32xf32, #tpu.memory_space<vmem>>, vector<1x16xf32>,
        %get3A_525 = vector.shape_cast %get3A_524 : vector<1x16xf32> to vector<16xf32>
        %get3A_526 = arith.index_cast %add3A_517 : i32 to index
        %get3A_527 = arith.constant 0 : index
        %get3A_528 = tpu.vector_load %arg14[%get3A_526, %get3A_527] {strides = array<i32>} : memref<512x32xf32, #tpu.memory_space<vmem>>, vector<1x16xf32>,
        %get3A_529 = vector.shape_cast %get3A_528 : vector<1x16xf32> to vector<16xf32>
        %sub3A_530 = arith.subf %get3A_529, %get3A_525 : vector<16xf32>
        %mul3A_531 = arith.mulf %gather3A_521, %sub3A_530 : vector<16xf32>
        %add3A_532 = arith.addf %get3A_525, %mul3A_531 : vector<16xf32>
        %swap3A_533 = arith.constant 0 : i32
        %swap3A_534 = arith.index_cast %add3A_517 : i32 to index
        %swap3A_535 = arith.index_cast %swap3A_533 : i32 to index
        %swap3A_536 = arith.constant 0 : index
        %swap3A_537 = tpu.vector_load %arg16[%swap3A_534, %swap3A_535, %swap3A_536] {strides = array<i32>} : memref<512x1x32xf32, #tpu.memory_space<vmem>>, vector<1x1x16xf32>,
        %swap3A_538 = vector.shape_cast %swap3A_537 : vector<1x1x16xf32> to vector<16xf32>
        %swap3A_539 = vector.shape_cast %add3A_532 : vector<16xf32> to vector<1x1x16xf32>
        tpu.vector_store %arg16[%swap3A_534, %swap3A_535, %swap3A_536], %swap3A_539 {strides = array<i32>} : memref<512x1x32xf32, #tpu.memory_space<vmem>>, vector<1x1x16xf32>,
        %get3A_540 = arith.index_cast %add3A_517 : i32 to index
        %get3A_541 = arith.constant 16 : index
        %get3A_542 = tpu.vector_load %arg13[%get3A_540, %get3A_541] {strides = array<i32>} : memref<512x32xf32, #tpu.memory_space<vmem>>, vector<1x16xf32>,
        %get3A_543 = vector.shape_cast %get3A_542 : vector<1x16xf32> to vector<16xf32>
        %get3A_544 = arith.index_cast %add3A_517 : i32 to index
        %get3A_545 = arith.constant 16 : index
        %get3A_546 = tpu.vector_load %arg14[%get3A_544, %get3A_545] {strides = array<i32>} : memref<512x32xf32, #tpu.memory_space<vmem>>, vector<1x16xf32>,
        %get3A_547 = vector.shape_cast %get3A_546 : vector<1x16xf32> to vector<16xf32>
        %sub3A_548 = arith.subf %get3A_547, %get3A_543 : vector<16xf32>
        %mul3A_549 = arith.mulf %gather3A_521, %sub3A_548 : vector<16xf32>
        %add3A_550 = arith.addf %get3A_543, %mul3A_549 : vector<16xf32>
        %swap3A_551 = arith.constant 0 : i32
        %swap3A_552 = arith.index_cast %add3A_517 : i32 to index
        %swap3A_553 = arith.index_cast %swap3A_551 : i32 to index
        %swap3A_554 = arith.constant 16 : index
        %swap3A_555 = tpu.vector_load %arg16[%swap3A_552, %swap3A_553, %swap3A_554] {strides = array<i32>} : memref<512x1x32xf32, #tpu.memory_space<vmem>>, vector<1x1x16xf32>,
        %swap3A_556 = vector.shape_cast %swap3A_555 : vector<1x1x16xf32> to vector<16xf32>
        %swap3A_557 = vector.shape_cast %add3A_550 : vector<16xf32> to vector<1x1x16xf32>
        tpu.vector_store %arg16[%swap3A_552, %swap3A_553, %swap3A_554], %swap3A_557 {strides = array<i32>} : memref<512x1x32xf32, #tpu.memory_space<vmem>>, vector<1x1x16xf32>,
        %mul3A_558 = arith.constant 16 : i32
        %mul3A_559 = arith.muli %scan3A_292, %mul3A_558 : i32
        %add3A_560 = arith.constant 6 : i32
        %add3A_561 = arith.addi %mul3A_559, %add3A_560 : i32
        %broadcast_in_dim3A_562 = arith.constant 6 : i32
        %broadcast_in_dim3A_563 = vector.broadcast %broadcast_in_dim3A_562 : i32 to vector<16x1xi32>
        %gather3A_564 = vector.shape_cast %broadcast_in_dim3A_563 : vector<16x1xi32> to vector<16xi32>
        %gather3A_565 = tpu.dynamic_gather %get3A_297[%gather3A_564] in [0] : vector<16xf32>, vector<16xi32> -> vector<16xf32>
        %get3A_566 = arith.index_cast %add3A_561 : i32 to index
        %get3A_567 = arith.constant 0 : index
        %get3A_568 = tpu.vector_load %arg13[%get3A_566, %get3A_567] {strides = array<i32>} : memref<512x32xf32, #tpu.memory_space<vmem>>, vector<1x16xf32>,
        %get3A_569 = vector.shape_cast %get3A_568 : vector<1x16xf32> to vector<16xf32>
        %get3A_570 = arith.index_cast %add3A_561 : i32 to index
        %get3A_571 = arith.constant 0 : index
        %get3A_572 = tpu.vector_load %arg14[%get3A_570, %get3A_571] {strides = array<i32>} : memref<512x32xf32, #tpu.memory_space<vmem>>, vector<1x16xf32>,
        %get3A_573 = vector.shape_cast %get3A_572 : vector<1x16xf32> to vector<16xf32>
        %sub3A_574 = arith.subf %get3A_573, %get3A_569 : vector<16xf32>
        %mul3A_575 = arith.mulf %gather3A_565, %sub3A_574 : vector<16xf32>
        %add3A_576 = arith.addf %get3A_569, %mul3A_575 : vector<16xf32>
        %swap3A_577 = arith.constant 0 : i32
        %swap3A_578 = arith.index_cast %add3A_561 : i32 to index
        %swap3A_579 = arith.index_cast %swap3A_577 : i32 to index
        %swap3A_580 = arith.constant 0 : index
        %swap3A_581 = tpu.vector_load %arg16[%swap3A_578, %swap3A_579, %swap3A_580] {strides = array<i32>} : memref<512x1x32xf32, #tpu.memory_space<vmem>>, vector<1x1x16xf32>,
        %swap3A_582 = vector.shape_cast %swap3A_581 : vector<1x1x16xf32> to vector<16xf32>
        %swap3A_583 = vector.shape_cast %add3A_576 : vector<16xf32> to vector<1x1x16xf32>
        tpu.vector_store %arg16[%swap3A_578, %swap3A_579, %swap3A_580], %swap3A_583 {strides = array<i32>} : memref<512x1x32xf32, #tpu.memory_space<vmem>>, vector<1x1x16xf32>,
        %get3A_584 = arith.index_cast %add3A_561 : i32 to index
        %get3A_585 = arith.constant 16 : index
        %get3A_586 = tpu.vector_load %arg13[%get3A_584, %get3A_585] {strides = array<i32>} : memref<512x32xf32, #tpu.memory_space<vmem>>, vector<1x16xf32>,
        %get3A_587 = vector.shape_cast %get3A_586 : vector<1x16xf32> to vector<16xf32>
        %get3A_588 = arith.index_cast %add3A_561 : i32 to index
        %get3A_589 = arith.constant 16 : index
        %get3A_590 = tpu.vector_load %arg14[%get3A_588, %get3A_589] {strides = array<i32>} : memref<512x32xf32, #tpu.memory_space<vmem>>, vector<1x16xf32>,
        %get3A_591 = vector.shape_cast %get3A_590 : vector<1x16xf32> to vector<16xf32>
        %sub3A_592 = arith.subf %get3A_591, %get3A_587 : vector<16xf32>
        %mul3A_593 = arith.mulf %gather3A_565, %sub3A_592 : vector<16xf32>
        %add3A_594 = arith.addf %get3A_587, %mul3A_593 : vector<16xf32>
        %swap3A_595 = arith.constant 0 : i32
        %swap3A_596 = arith.index_cast %add3A_561 : i32 to index
        %swap3A_597 = arith.index_cast %swap3A_595 : i32 to index
        %swap3A_598 = arith.constant 16 : index
        %swap3A_599 = tpu.vector_load %arg16[%swap3A_596, %swap3A_597, %swap3A_598] {strides = array<i32>} : memref<512x1x32xf32, #tpu.memory_space<vmem>>, vector<1x1x16xf32>,
        %swap3A_600 = vector.shape_cast %swap3A_599 : vector<1x1x16xf32> to vector<16xf32>
        %swap3A_601 = vector.shape_cast %add3A_594 : vector<16xf32> to vector<1x1x16xf32>
        tpu.vector_store %arg16[%swap3A_596, %swap3A_597, %swap3A_598], %swap3A_601 {strides = array<i32>} : memref<512x1x32xf32, #tpu.memory_space<vmem>>, vector<1x1x16xf32>,
        %mul3A_602 = arith.constant 16 : i32
        %mul3A_603 = arith.muli %scan3A_292, %mul3A_602 : i32
        %add3A_604 = arith.constant 7 : i32
        %add3A_605 = arith.addi %mul3A_603, %add3A_604 : i32
        %broadcast_in_dim3A_606 = arith.constant 7 : i32
        %broadcast_in_dim3A_607 = vector.broadcast %broadcast_in_dim3A_606 : i32 to vector<16x1xi32>
        %gather3A_608 = vector.shape_cast %broadcast_in_dim3A_607 : vector<16x1xi32> to vector<16xi32>
        %gather3A_609 = tpu.dynamic_gather %get3A_297[%gather3A_608] in [0] : vector<16xf32>, vector<16xi32> -> vector<16xf32>
        %get3A_610 = arith.index_cast %add3A_605 : i32 to index
        %get3A_611 = arith.constant 0 : index
        %get3A_612 = tpu.vector_load %arg13[%get3A_610, %get3A_611] {strides = array<i32>} : memref<512x32xf32, #tpu.memory_space<vmem>>, vector<1x16xf32>,
        %get3A_613 = vector.shape_cast %get3A_612 : vector<1x16xf32> to vector<16xf32>
        %get3A_614 = arith.index_cast %add3A_605 : i32 to index
        %get3A_615 = arith.constant 0 : index
        %get3A_616 = tpu.vector_load %arg14[%get3A_614, %get3A_615] {strides = array<i32>} : memref<512x32xf32, #tpu.memory_space<vmem>>, vector<1x16xf32>,
        %get3A_617 = vector.shape_cast %get3A_616 : vector<1x16xf32> to vector<16xf32>
        %sub3A_618 = arith.subf %get3A_617, %get3A_613 : vector<16xf32>
        %mul3A_619 = arith.mulf %gather3A_609, %sub3A_618 : vector<16xf32>
        %add3A_620 = arith.addf %get3A_613, %mul3A_619 : vector<16xf32>
        %swap3A_621 = arith.constant 0 : i32
        %swap3A_622 = arith.index_cast %add3A_605 : i32 to index
        %swap3A_623 = arith.index_cast %swap3A_621 : i32 to index
        %swap3A_624 = arith.constant 0 : index
        %swap3A_625 = tpu.vector_load %arg16[%swap3A_622, %swap3A_623, %swap3A_624] {strides = array<i32>} : memref<512x1x32xf32, #tpu.memory_space<vmem>>, vector<1x1x16xf32>,
        %swap3A_626 = vector.shape_cast %swap3A_625 : vector<1x1x16xf32> to vector<16xf32>
        %swap3A_627 = vector.shape_cast %add3A_620 : vector<16xf32> to vector<1x1x16xf32>
        tpu.vector_store %arg16[%swap3A_622, %swap3A_623, %swap3A_624], %swap3A_627 {strides = array<i32>} : memref<512x1x32xf32, #tpu.memory_space<vmem>>, vector<1x1x16xf32>,
        %get3A_628 = arith.index_cast %add3A_605 : i32 to index
        %get3A_629 = arith.constant 16 : index
        %get3A_630 = tpu.vector_load %arg13[%get3A_628, %get3A_629] {strides = array<i32>} : memref<512x32xf32, #tpu.memory_space<vmem>>, vector<1x16xf32>,
        %get3A_631 = vector.shape_cast %get3A_630 : vector<1x16xf32> to vector<16xf32>
        %get3A_632 = arith.index_cast %add3A_605 : i32 to index
        %get3A_633 = arith.constant 16 : index
        %get3A_634 = tpu.vector_load %arg14[%get3A_632, %get3A_633] {strides = array<i32>} : memref<512x32xf32, #tpu.memory_space<vmem>>, vector<1x16xf32>,
        %get3A_635 = vector.shape_cast %get3A_634 : vector<1x16xf32> to vector<16xf32>
        %sub3A_636 = arith.subf %get3A_635, %get3A_631 : vector<16xf32>
        %mul3A_637 = arith.mulf %gather3A_609, %sub3A_636 : vector<16xf32>
        %add3A_638 = arith.addf %get3A_631, %mul3A_637 : vector<16xf32>
        %swap3A_639 = arith.constant 0 : i32
        %swap3A_640 = arith.index_cast %add3A_605 : i32 to index
        %swap3A_641 = arith.index_cast %swap3A_639 : i32 to index
        %swap3A_642 = arith.constant 16 : index
        %swap3A_643 = tpu.vector_load %arg16[%swap3A_640, %swap3A_641, %swap3A_642] {strides = array<i32>} : memref<512x1x32xf32, #tpu.memory_space<vmem>>, vector<1x1x16xf32>,
        %swap3A_644 = vector.shape_cast %swap3A_643 : vector<1x1x16xf32> to vector<16xf32>
        %swap3A_645 = vector.shape_cast %add3A_638 : vector<16xf32> to vector<1x1x16xf32>
        tpu.vector_store %arg16[%swap3A_640, %swap3A_641, %swap3A_642], %swap3A_645 {strides = array<i32>} : memref<512x1x32xf32, #tpu.memory_space<vmem>>, vector<1x1x16xf32>,
        %mul3A_646 = arith.constant 16 : i32
        %mul3A_647 = arith.muli %scan3A_292, %mul3A_646 : i32
        %add3A_648 = arith.constant 8 : i32
        %add3A_649 = arith.addi %mul3A_647, %add3A_648 : i32
        %broadcast_in_dim3A_650 = arith.constant 8 : i32
        %broadcast_in_dim3A_651 = vector.broadcast %broadcast_in_dim3A_650 : i32 to vector<16x1xi32>
        %gather3A_652 = vector.shape_cast %broadcast_in_dim3A_651 : vector<16x1xi32> to vector<16xi32>
        %gather3A_653 = tpu.dynamic_gather %get3A_297[%gather3A_652] in [0] : vector<16xf32>, vector<16xi32> -> vector<16xf32>
        %get3A_654 = arith.index_cast %add3A_649 : i32 to index
        %get3A_655 = arith.constant 0 : index
        %get3A_656 = tpu.vector_load %arg13[%get3A_654, %get3A_655] {strides = array<i32>} : memref<512x32xf32, #tpu.memory_space<vmem>>, vector<1x16xf32>,
        %get3A_657 = vector.shape_cast %get3A_656 : vector<1x16xf32> to vector<16xf32>
        %get3A_658 = arith.index_cast %add3A_649 : i32 to index
        %get3A_659 = arith.constant 0 : index
        %get3A_660 = tpu.vector_load %arg14[%get3A_658, %get3A_659] {strides = array<i32>} : memref<512x32xf32, #tpu.memory_space<vmem>>, vector<1x16xf32>,
        %get3A_661 = vector.shape_cast %get3A_660 : vector<1x16xf32> to vector<16xf32>
        %sub3A_662 = arith.subf %get3A_661, %get3A_657 : vector<16xf32>
        %mul3A_663 = arith.mulf %gather3A_653, %sub3A_662 : vector<16xf32>
        %add3A_664 = arith.addf %get3A_657, %mul3A_663 : vector<16xf32>
        %swap3A_665 = arith.constant 0 : i32
        %swap3A_666 = arith.index_cast %add3A_649 : i32 to index
        %swap3A_667 = arith.index_cast %swap3A_665 : i32 to index
        %swap3A_668 = arith.constant 0 : index
        %swap3A_669 = tpu.vector_load %arg16[%swap3A_666, %swap3A_667, %swap3A_668] {strides = array<i32>} : memref<512x1x32xf32, #tpu.memory_space<vmem>>, vector<1x1x16xf32>,
        %swap3A_670 = vector.shape_cast %swap3A_669 : vector<1x1x16xf32> to vector<16xf32>
        %swap3A_671 = vector.shape_cast %add3A_664 : vector<16xf32> to vector<1x1x16xf32>
        tpu.vector_store %arg16[%swap3A_666, %swap3A_667, %swap3A_668], %swap3A_671 {strides = array<i32>} : memref<512x1x32xf32, #tpu.memory_space<vmem>>, vector<1x1x16xf32>,
        %get3A_672 = arith.index_cast %add3A_649 : i32 to index
        %get3A_673 = arith.constant 16 : index
        %get3A_674 = tpu.vector_load %arg13[%get3A_672, %get3A_673] {strides = array<i32>} : memref<512x32xf32, #tpu.memory_space<vmem>>, vector<1x16xf32>,
        %get3A_675 = vector.shape_cast %get3A_674 : vector<1x16xf32> to vector<16xf32>
        %get3A_676 = arith.index_cast %add3A_649 : i32 to index
        %get3A_677 = arith.constant 16 : index
        %get3A_678 = tpu.vector_load %arg14[%get3A_676, %get3A_677] {strides = array<i32>} : memref<512x32xf32, #tpu.memory_space<vmem>>, vector<1x16xf32>,
        %get3A_679 = vector.shape_cast %get3A_678 : vector<1x16xf32> to vector<16xf32>
        %sub3A_680 = arith.subf %get3A_679, %get3A_675 : vector<16xf32>
        %mul3A_681 = arith.mulf %gather3A_653, %sub3A_680 : vector<16xf32>
        %add3A_682 = arith.addf %get3A_675, %mul3A_681 : vector<16xf32>
        %swap3A_683 = arith.constant 0 : i32
        %swap3A_684 = arith.index_cast %add3A_649 : i32 to index
        %swap3A_685 = arith.index_cast %swap3A_683 : i32 to index
        %swap3A_686 = arith.constant 16 : index
        %swap3A_687 = tpu.vector_load %arg16[%swap3A_684, %swap3A_685, %swap3A_686] {strides = array<i32>} : memref<512x1x32xf32, #tpu.memory_space<vmem>>, vector<1x1x16xf32>,
        %swap3A_688 = vector.shape_cast %swap3A_687 : vector<1x1x16xf32> to vector<16xf32>
        %swap3A_689 = vector.shape_cast %add3A_682 : vector<16xf32> to vector<1x1x16xf32>
        tpu.vector_store %arg16[%swap3A_684, %swap3A_685, %swap3A_686], %swap3A_689 {strides = array<i32>} : memref<512x1x32xf32, #tpu.memory_space<vmem>>, vector<1x1x16xf32>,
        %mul3A_690 = arith.constant 16 : i32
        %mul3A_691 = arith.muli %scan3A_292, %mul3A_690 : i32
        %add3A_692 = arith.constant 9 : i32
        %add3A_693 = arith.addi %mul3A_691, %add3A_692 : i32
        %broadcast_in_dim3A_694 = arith.constant 9 : i32
        %broadcast_in_dim3A_695 = vector.broadcast %broadcast_in_dim3A_694 : i32 to vector<16x1xi32>
        %gather3A_696 = vector.shape_cast %broadcast_in_dim3A_695 : vector<16x1xi32> to vector<16xi32>
        %gather3A_697 = tpu.dynamic_gather %get3A_297[%gather3A_696] in [0] : vector<16xf32>, vector<16xi32> -> vector<16xf32>
        %get3A_698 = arith.index_cast %add3A_693 : i32 to index
        %get3A_699 = arith.constant 0 : index
        %get3A_700 = tpu.vector_load %arg13[%get3A_698, %get3A_699] {strides = array<i32>} : memref<512x32xf32, #tpu.memory_space<vmem>>, vector<1x16xf32>,
        %get3A_701 = vector.shape_cast %get3A_700 : vector<1x16xf32> to vector<16xf32>
        %get3A_702 = arith.index_cast %add3A_693 : i32 to index
        %get3A_703 = arith.constant 0 : index
        %get3A_704 = tpu.vector_load %arg14[%get3A_702, %get3A_703] {strides = array<i32>} : memref<512x32xf32, #tpu.memory_space<vmem>>, vector<1x16xf32>,
        %get3A_705 = vector.shape_cast %get3A_704 : vector<1x16xf32> to vector<16xf32>
        %sub3A_706 = arith.subf %get3A_705, %get3A_701 : vector<16xf32>
        %mul3A_707 = arith.mulf %gather3A_697, %sub3A_706 : vector<16xf32>
        %add3A_708 = arith.addf %get3A_701, %mul3A_707 : vector<16xf32>
        %swap3A_709 = arith.constant 0 : i32
        %swap3A_710 = arith.index_cast %add3A_693 : i32 to index
        %swap3A_711 = arith.index_cast %swap3A_709 : i32 to index
        %swap3A_712 = arith.constant 0 : index
        %swap3A_713 = tpu.vector_load %arg16[%swap3A_710, %swap3A_711, %swap3A_712] {strides = array<i32>} : memref<512x1x32xf32, #tpu.memory_space<vmem>>, vector<1x1x16xf32>,
        %swap3A_714 = vector.shape_cast %swap3A_713 : vector<1x1x16xf32> to vector<16xf32>
        %swap3A_715 = vector.shape_cast %add3A_708 : vector<16xf32> to vector<1x1x16xf32>
        tpu.vector_store %arg16[%swap3A_710, %swap3A_711, %swap3A_712], %swap3A_715 {strides = array<i32>} : memref<512x1x32xf32, #tpu.memory_space<vmem>>, vector<1x1x16xf32>,
        %get3A_716 = arith.index_cast %add3A_693 : i32 to index
        %get3A_717 = arith.constant 16 : index
        %get3A_718 = tpu.vector_load %arg13[%get3A_716, %get3A_717] {strides = array<i32>} : memref<512x32xf32, #tpu.memory_space<vmem>>, vector<1x16xf32>,
        %get3A_719 = vector.shape_cast %get3A_718 : vector<1x16xf32> to vector<16xf32>
        %get3A_720 = arith.index_cast %add3A_693 : i32 to index
        %get3A_721 = arith.constant 16 : index
        %get3A_722 = tpu.vector_load %arg14[%get3A_720, %get3A_721] {strides = array<i32>} : memref<512x32xf32, #tpu.memory_space<vmem>>, vector<1x16xf32>,
        %get3A_723 = vector.shape_cast %get3A_722 : vector<1x16xf32> to vector<16xf32>
        %sub3A_724 = arith.subf %get3A_723, %get3A_719 : vector<16xf32>
        %mul3A_725 = arith.mulf %gather3A_697, %sub3A_724 : vector<16xf32>
        %add3A_726 = arith.addf %get3A_719, %mul3A_725 : vector<16xf32>
        %swap3A_727 = arith.constant 0 : i32
        %swap3A_728 = arith.index_cast %add3A_693 : i32 to index
        %swap3A_729 = arith.index_cast %swap3A_727 : i32 to index
        %swap3A_730 = arith.constant 16 : index
        %swap3A_731 = tpu.vector_load %arg16[%swap3A_728, %swap3A_729, %swap3A_730] {strides = array<i32>} : memref<512x1x32xf32, #tpu.memory_space<vmem>>, vector<1x1x16xf32>,
        %swap3A_732 = vector.shape_cast %swap3A_731 : vector<1x1x16xf32> to vector<16xf32>
        %swap3A_733 = vector.shape_cast %add3A_726 : vector<16xf32> to vector<1x1x16xf32>
        tpu.vector_store %arg16[%swap3A_728, %swap3A_729, %swap3A_730], %swap3A_733 {strides = array<i32>} : memref<512x1x32xf32, #tpu.memory_space<vmem>>, vector<1x1x16xf32>,
        %mul3A_734 = arith.constant 16 : i32
        %mul3A_735 = arith.muli %scan3A_292, %mul3A_734 : i32
        %add3A_736 = arith.constant 10 : i32
        %add3A_737 = arith.addi %mul3A_735, %add3A_736 : i32
        %broadcast_in_dim3A_738 = arith.constant 10 : i32
        %broadcast_in_dim3A_739 = vector.broadcast %broadcast_in_dim3A_738 : i32 to vector<16x1xi32>
        %gather3A_740 = vector.shape_cast %broadcast_in_dim3A_739 : vector<16x1xi32> to vector<16xi32>
        %gather3A_741 = tpu.dynamic_gather %get3A_297[%gather3A_740] in [0] : vector<16xf32>, vector<16xi32> -> vector<16xf32>
        %get3A_742 = arith.index_cast %add3A_737 : i32 to index
        %get3A_743 = arith.constant 0 : index
        %get3A_744 = tpu.vector_load %arg13[%get3A_742, %get3A_743] {strides = array<i32>} : memref<512x32xf32, #tpu.memory_space<vmem>>, vector<1x16xf32>,
        %get3A_745 = vector.shape_cast %get3A_744 : vector<1x16xf32> to vector<16xf32>
        %get3A_746 = arith.index_cast %add3A_737 : i32 to index
        %get3A_747 = arith.constant 0 : index
        %get3A_748 = tpu.vector_load %arg14[%get3A_746, %get3A_747] {strides = array<i32>} : memref<512x32xf32, #tpu.memory_space<vmem>>, vector<1x16xf32>,
        %get3A_749 = vector.shape_cast %get3A_748 : vector<1x16xf32> to vector<16xf32>
        %sub3A_750 = arith.subf %get3A_749, %get3A_745 : vector<16xf32>
        %mul3A_751 = arith.mulf %gather3A_741, %sub3A_750 : vector<16xf32>
        %add3A_752 = arith.addf %get3A_745, %mul3A_751 : vector<16xf32>
        %swap3A_753 = arith.constant 0 : i32
        %swap3A_754 = arith.index_cast %add3A_737 : i32 to index
        %swap3A_755 = arith.index_cast %swap3A_753 : i32 to index
        %swap3A_756 = arith.constant 0 : index
        %swap3A_757 = tpu.vector_load %arg16[%swap3A_754, %swap3A_755, %swap3A_756] {strides = array<i32>} : memref<512x1x32xf32, #tpu.memory_space<vmem>>, vector<1x1x16xf32>,
        %swap3A_758 = vector.shape_cast %swap3A_757 : vector<1x1x16xf32> to vector<16xf32>
        %swap3A_759 = vector.shape_cast %add3A_752 : vector<16xf32> to vector<1x1x16xf32>
        tpu.vector_store %arg16[%swap3A_754, %swap3A_755, %swap3A_756], %swap3A_759 {strides = array<i32>} : memref<512x1x32xf32, #tpu.memory_space<vmem>>, vector<1x1x16xf32>,
        %get3A_760 = arith.index_cast %add3A_737 : i32 to index
        %get3A_761 = arith.constant 16 : index
        %get3A_762 = tpu.vector_load %arg13[%get3A_760, %get3A_761] {strides = array<i32>} : memref<512x32xf32, #tpu.memory_space<vmem>>, vector<1x16xf32>,
        %get3A_763 = vector.shape_cast %get3A_762 : vector<1x16xf32> to vector<16xf32>
        %get3A_764 = arith.index_cast %add3A_737 : i32 to index
        %get3A_765 = arith.constant 16 : index
        %get3A_766 = tpu.vector_load %arg14[%get3A_764, %get3A_765] {strides = array<i32>} : memref<512x32xf32, #tpu.memory_space<vmem>>, vector<1x16xf32>,
        %get3A_767 = vector.shape_cast %get3A_766 : vector<1x16xf32> to vector<16xf32>
        %sub3A_768 = arith.subf %get3A_767, %get3A_763 : vector<16xf32>
        %mul3A_769 = arith.mulf %gather3A_741, %sub3A_768 : vector<16xf32>
        %add3A_770 = arith.addf %get3A_763, %mul3A_769 : vector<16xf32>
        %swap3A_771 = arith.constant 0 : i32
        %swap3A_772 = arith.index_cast %add3A_737 : i32 to index
        %swap3A_773 = arith.index_cast %swap3A_771 : i32 to index
        %swap3A_774 = arith.constant 16 : index
        %swap3A_775 = tpu.vector_load %arg16[%swap3A_772, %swap3A_773, %swap3A_774] {strides = array<i32>} : memref<512x1x32xf32, #tpu.memory_space<vmem>>, vector<1x1x16xf32>,
        %swap3A_776 = vector.shape_cast %swap3A_775 : vector<1x1x16xf32> to vector<16xf32>
        %swap3A_777 = vector.shape_cast %add3A_770 : vector<16xf32> to vector<1x1x16xf32>
        tpu.vector_store %arg16[%swap3A_772, %swap3A_773, %swap3A_774], %swap3A_777 {strides = array<i32>} : memref<512x1x32xf32, #tpu.memory_space<vmem>>, vector<1x1x16xf32>,
        %mul3A_778 = arith.constant 16 : i32
        %mul3A_779 = arith.muli %scan3A_292, %mul3A_778 : i32
        %add3A_780 = arith.constant 11 : i32
        %add3A_781 = arith.addi %mul3A_779, %add3A_780 : i32
        %broadcast_in_dim3A_782 = arith.constant 11 : i32
        %broadcast_in_dim3A_783 = vector.broadcast %broadcast_in_dim3A_782 : i32 to vector<16x1xi32>
        %gather3A_784 = vector.shape_cast %broadcast_in_dim3A_783 : vector<16x1xi32> to vector<16xi32>
        %gather3A_785 = tpu.dynamic_gather %get3A_297[%gather3A_784] in [0] : vector<16xf32>, vector<16xi32> -> vector<16xf32>
        %get3A_786 = arith.index_cast %add3A_781 : i32 to index
        %get3A_787 = arith.constant 0 : index
        %get3A_788 = tpu.vector_load %arg13[%get3A_786, %get3A_787] {strides = array<i32>} : memref<512x32xf32, #tpu.memory_space<vmem>>, vector<1x16xf32>,
        %get3A_789 = vector.shape_cast %get3A_788 : vector<1x16xf32> to vector<16xf32>
        %get3A_790 = arith.index_cast %add3A_781 : i32 to index
        %get3A_791 = arith.constant 0 : index
        %get3A_792 = tpu.vector_load %arg14[%get3A_790, %get3A_791] {strides = array<i32>} : memref<512x32xf32, #tpu.memory_space<vmem>>, vector<1x16xf32>,
        %get3A_793 = vector.shape_cast %get3A_792 : vector<1x16xf32> to vector<16xf32>
        %sub3A_794 = arith.subf %get3A_793, %get3A_789 : vector<16xf32>
        %mul3A_795 = arith.mulf %gather3A_785, %sub3A_794 : vector<16xf32>
        %add3A_796 = arith.addf %get3A_789, %mul3A_795 : vector<16xf32>
        %swap3A_797 = arith.constant 0 : i32
        %swap3A_798 = arith.index_cast %add3A_781 : i32 to index
        %swap3A_799 = arith.index_cast %swap3A_797 : i32 to index
        %swap3A_800 = arith.constant 0 : index
        %swap3A_801 = tpu.vector_load %arg16[%swap3A_798, %swap3A_799, %swap3A_800] {strides = array<i32>} : memref<512x1x32xf32, #tpu.memory_space<vmem>>, vector<1x1x16xf32>,
        %swap3A_802 = vector.shape_cast %swap3A_801 : vector<1x1x16xf32> to vector<16xf32>
        %swap3A_803 = vector.shape_cast %add3A_796 : vector<16xf32> to vector<1x1x16xf32>
        tpu.vector_store %arg16[%swap3A_798, %swap3A_799, %swap3A_800], %swap3A_803 {strides = array<i32>} : memref<512x1x32xf32, #tpu.memory_space<vmem>>, vector<1x1x16xf32>,
        %get3A_804 = arith.index_cast %add3A_781 : i32 to index
        %get3A_805 = arith.constant 16 : index
        %get3A_806 = tpu.vector_load %arg13[%get3A_804, %get3A_805] {strides = array<i32>} : memref<512x32xf32, #tpu.memory_space<vmem>>, vector<1x16xf32>,
        %get3A_807 = vector.shape_cast %get3A_806 : vector<1x16xf32> to vector<16xf32>
        %get3A_808 = arith.index_cast %add3A_781 : i32 to index
        %get3A_809 = arith.constant 16 : index
        %get3A_810 = tpu.vector_load %arg14[%get3A_808, %get3A_809] {strides = array<i32>} : memref<512x32xf32, #tpu.memory_space<vmem>>, vector<1x16xf32>,
        %get3A_811 = vector.shape_cast %get3A_810 : vector<1x16xf32> to vector<16xf32>
        %sub3A_812 = arith.subf %get3A_811, %get3A_807 : vector<16xf32>
        %mul3A_813 = arith.mulf %gather3A_785, %sub3A_812 : vector<16xf32>
        %add3A_814 = arith.addf %get3A_807, %mul3A_813 : vector<16xf32>
        %swap3A_815 = arith.constant 0 : i32
        %swap3A_816 = arith.index_cast %add3A_781 : i32 to index
        %swap3A_817 = arith.index_cast %swap3A_815 : i32 to index
        %swap3A_818 = arith.constant 16 : index
        %swap3A_819 = tpu.vector_load %arg16[%swap3A_816, %swap3A_817, %swap3A_818] {strides = array<i32>} : memref<512x1x32xf32, #tpu.memory_space<vmem>>, vector<1x1x16xf32>,
        %swap3A_820 = vector.shape_cast %swap3A_819 : vector<1x1x16xf32> to vector<16xf32>
        %swap3A_821 = vector.shape_cast %add3A_814 : vector<16xf32> to vector<1x1x16xf32>
        tpu.vector_store %arg16[%swap3A_816, %swap3A_817, %swap3A_818], %swap3A_821 {strides = array<i32>} : memref<512x1x32xf32, #tpu.memory_space<vmem>>, vector<1x1x16xf32>,
        %mul3A_822 = arith.constant 16 : i32
        %mul3A_823 = arith.muli %scan3A_292, %mul3A_822 : i32
        %add3A_824 = arith.constant 12 : i32
        %add3A_825 = arith.addi %mul3A_823, %add3A_824 : i32
        %broadcast_in_dim3A_826 = arith.constant 12 : i32
        %broadcast_in_dim3A_827 = vector.broadcast %broadcast_in_dim3A_826 : i32 to vector<16x1xi32>
        %gather3A_828 = vector.shape_cast %broadcast_in_dim3A_827 : vector<16x1xi32> to vector<16xi32>
        %gather3A_829 = tpu.dynamic_gather %get3A_297[%gather3A_828] in [0] : vector<16xf32>, vector<16xi32> -> vector<16xf32>
        %get3A_830 = arith.index_cast %add3A_825 : i32 to index
        %get3A_831 = arith.constant 0 : index
        %get3A_832 = tpu.vector_load %arg13[%get3A_830, %get3A_831] {strides = array<i32>} : memref<512x32xf32, #tpu.memory_space<vmem>>, vector<1x16xf32>,
        %get3A_833 = vector.shape_cast %get3A_832 : vector<1x16xf32> to vector<16xf32>
        %get3A_834 = arith.index_cast %add3A_825 : i32 to index
        %get3A_835 = arith.constant 0 : index
        %get3A_836 = tpu.vector_load %arg14[%get3A_834, %get3A_835] {strides = array<i32>} : memref<512x32xf32, #tpu.memory_space<vmem>>, vector<1x16xf32>,
        %get3A_837 = vector.shape_cast %get3A_836 : vector<1x16xf32> to vector<16xf32>
        %sub3A_838 = arith.subf %get3A_837, %get3A_833 : vector<16xf32>
        %mul3A_839 = arith.mulf %gather3A_829, %sub3A_838 : vector<16xf32>
        %add3A_840 = arith.addf %get3A_833, %mul3A_839 : vector<16xf32>
        %swap3A_841 = arith.constant 0 : i32
        %swap3A_842 = arith.index_cast %add3A_825 : i32 to index
        %swap3A_843 = arith.index_cast %swap3A_841 : i32 to index
        %swap3A_844 = arith.constant 0 : index
        %swap3A_845 = tpu.vector_load %arg16[%swap3A_842, %swap3A_843, %swap3A_844] {strides = array<i32>} : memref<512x1x32xf32, #tpu.memory_space<vmem>>, vector<1x1x16xf32>,
        %swap3A_846 = vector.shape_cast %swap3A_845 : vector<1x1x16xf32> to vector<16xf32>
        %swap3A_847 = vector.shape_cast %add3A_840 : vector<16xf32> to vector<1x1x16xf32>
        tpu.vector_store %arg16[%swap3A_842, %swap3A_843, %swap3A_844], %swap3A_847 {strides = array<i32>} : memref<512x1x32xf32, #tpu.memory_space<vmem>>, vector<1x1x16xf32>,
        %get3A_848 = arith.index_cast %add3A_825 : i32 to index
        %get3A_849 = arith.constant 16 : index
        %get3A_850 = tpu.vector_load %arg13[%get3A_848, %get3A_849] {strides = array<i32>} : memref<512x32xf32, #tpu.memory_space<vmem>>, vector<1x16xf32>,
        %get3A_851 = vector.shape_cast %get3A_850 : vector<1x16xf32> to vector<16xf32>
        %get3A_852 = arith.index_cast %add3A_825 : i32 to index
        %get3A_853 = arith.constant 16 : index
        %get3A_854 = tpu.vector_load %arg14[%get3A_852, %get3A_853] {strides = array<i32>} : memref<512x32xf32, #tpu.memory_space<vmem>>, vector<1x16xf32>,
        %get3A_855 = vector.shape_cast %get3A_854 : vector<1x16xf32> to vector<16xf32>
        %sub3A_856 = arith.subf %get3A_855, %get3A_851 : vector<16xf32>
        %mul3A_857 = arith.mulf %gather3A_829, %sub3A_856 : vector<16xf32>
        %add3A_858 = arith.addf %get3A_851, %mul3A_857 : vector<16xf32>
        %swap3A_859 = arith.constant 0 : i32
        %swap3A_860 = arith.index_cast %add3A_825 : i32 to index
        %swap3A_861 = arith.index_cast %swap3A_859 : i32 to index
        %swap3A_862 = arith.constant 16 : index
        %swap3A_863 = tpu.vector_load %arg16[%swap3A_860, %swap3A_861, %swap3A_862] {strides = array<i32>} : memref<512x1x32xf32, #tpu.memory_space<vmem>>, vector<1x1x16xf32>,
        %swap3A_864 = vector.shape_cast %swap3A_863 : vector<1x1x16xf32> to vector<16xf32>
        %swap3A_865 = vector.shape_cast %add3A_858 : vector<16xf32> to vector<1x1x16xf32>
        tpu.vector_store %arg16[%swap3A_860, %swap3A_861, %swap3A_862], %swap3A_865 {strides = array<i32>} : memref<512x1x32xf32, #tpu.memory_space<vmem>>, vector<1x1x16xf32>,
        %mul3A_866 = arith.constant 16 : i32
        %mul3A_867 = arith.muli %scan3A_292, %mul3A_866 : i32
        %add3A_868 = arith.constant 13 : i32
        %add3A_869 = arith.addi %mul3A_867, %add3A_868 : i32
        %broadcast_in_dim3A_870 = arith.constant 13 : i32
        %broadcast_in_dim3A_871 = vector.broadcast %broadcast_in_dim3A_870 : i32 to vector<16x1xi32>
        %gather3A_872 = vector.shape_cast %broadcast_in_dim3A_871 : vector<16x1xi32> to vector<16xi32>
        %gather3A_873 = tpu.dynamic_gather %get3A_297[%gather3A_872] in [0] : vector<16xf32>, vector<16xi32> -> vector<16xf32>
        %get3A_874 = arith.index_cast %add3A_869 : i32 to index
        %get3A_875 = arith.constant 0 : index
        %get3A_876 = tpu.vector_load %arg13[%get3A_874, %get3A_875] {strides = array<i32>} : memref<512x32xf32, #tpu.memory_space<vmem>>, vector<1x16xf32>,
        %get3A_877 = vector.shape_cast %get3A_876 : vector<1x16xf32> to vector<16xf32>
        %get3A_878 = arith.index_cast %add3A_869 : i32 to index
        %get3A_879 = arith.constant 0 : index
        %get3A_880 = tpu.vector_load %arg14[%get3A_878, %get3A_879] {strides = array<i32>} : memref<512x32xf32, #tpu.memory_space<vmem>>, vector<1x16xf32>,
        %get3A_881 = vector.shape_cast %get3A_880 : vector<1x16xf32> to vector<16xf32>
        %sub3A_882 = arith.subf %get3A_881, %get3A_877 : vector<16xf32>
        %mul3A_883 = arith.mulf %gather3A_873, %sub3A_882 : vector<16xf32>
        %add3A_884 = arith.addf %get3A_877, %mul3A_883 : vector<16xf32>
        %swap3A_885 = arith.constant 0 : i32
        %swap3A_886 = arith.index_cast %add3A_869 : i32 to index
        %swap3A_887 = arith.index_cast %swap3A_885 : i32 to index
        %swap3A_888 = arith.constant 0 : index
        %swap3A_889 = tpu.vector_load %arg16[%swap3A_886, %swap3A_887, %swap3A_888] {strides = array<i32>} : memref<512x1x32xf32, #tpu.memory_space<vmem>>, vector<1x1x16xf32>,
        %swap3A_890 = vector.shape_cast %swap3A_889 : vector<1x1x16xf32> to vector<16xf32>
        %swap3A_891 = vector.shape_cast %add3A_884 : vector<16xf32> to vector<1x1x16xf32>
        tpu.vector_store %arg16[%swap3A_886, %swap3A_887, %swap3A_888], %swap3A_891 {strides = array<i32>} : memref<512x1x32xf32, #tpu.memory_space<vmem>>, vector<1x1x16xf32>,
        %get3A_892 = arith.index_cast %add3A_869 : i32 to index
        %get3A_893 = arith.constant 16 : index
        %get3A_894 = tpu.vector_load %arg13[%get3A_892, %get3A_893] {strides = array<i32>} : memref<512x32xf32, #tpu.memory_space<vmem>>, vector<1x16xf32>,
        %get3A_895 = vector.shape_cast %get3A_894 : vector<1x16xf32> to vector<16xf32>
        %get3A_896 = arith.index_cast %add3A_869 : i32 to index
        %get3A_897 = arith.constant 16 : index
        %get3A_898 = tpu.vector_load %arg14[%get3A_896, %get3A_897] {strides = array<i32>} : memref<512x32xf32, #tpu.memory_space<vmem>>, vector<1x16xf32>,
        %get3A_899 = vector.shape_cast %get3A_898 : vector<1x16xf32> to vector<16xf32>
        %sub3A_900 = arith.subf %get3A_899, %get3A_895 : vector<16xf32>
        %mul3A_901 = arith.mulf %gather3A_873, %sub3A_900 : vector<16xf32>
        %add3A_902 = arith.addf %get3A_895, %mul3A_901 : vector<16xf32>
        %swap3A_903 = arith.constant 0 : i32
        %swap3A_904 = arith.index_cast %add3A_869 : i32 to index
        %swap3A_905 = arith.index_cast %swap3A_903 : i32 to index
        %swap3A_906 = arith.constant 16 : index
        %swap3A_907 = tpu.vector_load %arg16[%swap3A_904, %swap3A_905, %swap3A_906] {strides = array<i32>} : memref<512x1x32xf32, #tpu.memory_space<vmem>>, vector<1x1x16xf32>,
        %swap3A_908 = vector.shape_cast %swap3A_907 : vector<1x1x16xf32> to vector<16xf32>
        %swap3A_909 = vector.shape_cast %add3A_902 : vector<16xf32> to vector<1x1x16xf32>
        tpu.vector_store %arg16[%swap3A_904, %swap3A_905, %swap3A_906], %swap3A_909 {strides = array<i32>} : memref<512x1x32xf32, #tpu.memory_space<vmem>>, vector<1x1x16xf32>,
        %mul3A_910 = arith.constant 16 : i32
        %mul3A_911 = arith.muli %scan3A_292, %mul3A_910 : i32
        %add3A_912 = arith.constant 14 : i32
        %add3A_913 = arith.addi %mul3A_911, %add3A_912 : i32
        %broadcast_in_dim3A_914 = arith.constant 14 : i32
        %broadcast_in_dim3A_915 = vector.broadcast %broadcast_in_dim3A_914 : i32 to vector<16x1xi32>
        %gather3A_916 = vector.shape_cast %broadcast_in_dim3A_915 : vector<16x1xi32> to vector<16xi32>
        %gather3A_917 = tpu.dynamic_gather %get3A_297[%gather3A_916] in [0] : vector<16xf32>, vector<16xi32> -> vector<16xf32>
        %get3A_918 = arith.index_cast %add3A_913 : i32 to index
        %get3A_919 = arith.constant 0 : index
        %get3A_920 = tpu.vector_load %arg13[%get3A_918, %get3A_919] {strides = array<i32>} : memref<512x32xf32, #tpu.memory_space<vmem>>, vector<1x16xf32>,
        %get3A_921 = vector.shape_cast %get3A_920 : vector<1x16xf32> to vector<16xf32>
        %get3A_922 = arith.index_cast %add3A_913 : i32 to index
        %get3A_923 = arith.constant 0 : index
        %get3A_924 = tpu.vector_load %arg14[%get3A_922, %get3A_923] {strides = array<i32>} : memref<512x32xf32, #tpu.memory_space<vmem>>, vector<1x16xf32>,
        %get3A_925 = vector.shape_cast %get3A_924 : vector<1x16xf32> to vector<16xf32>
        %sub3A_926 = arith.subf %get3A_925, %get3A_921 : vector<16xf32>
        %mul3A_927 = arith.mulf %gather3A_917, %sub3A_926 : vector<16xf32>
        %add3A_928 = arith.addf %get3A_921, %mul3A_927 : vector<16xf32>
        %swap3A_929 = arith.constant 0 : i32
        %swap3A_930 = arith.index_cast %add3A_913 : i32 to index
        %swap3A_931 = arith.index_cast %swap3A_929 : i32 to index
        %swap3A_932 = arith.constant 0 : index
        %swap3A_933 = tpu.vector_load %arg16[%swap3A_930, %swap3A_931, %swap3A_932] {strides = array<i32>} : memref<512x1x32xf32, #tpu.memory_space<vmem>>, vector<1x1x16xf32>,
        %swap3A_934 = vector.shape_cast %swap3A_933 : vector<1x1x16xf32> to vector<16xf32>
        %swap3A_935 = vector.shape_cast %add3A_928 : vector<16xf32> to vector<1x1x16xf32>
        tpu.vector_store %arg16[%swap3A_930, %swap3A_931, %swap3A_932], %swap3A_935 {strides = array<i32>} : memref<512x1x32xf32, #tpu.memory_space<vmem>>, vector<1x1x16xf32>,
        %get3A_936 = arith.index_cast %add3A_913 : i32 to index
        %get3A_937 = arith.constant 16 : index
        %get3A_938 = tpu.vector_load %arg13[%get3A_936, %get3A_937] {strides = array<i32>} : memref<512x32xf32, #tpu.memory_space<vmem>>, vector<1x16xf32>,
        %get3A_939 = vector.shape_cast %get3A_938 : vector<1x16xf32> to vector<16xf32>
        %get3A_940 = arith.index_cast %add3A_913 : i32 to index
        %get3A_941 = arith.constant 16 : index
        %get3A_942 = tpu.vector_load %arg14[%get3A_940, %get3A_941] {strides = array<i32>} : memref<512x32xf32, #tpu.memory_space<vmem>>, vector<1x16xf32>,
        %get3A_943 = vector.shape_cast %get3A_942 : vector<1x16xf32> to vector<16xf32>
        %sub3A_944 = arith.subf %get3A_943, %get3A_939 : vector<16xf32>
        %mul3A_945 = arith.mulf %gather3A_917, %sub3A_944 : vector<16xf32>
        %add3A_946 = arith.addf %get3A_939, %mul3A_945 : vector<16xf32>
        %swap3A_947 = arith.constant 0 : i32
        %swap3A_948 = arith.index_cast %add3A_913 : i32 to index
        %swap3A_949 = arith.index_cast %swap3A_947 : i32 to index
        %swap3A_950 = arith.constant 16 : index
        %swap3A_951 = tpu.vector_load %arg16[%swap3A_948, %swap3A_949, %swap3A_950] {strides = array<i32>} : memref<512x1x32xf32, #tpu.memory_space<vmem>>, vector<1x1x16xf32>,
        %swap3A_952 = vector.shape_cast %swap3A_951 : vector<1x1x16xf32> to vector<16xf32>
        %swap3A_953 = vector.shape_cast %add3A_946 : vector<16xf32> to vector<1x1x16xf32>
        tpu.vector_store %arg16[%swap3A_948, %swap3A_949, %swap3A_950], %swap3A_953 {strides = array<i32>} : memref<512x1x32xf32, #tpu.memory_space<vmem>>, vector<1x1x16xf32>,
        %mul3A_954 = arith.constant 16 : i32
        %mul3A_955 = arith.muli %scan3A_292, %mul3A_954 : i32
        %add3A_956 = arith.constant 15 : i32
        %add3A_957 = arith.addi %mul3A_955, %add3A_956 : i32
        %broadcast_in_dim3A_958 = arith.constant 15 : i32
        %broadcast_in_dim3A_959 = vector.broadcast %broadcast_in_dim3A_958 : i32 to vector<16x1xi32>
        %gather3A_960 = vector.shape_cast %broadcast_in_dim3A_959 : vector<16x1xi32> to vector<16xi32>
        %gather3A_961 = tpu.dynamic_gather %get3A_297[%gather3A_960] in [0] : vector<16xf32>, vector<16xi32> -> vector<16xf32>
        %get3A_962 = arith.index_cast %add3A_957 : i32 to index
        %get3A_963 = arith.constant 0 : index
        %get3A_964 = tpu.vector_load %arg13[%get3A_962, %get3A_963] {strides = array<i32>} : memref<512x32xf32, #tpu.memory_space<vmem>>, vector<1x16xf32>,
        %get3A_965 = vector.shape_cast %get3A_964 : vector<1x16xf32> to vector<16xf32>
        %get3A_966 = arith.index_cast %add3A_957 : i32 to index
        %get3A_967 = arith.constant 0 : index
        %get3A_968 = tpu.vector_load %arg14[%get3A_966, %get3A_967] {strides = array<i32>} : memref<512x32xf32, #tpu.memory_space<vmem>>, vector<1x16xf32>,
        %get3A_969 = vector.shape_cast %get3A_968 : vector<1x16xf32> to vector<16xf32>
        %sub3A_970 = arith.subf %get3A_969, %get3A_965 : vector<16xf32>
        %mul3A_971 = arith.mulf %gather3A_961, %sub3A_970 : vector<16xf32>
        %add3A_972 = arith.addf %get3A_965, %mul3A_971 : vector<16xf32>
        %swap3A_973 = arith.constant 0 : i32
        %swap3A_974 = arith.index_cast %add3A_957 : i32 to index
        %swap3A_975 = arith.index_cast %swap3A_973 : i32 to index
        %swap3A_976 = arith.constant 0 : index
        %swap3A_977 = tpu.vector_load %arg16[%swap3A_974, %swap3A_975, %swap3A_976] {strides = array<i32>} : memref<512x1x32xf32, #tpu.memory_space<vmem>>, vector<1x1x16xf32>,
        %swap3A_978 = vector.shape_cast %swap3A_977 : vector<1x1x16xf32> to vector<16xf32>
        %swap3A_979 = vector.shape_cast %add3A_972 : vector<16xf32> to vector<1x1x16xf32>
        tpu.vector_store %arg16[%swap3A_974, %swap3A_975, %swap3A_976], %swap3A_979 {strides = array<i32>} : memref<512x1x32xf32, #tpu.memory_space<vmem>>, vector<1x1x16xf32>,
        %get3A_980 = arith.index_cast %add3A_957 : i32 to index
        %get3A_981 = arith.constant 16 : index
        %get3A_982 = tpu.vector_load %arg13[%get3A_980, %get3A_981] {strides = array<i32>} : memref<512x32xf32, #tpu.memory_space<vmem>>, vector<1x16xf32>,
        %get3A_983 = vector.shape_cast %get3A_982 : vector<1x16xf32> to vector<16xf32>
        %get3A_984 = arith.index_cast %add3A_957 : i32 to index
        %get3A_985 = arith.constant 16 : index
        %get3A_986 = tpu.vector_load %arg14[%get3A_984, %get3A_985] {strides = array<i32>} : memref<512x32xf32, #tpu.memory_space<vmem>>, vector<1x16xf32>,
        %get3A_987 = vector.shape_cast %get3A_986 : vector<1x16xf32> to vector<16xf32>
        %sub3A_988 = arith.subf %get3A_987, %get3A_983 : vector<16xf32>
        %mul3A_989 = arith.mulf %gather3A_961, %sub3A_988 : vector<16xf32>
        %add3A_990 = arith.addf %get3A_983, %mul3A_989 : vector<16xf32>
        %swap3A_991 = arith.constant 0 : i32
        %swap3A_992 = arith.index_cast %add3A_957 : i32 to index
        %swap3A_993 = arith.index_cast %swap3A_991 : i32 to index
        %swap3A_994 = arith.constant 16 : index
        %swap3A_995 = tpu.vector_load %arg16[%swap3A_992, %swap3A_993, %swap3A_994] {strides = array<i32>} : memref<512x1x32xf32, #tpu.memory_space<vmem>>, vector<1x1x16xf32>,
        %swap3A_996 = vector.shape_cast %swap3A_995 : vector<1x1x16xf32> to vector<16xf32>
        %swap3A_997 = vector.shape_cast %add3A_990 : vector<16xf32> to vector<1x1x16xf32>
        tpu.vector_store %arg16[%swap3A_992, %swap3A_993, %swap3A_994], %swap3A_997 {strides = array<i32>} : memref<512x1x32xf32, #tpu.memory_space<vmem>>, vector<1x1x16xf32>,
        %scan3A_998 = arith.constant 0 : i32
        scf.yield %scan3A_998 : i32
      }
      %scan3A_290 = arith.constant 32 : i32
      "tpu.region"() ({
        %run_scoped3A_292 = tpu.sem_alloc : memref<!tpu.dma_semaphore, #tpu.memory_space<semaphore_mem>>
        %dma_start3A_293 = arith.constant 0 : i32
        %dma_start3A_294 = tpu.memref_slice %arg4[%mul3A_2, %add3A_283, %dma_start3A_293] : memref<16384x26x32xf32, #tpu.memory_space<hbm>> -> memref<512x1x32xf32, #tpu.memory_space<hbm>>
        %dma_start3A_295 = arith.constant 0 : i32
        %dma_start3A_296 = tpu.memref_slice %arg4[%mul3A_2, %add3A_283, %dma_start3A_295] : memref<16384x26x32xf32, #tpu.memory_space<hbm>> -> memref<512x1x32xf32, #tpu.memory_space<hbm>>
        tpu.enqueue_dma source(%arg16 : memref<512x1x32xf32, #tpu.memory_space<vmem>>) target(%dma_start3A_296 : memref<512x1x32xf32, #tpu.memory_space<hbm>>) target_semaphore(%run_scoped3A_292 : memref<!tpu.dma_semaphore, #tpu.memory_space<semaphore_mem>>)
        %dma_wait3A_297 = arith.constant 0 : i32
        %dma_wait3A_298 = tpu.memref_slice %arg4[%mul3A_2, %add3A_283, %dma_wait3A_297] : memref<16384x26x32xf32, #tpu.memory_space<hbm>> -> memref<512x1x32xf32, #tpu.memory_space<hbm>>
        %dma_wait3A_299 = arith.constant 0 : i32
        %dma_wait3A_300 = tpu.memref_slice %arg4[%mul3A_2, %add3A_283, %dma_wait3A_299] : memref<16384x26x32xf32, #tpu.memory_space<hbm>> -> memref<512x1x32xf32, #tpu.memory_space<hbm>>
        tpu.wait_dma2 semaphore(%run_scoped3A_292 : memref<!tpu.dma_semaphore, #tpu.memory_space<semaphore_mem>>) src(%arg16 : memref<512x1x32xf32, #tpu.memory_space<vmem>>) dst(%dma_wait3A_300 : memref<512x1x32xf32, #tpu.memory_space<hbm>>)
        tpu.yield
      }) : () -> ()
      %scan3A_291 = arith.constant 0 : i32
      scf.yield %scan3A_291 : i32
    }
    %scan3A_94 = arith.constant 13 : i32
    return
  }
}

</mosaic_0001>

<sc_bundles>
// kernel: kernel.3.cloned.1.call-start
scs
__scs_entry_jumppad:
0x0: {  	(pc) =	sbr.rel $0x88, $3  }
0x1: {  	(tag) =	ssettag $0x0;
	lr =	simm.s32 $0x1  }
0x2: {  	[smem:$0x3F9F] =	sst lr;
	_ =	strace $0xD0000000  }
0x3: {  	_ = 	snop  }
0x4: {  	_ = 	snop  }
0x5: {  	_ = 	snop  }
0x6: {  	_ = 	snop  }
0x7: {  	_ = 	snop  }
__scs_overlays_trampoline_lowered:
0x8: {  	[smem:$0x3FAE] =	sst s0  }
0x9: {  	[smem:$0x3FAF] =	sst s1  }
0xa: {  	[smem:$0x3FB0] =	sst s2  }
0xb: {  	[smem:$0x3FB1] =	sst s3  }
0xc: {  	[smem:$0x3FB2] =	sst s4  }
0xd: {  	[smem:$0x3FB3] =	sst s5  }
0xe: {  	[smem:$0x3FB4] =	sst s6  }
0xf: {  	[smem:$0x3FB5] =	sst s7  }
0x10: {  	[smem:$0x3FB6] =	sst s8  }
0x11: {  	[smem:$0x3FB7] =	sst s9;
	s0 =	simm.s32 @!p0 $0x0  }
0x12: {  	s1 =	sld [smem:$0x3F9D];
	s0 =	simm.s32 @p0 $0x1  }
0x13: {  	[smem:$0x3FB8] =	sst s0;
	s0 =	simm.s32 @!p1 $0x0  }
0x14: {  	s2 =	sld [smem:$0x3F9C];
	s0 =	simm.s32 @p1 $0x1  }
0x15: {  	[smem:$0x3FB9] =	sst s0;
	s0 =	simm.s32 @!p2 $0x0  }
0x16: {  	s3 =	sld [smem:$0x3FDB];
	s0 =	simm.s32 @p2 $0x1  }
0x17: {  	s4 =	simm.s32 $0x1BF5;
	[smem:$0x3FBB] =	sst s0  }
0x18: {  	s0 =	sld [smem:$0x3F9E];
	_ =	swait.ge [sflag:s4], $0x0  }
0x19: {  	s7 =	sld [smem:$0x3F9F]  }
0x1a: {  	s8 =	sadd.s32 $0xFFFFE003, lr  }
0x1b: {  	s9 =	sadd.s32 $0xFFFFFEF7, lr;
	s5 =	simm.s32 $0xFFFFFFFF;
	p2 =	slt.u32 s8, $0xFFFFF086  }
0x1c: {  	p1 =	slt.u32 s9, $0xF7A;
	s5 =	simm.s32 @!p2 $0x0  }
0x1d: {  	s5 =	simm.s32 @p1 $0x1;
	p0 =	seq.s32 s7, s2  }
0x1e: {  	s7 =	smul.u32 @!p0 $0xF7A, s2;
	p2 =	seq.s32 @!p0 s5, $0x0  }
0x1f: {  	s9 =	smul.u32 $0xF7A, s1;
	s8 =	simm.s32 @!p0 $0x1BF5;
	p2 =	por !p2, p0  }
0x20: {  	[sflag:s8] =	ssyncset.s32 @!p0 $0xFFFFF086;
	s6 =	sadd.s32 @!p0 s3, s7;
	s7 =	simm.s32 @!p0 $0x108  }
0x21: {  	s3 =	sadd.s32 s3, s9;
	s6 =	sadd.s32 @!p0 $0x88, s6;
	s7 =	simm.s32 @p2 $0x1082  }
0x22: {  	[simem:s7], [sflag:s8] =	dma.local @!p0 [hbm:s6], $0xF7A  }
0x23: {  	s9 =	sor.u32 $0xD0000000, s2;
	s6 =	simm.s32 $0x108;
	_ =	swait.ge @!p0 [sflag:s8], $0x0  }
0x24: {  	s3 =	sadd.s32 $0x88, s3;
	s6 =	simm.s32 @!p1 $0x1082;
	[sflag:s4] =	ssyncset.s32 $0xFFFFF086  }
0x25: {  	[simem:s6], [sflag:s4] =	dma.local [hbm:s3], $0xF7A  }
0x26: {  	[smem:$0x3F9F] =	sst s1;
	(tag) =	ssettag s2;
	_ =	strace s9  }
0x27: {  	s1 =	sld [smem:$0x3FAF]  }
0x28: {  	s2 =	sld [smem:$0x3FB0]  }
0x29: {  	s4 =	sld [smem:$0x3FB2]  }
0x2a: {  	p0 =	seq.s32 s5, $0x0;
	s5 =	sld [smem:$0x3FB3]  }
0x2b: {  	s6 =	sld [smem:$0x3FB4]  }
0x2c: {  	s7 =	sld [smem:$0x3FB5]  }
0x2d: {  	s3 =	simm.s32 $0x108;
	s8 =	sld [smem:$0x3FB6]  }
0x2e: {  	s3 =	simm.s32 @!p0 $0x1082;
	s9 =	sld [smem:$0x3FB7]  }
0x2f: {  	lr =	sadd.s32 s0, s3;
	s0 =	sld [smem:$0x3FAE]  }
0x30: {  	s3 =	sld [smem:$0x3FB1]  }
0x31: {  	[smem:$0x3FBA] =	sst s10  }
0x32: {  	s10 =	sld [smem:$0x3FB8];
	_ =	sdelay $0x3  }
0x33: {  	p0 =	seq.s32 s10, $0x1;
	s10 =	sld [smem:$0x3FBA];
	_ =	sdelay $0x3  }
0x34: {  	[smem:$0x3FBA] =	sst s10  }
0x35: {  	s10 =	sld [smem:$0x3FB9];
	_ =	sdelay $0x3  }
0x36: {  	p1 =	seq.s32 s10, $0x1;
	s10 =	sld [smem:$0x3FBA];
	_ =	sdelay $0x3  }
0x37: {  	[smem:$0x3FBA] =	sst s10  }
0x38: {  	s10 =	sld [smem:$0x3FBB]  }
0x39: {  	_ = 	snop;
	(pc) =	sbr.ind lr, $3  }
0x3a: {  	_ = 	snop  }
0x3b: {  	_ = 	snop  }
0x3c: {  	p2 =	seq.s32 s10, $0x1;
	s10 =	sld [smem:$0x3FBA]  }
0x3d: {  	_ =	shalt  }
0x3e: {  	_ =	shalt  }
0x3f: {  	_ =	shalt  }
0x40: {  	_ =	shalt  }
0x41: {  	_ =	shalt  }
0x42: {  	_ =	shalt  }
0x43: {  	_ =	shalt  }
0x44: {  	_ =	shalt  }
0x45: {  	_ =	shalt  }
0x46: {  	_ =	shalt  }
0x47: {  	_ =	shalt  }
0x48: {  	_ =	shalt  }
0x49: {  	_ =	shalt  }
0x4a: {  	_ =	shalt  }
0x4b: {  	_ =	shalt  }
0x4c: {  	_ =	shalt  }
0x4d: {  	_ =	shalt  }
0x4e: {  	_ =	shalt  }
0x4f: {  	_ =	shalt  }
0x50: {  	_ =	shalt  }
0x51: {  	_ =	shalt  }
0x52: {  	_ =	shalt  }
0x53: {  	_ =	shalt  }
0x54: {  	_ =	shalt  }
0x55: {  	_ =	shalt  }
0x56: {  	_ =	shalt  }
0x57: {  	_ =	shalt  }
0x58: {  	_ =	shalt  }
0x59: {  	_ =	shalt  }
0x5a: {  	_ =	shalt  }
0x5b: {  	_ =	shalt  }
0x5c: {  	_ =	shalt  }
0x5d: {  	_ =	shalt  }
0x5e: {  	_ =	shalt  }
0x5f: {  	_ =	shalt  }
0x60: {  	_ =	shalt  }
0x61: {  	_ =	shalt  }
0x62: {  	_ =	shalt  }
0x63: {  	_ =	shalt  }
0x64: {  	_ =	shalt  }
0x65: {  	_ =	shalt  }
0x66: {  	_ =	shalt  }
0x67: {  	_ =	shalt  }
0x68: {  	_ =	shalt  }
0x69: {  	_ =	shalt  }
0x6a: {  	_ =	shalt  }
0x6b: {  	_ =	shalt  }
0x6c: {  	_ =	shalt  }
0x6d: {  	_ =	shalt  }
0x6e: {  	_ =	shalt  }
0x6f: {  	_ =	shalt  }
0x70: {  	_ =	shalt  }
0x71: {  	_ =	shalt  }
0x72: {  	_ =	shalt  }
0x73: {  	_ =	shalt  }
0x74: {  	_ =	shalt  }
0x75: {  	_ =	shalt  }
0x76: {  	_ =	shalt  }
0x77: {  	_ =	shalt  }
0x78: {  	_ =	shalt  }
0x79: {  	_ =	shalt  }
0x7a: {  	_ =	shalt  }
0x7b: {  	_ =	shalt  }
0x7c: {  	_ =	shalt  }
0x7d: {  	_ =	shalt  }
0x7e: {  	_ =	shalt  }
0x7f: {  	_ =	shalt  }
0x80: {  	_ =	shalt  }
0x81: {  	_ =	shalt  }
0x82: {  	_ =	shalt  }
0x83: {  	_ =	shalt  }
0x84: {  	_ =	shalt  }
0x85: {  	_ =	shalt  }
0x86: {  	_ =	shalt  }
0x87: {  	_ =	shalt  }
.Lfunc_end0:
.L_simem_size_0:
called_computation.2_lowered:
.L_overlay_start_0:
0x88: {  	s2 =	sld [smem:$0x3FD9]  }
0x89: {  	s3 =	sld [smem:$0x3FFE];
	_ =	sdelay $0x1  }
0x8a: {  	s1 =	srdreg.scid  }
0x8b: {  	s0 =	sand.u32 $0x1, s1  }
0x8c: {  	s17 =	sshll.u32 s0, $0xA;
	s2 =	sadd.s32 s3, s2  }
0x8d: {  	s2 =	sadd.s32 s2, s17  }
0x8e: {  	[smem:$0x3FC6] =	sst s2  }
0x8f: {  	_ = 	snop  }
0x90: {  	s2 =	sld [smem:$0x3FD0];
	(tm) =	ssettm $0x1  }
0x91: {  	s18 =	sld [smem:$0x3FFB];
	_ =	sdelay $0x3  }
0x92: {  	_ =	strace s18  }
0x93: {  	s3 =	sld [smem:$0x3FFC];
	_ =	sdelay $0x3  }
0x94: {  	_ =	strace s3  }
0x95: {  	s3 =	sld [smem:$0x3FFD];
	_ =	sdelay $0x3  }
0x96: {  	_ =	strace s3  }
0x97: {  	_ =	strace $0x8FFFFFFF  }
0x98: {  	s19 =	sld [smem:$0x3FDB];
	_ =	sdelay $0x1  }
0x99: {  	s4 =	simm.s32 $_scs_section_size  }
0x9a: {  	s5 =	simm.s32 $_size__tile_overlayer_lowered;
	s6 =	simm.s32 $_tile_overlayer_lowered  }
0x9b: {  	s22 =	simm.s32 $0x1BFF;
	s21 =	sshll.u32 s6, $0x1;
	s3 =	sadd.s32 s4, s19  }
0x9c: {  	s7 =	simm.s32 $0x0;
	s20 =	sshll.u32 s5, $0x1;
	s5 =	sadd.s32 s21, s3  }
0x9d: {  	[timem:s7], [sflag:s22] =	dma.local [hbm:s5], s20  }
0x9e: {  	_ =	swait.ge [sflag:s22], s20  }
0x9f: {  	s4 =	ssub.s32 $0x0, s20;
	[sflag:s22] =	ssyncset.done $0x0  }
0xa0: {  	[sflag:s22] =	ssyncadd.s32 s4;
	_ =	sdelay $0x1  }
0xa1: {  	s23 =	simm.s32 $0x1B8B  }
0xa2: {  	_ =	swait.ge [sflag:s23], $0x1  }
0xa3: {  	[sflag:s23] =	ssyncset.done $0x0  }
0xa4: {  	s25 =	simm.s32 $0x1B8E;
	s24 =	sld [smem:$0x3FFE];
	[sflag:s23] =	ssyncadd.s32 $0xFFFFFFFF  }
0xa5: {  	s26 =	simm.s32 $execute0_lowered;
	[smem:$0x3FD2] =	sst s25  }
0xa6: {  	s5 =	sshll.u32 s26, $0x1;
	_ =	strace $0x80000049;
	[dreg:$0x1] =	wrdreg $0xFFFFFFFF  }
0xa7: {  	s28 =	simm.s32 $_size_execute0_lowered;
	s3 =	sadd.s32 s3, s5;
	[dreg:$0x0] =	wrdreg $0x0  }
0xa8: {  	s5 =	sshll.u32 s28, $0x1;
	[dreg:$0x2] =	wrdreg s3  }
0xa9: {  	[dreg:$0x3] =	wrdreg s5  }
0xaa: {  	[dreg:$0x4] =	wrdreg $0xC0  }
0xab: {  	_ =	task [dreg:s7], $0x5FFFF  }
0xac: {  	[dreg:$0x1] =	wrdreg $0xFFFFFFFF  }
0xad: {  	[dreg:$0x0] =	wrdreg $0x60  }
0xae: {  	[dreg:$0x2] =	wrdreg s24  }
0xaf: {  	[dreg:$0x3] =	wrdreg s2  }
0xb0: {  	[dreg:$0x4] =	wrdreg $0x9  }
0xb1: {  	_ =	task.clear_ibuf [dreg:s7], $0x5FFFF;
	_ =	strace $0x90000049  }
0xb2: {  	s29 =	simm.s32 $0x9;
	_ =	strace $0x8000004B  }
0xb3: {  	_ =	swait.ge [sflag:s29], $0x1  }
0xb4: {  	[sflag:s29] =	ssyncadd.s32 $0xFFFFFFFF  }
0xb5: {  	_ =	strace $0x9000004B  }
0xb6: {  	_ =	sfence  }
0xb7: {  	s30 =	sld [smem:$0x0];
	_ =	sdelay $0x2  }
0xb8: {  	s31 =	sshll.u32 s1, $0xD;
	s1 =	sshrl.u32 s1, $0x2  }
0xb9: {  	s3 =	sand.u32 $0x4000, s31;
	s1 =	sadd.s32 s1, s30  }
0xba: {  	s0 =	sor.u32 s3, s0;
	s1 =	sshll.u32 s1, $0x11  }
0xbb: {  	s0 =	sor.u32 s1, s0  }
0xbc: {  	s0 =	sadd.s32 $0x8F2B, s0  }
0xbd: {  	[sflag:s0] =	ssyncadd.remote.s32 $0x1  }
0xbe: {  	_ =	sfence.sel $0xFFFF  }
0xbf: {  	[dreg:$0x0] =	wrdreg $0xFFFFFFFF;
	(pc) =	sbr.abs _section_cstart, $3  }
0xc0: {  	[dreg:$0x1] =	wrdreg $0xFFFFFFFF  }
0xc1: {  	_ =	task.clear_ibuf [dreg:s7], $0x2FFFF;
	_ =	strace $0x9FFFFFFF  }
0xc2: {  	(tm) =	ssettm $0x7FFFFFFF  }
0xc3: {  	_ =	shalt  }
tec
execute0_lowered:
.L_overlay_start_1:
0x0: {  	(tag) =	ssettag $0x1  }
0x1: {  	s0 =	rddreg [dreg:$0x0]  }
0x2: {  	s2 =	rddreg [dreg:$0x1];
	s1 =	srdreg.scid  }
0x3: {  	s4 =	simm.s32 $0x0;
	s3 =	stileid.u32;
	s11 =	simm.s32 $0x3  }
0x4: {  	s12 =	simm.s32 $0x80;
	s10 =	simm.s32 $0x9C00;
	s13 =	simm.s32 $0xA80  }
0x5: {  	s14 =	simm.s32 $0xDC00;
	s15 =	simm.s32 $0x900;
	s16 =	simm.s32 $0xAC00  }
0x6: {  	s17 =	simm.s32 $0xB00;
	s18 =	simm.s32 $0xEC00;
	s19 =	simm.s32 $0x980  }
0x7: {  	s20 =	simm.s32 $0xBC00;
	s21 =	simm.s32 $0xB80;
	s22 =	simm.s32 $0xFC00  }
0x8: {  	s23 =	simm.s32 $0x1;
	s28 =	simm.s32 $0x2;
	s29 =	simm.s32 $0x14C00  }
0x9: {  	s8 =	simm.s32 $0x0;
	[smem:$0x7FF] =	sst s4;
	s3 =	sshll.u32 s3, $0xA  }
0xa: {  	s1 =	sand.u32 $0x1, s1;
	s5 =	sadd.s32 $0xF43200, s0;
	s6 =	sadd.s32 $0xF50200, s0  }
0xb: {  	s24 =	sshll.u32 s1, $0x9;
	_ =	strace $0x8000004A;
	s1 =	ssub.s32 $0x2, s1  }
0xc: {  	s4 =	sor.u32 s24, s3;
	s25 =	sshrl.u32 s1, $0x1;
	s24 =	simm.s32 $0x20  }
0xd: {  	s7 =	sshrl.u32 s4, $0x3;
	s26 =	ssub.s32 s1, s25;
	s31 =	sor.u32 $0x8000, s4  }
0xe: {  	s9 =	smul.u32 $0x340, s4;
	s30 =	sadd.s32 s5, s7;
	[dreg:$0x4] =	wrdreg s31  }
0xf: {  	v11 =	vimm.s32 $0x1;
	v12 =	vimm.s32 $0x2;
	s25 =	simm.s32 $0x340;
	s0 =	smax.u32 s26, $0x1;
	[dreg:$0x3] =	wrdreg s30  }
0x10: {  	v13 =	vimm.s32 $0x3;
	v14 =	vimm.s32 $0x4;
	v15 =	vimm.s32 $0x5;
	s1 =	simm.s32 $0x0;
	s26 =	simm.s32 $0x10C00;
	[dreg:$0x5] =	wrdreg s0  }
.LBB2_1:
0x11: {  	[dreg:$0x6] =	wrdreg s1  }
0x12: {  	s0 =	simm.s32 $0x0;
	s31 =	rddreg [dreg:$0x3]  }
0x13: {  	[tilespmem:s0], [sflag:$0x3] =	stream.linear.gather [hbm4b:s31+s0], $0x200, $0x38;
	[tilespmem:$0x18C00] =	vst v63  }
0x14: {  	_ =	swait.ge [sflag:s11], $0x200  }
0x15: {  	[sflag:s11] =	ssyncset.done $0x0  }
0x16: {  	s0 =	simm.s32 $0x0;
	[sflag:s11] =	ssyncadd.s32 $0xFFFFFE00  }
0x17: {  	v16 =	vld [tilespmem:s0+$0x0];
	_ =	sdelay $0x4  }
0x18: {  	v17 =	vtrunc.f32 v16  }
0x19: {  	v17 =	vcvt.f32.s32 v17;
	_ =	sdelay $0x1  }
0x1a: {  	v18 =	vcvt.s32.f32 v17  }
0x1b: {  	v19 =	vadd.s32 $0x1, v17  }
0x1c: {  	v17 =	vshll.u32 v17, $0x2;
	vm0 =	vlt.s32 v19, $0xF423F;
	v18 =	vsub.f32 v16, v18  }
0x1d: {  	[tilespmem:s0+$0x400] =	vst v17;
	v16 =	vnsel vm0, $0xF423F, v19  }
0x1e: {  	s3 =	simm.s32 $0x10;
	s1 =	simm.s32 $0x80;
	v16 =	vshll.u32 v16, $0x2;
	[tilespmem:s0+$0x0] =	vst v18  }
.LBB2_2:
0x1f: {  	p0 =	sne.s32 s1, $0x7C0;
	v17 =	vld [tilespmem:s3+$0x0];
	[tilespmem:s0+$0x600] =	vst v16;
	s0 =	smov.u32 s3;
	_ =	sdelay $0x4  }
0x20: {  	v16 =	vtrunc.f32 v17  }
0x21: {  	v16 =	vcvt.f32.s32 v16;
	_ =	sdelay $0x1  }
.Ltmp0:
0x22: {  	v18 =	vcvt.s32.f32 v16;
	v19 =	vadd.s32 $0x1, v16;
	v16 =	vshll.u32 v16, $0x2;
	(pc) =	sbr.rel @p0 .LBB2_2-.Ltmp0, $4  }
0x23: {  	vm0 =	vlt.s32 v19, $0xF423F;
	[tilespmem:s0+$0x400] =	vst v16  }
0x24: {  	v17 =	vsub.f32 v17, v18;
	v16 =	vnsel vm0, $0xF423F, v19  }
0x25: {  	v16 =	vshll.u32 v16, $0x2  }
0x26: {  	s3 =	sshra.s32 s1, $0x2;
	s1 =	sadd.s32 $0x40, s1;
	[tilespmem:s0+$0x0] =	vst v17  }
0x27: {  	v17 =	vld [tilespmem:s3+$0x0];
	_ =	sdelay $0x4  }
0x28: {  	v18 =	vtrunc.f32 v17  }
0x29: {  	v18 =	vcvt.f32.s32 v18;
	_ =	sdelay $0x1  }
0x2a: {  	v19 =	vcvt.s32.f32 v18  }
0x2b: {  	v20 =	vadd.s32 $0x1, v18  }
0x2c: {  	[tilespmem:s0+$0x600] =	vst v16;
	v16 =	vshll.u32 v18, $0x2;
	vm0 =	vlt.s32 v20, $0xF423F;
	v17 =	vsub.f32 v17, v19  }
0x2d: {  	[tilespmem:s3+$0x400] =	vst v16;
	v16 =	vnsel vm0, $0xF423F, v20  }
0x2e: {  	v16 =	vshll.u32 v16, $0x2;
	[tilespmem:s3+$0x0] =	vst v17  }
0x2f: {  	s1 =	simm.s32 $0xC00;
	[tilespmem:s3+$0x600] =	vst v16;
	s3 =	simm.s32 $0x400  }
0x30: {  	[tilespmem:s1], [sflag:$0x1] =	stream.indirect.gather [hbm4b:s6+s12], $0x20, s3, s12, $0xb8;
	[tilespmem:$0x18C00] =	vst v63  }
0x31: {  	s7 =	simm.s32 $0x600;
	s31 =	simm.s32 $0x4C00  }
0x32: {  	[tilespmem:s31], [sflag:$0x1] =	stream.indirect.gather [hbm4b:s6+s12], $0x20, s7, s12, $0xb8;
	[tilespmem:$0x18C00] =	vst v63  }
0x33: {  	s1 =	simm.s32 $0x480;
	s3 =	simm.s32 $0x1C00  }
0x34: {  	[tilespmem:s3], [sflag:$0x1] =	stream.indirect.gather [hbm4b:s6+s12], $0x20, s1, s12, $0xb8;
	[tilespmem:$0x18C00] =	vst v63  }
0x35: {  	s7 =	simm.s32 $0x680;
	s31 =	simm.s32 $0x5C00  }
0x36: {  	[tilespmem:s31], [sflag:$0x1] =	stream.indirect.gather [hbm4b:s6+s12], $0x20, s7, s12, $0xb8;
	[tilespmem:$0x18C00] =	vst v63  }
0x37: {  	s1 =	simm.s32 $0x500;
	s3 =	simm.s32 $0x2C00  }
0x38: {  	[tilespmem:s3], [sflag:$0x1] =	stream.indirect.gather [hbm4b:s6+s12], $0x20, s1, s12, $0xb8;
	[tilespmem:$0x18C00] =	vst v63  }
0x39: {  	s7 =	simm.s32 $0x700;
	s31 =	simm.s32 $0x6C00  }
0x3a: {  	[tilespmem:s31], [sflag:$0x1] =	stream.indirect.gather [hbm4b:s6+s12], $0x20, s7, s12, $0xb8;
	[tilespmem:$0x18C00] =	vst v63  }
0x3b: {  	s1 =	simm.s32 $0x580;
	s3 =	simm.s32 $0x3C00  }
0x3c: {  	[tilespmem:s3], [sflag:$0x1] =	stream.indirect.gather [hbm4b:s6+s12], $0x20, s1, s12, $0xb8;
	[tilespmem:$0x18C00] =	vst v63  }
0x3d: {  	s30 =	simm.s32 $0x0;
	s7 =	simm.s32 $0x780;
	s31 =	simm.s32 $0x7C00  }
0x3e: {  	[tilespmem:s31], [sflag:$0x1] =	stream.indirect.gather [hbm4b:s6+s12], $0x20, s7, s12, $0xb8;
	[tilespmem:$0x18C00] =	vst v63  }
.LBB2_4:
0x3f: {  	s31 =	sshllo.u32 s30, $0x1  }
0x40: {  	s0 =	sshll.u32 s31, $0xE  }
0x41: {  	s0 =	sor.u32 s4, s0  }
0x42: {  	s0 =	sshrl.u32 s0, $0x3  }
0x43: {  	s1 =	simm.s32 $0x200;
	s0 =	sadd.s32 s5, s0  }
0x44: {  	[tilespmem:s1], [sflag:$0x3] =	stream.linear.gather [hbm4b:s0+s8], $0x200, $0x38;
	[tilespmem:$0x18C00] =	vst v63  }
0x45: {  	_ =	swait.ge [sflag:s11], $0x200  }
0x46: {  	[sflag:s11] =	ssyncset.done $0x0  }
0x47: {  	s0 =	simm.s32 $0x0;
	[sflag:s11] =	ssyncadd.s32 $0xFFFFFE00  }
0x48: {  	v16 =	vld [tilespmem:s0+$0x200];
	_ =	sdelay $0x4  }
0x49: {  	v17 =	vtrunc.f32 v16  }
0x4a: {  	v17 =	vcvt.f32.s32 v17;
	_ =	sdelay $0x1  }
0x4b: {  	v18 =	vcvt.s32.f32 v17  }
0x4c: {  	v19 =	vadd.s32 $0x1, v17  }
0x4d: {  	v17 =	vshll.u32 v17, $0x2;
	vm0 =	vlt.s32 v19, $0xF423F;
	v18 =	vsub.f32 v16, v18  }
0x4e: {  	[tilespmem:s0+$0x800] =	vst v17;
	v16 =	vnsel vm0, $0xF423F, v19  }
0x4f: {  	s3 =	simm.s32 $0x10;
	s1 =	simm.s32 $0x80;
	v16 =	vshll.u32 v16, $0x2;
	[tilespmem:s0+$0x200] =	vst v18  }
.LBB2_5:
0x50: {  	p0 =	sne.s32 s1, $0x7C0;
	v17 =	vld [tilespmem:s3+$0x200];
	[tilespmem:s0+$0xA00] =	vst v16;
	s0 =	smov.u32 s3;
	_ =	sdelay $0x4  }
0x51: {  	v16 =	vtrunc.f32 v17  }
0x52: {  	v16 =	vcvt.f32.s32 v16;
	_ =	sdelay $0x1  }
.Ltmp1:
0x53: {  	v18 =	vcvt.s32.f32 v16;
	v19 =	vadd.s32 $0x1, v16;
	v16 =	vshll.u32 v16, $0x2;
	(pc) =	sbr.rel @p0 .LBB2_5-.Ltmp1, $4  }
0x54: {  	vm0 =	vlt.s32 v19, $0xF423F;
	[tilespmem:s0+$0x800] =	vst v16  }
0x55: {  	v17 =	vsub.f32 v17, v18;
	v16 =	vnsel vm0, $0xF423F, v19  }
0x56: {  	v16 =	vshll.u32 v16, $0x2  }
0x57: {  	s3 =	sshra.s32 s1, $0x2;
	s1 =	sadd.s32 $0x40, s1;
	[tilespmem:s0+$0x200] =	vst v17  }
0x58: {  	v17 =	vld [tilespmem:s3+$0x200];
	_ =	sdelay $0x4  }
0x59: {  	v18 =	vtrunc.f32 v17  }
0x5a: {  	v18 =	vcvt.f32.s32 v18;
	_ =	sdelay $0x1  }
0x5b: {  	v19 =	vcvt.s32.f32 v18  }
0x5c: {  	v20 =	vadd.s32 $0x1, v18  }
0x5d: {  	[tilespmem:s0+$0xA00] =	vst v16;
	v16 =	vshll.u32 v18, $0x2;
	vm0 =	vlt.s32 v20, $0xF423F;
	v17 =	vsub.f32 v17, v19  }
0x5e: {  	[tilespmem:s3+$0x800] =	vst v16;
	v16 =	vnsel vm0, $0xF423F, v20  }
0x5f: {  	v16 =	vshll.u32 v16, $0x2;
	[tilespmem:s3+$0x200] =	vst v17  }
0x60: {  	s7 =	simm.s32 $0x800;
	s1 =	simm.s32 $0x8C00;
	[tilespmem:s3+$0xA00] =	vst v16  }
0x61: {  	[tilespmem:s1], [sflag:$0x2] =	stream.indirect.gather [hbm4b:s6+s12], $0x20, s7, s12, $0xb8;
	[tilespmem:$0x18C00] =	vst v63  }
0x62: {  	s3 =	simm.s32 $0xCC00;
	s1 =	simm.s32 $0xA00  }
0x63: {  	[tilespmem:s3], [sflag:$0x2] =	stream.indirect.gather [hbm4b:s6+s12], $0x20, s1, s12, $0xb8;
	[tilespmem:$0x18C00] =	vst v63  }
0x64: {  	s7 =	simm.s32 $0x880  }
0x65: {  	[tilespmem:s10], [sflag:$0x2] =	stream.indirect.gather [hbm4b:s6+s12], $0x20, s7, s12, $0xb8;
	[tilespmem:$0x18C00] =	vst v63  }
0x66: {  	_ = 	snop  }
0x67: {  	[tilespmem:s14], [sflag:$0x2] =	stream.indirect.gather [hbm4b:s6+s12], $0x20, s13, s12, $0xb8;
	[tilespmem:$0x18C00] =	vst v63  }
0x68: {  	_ = 	snop  }
0x69: {  	[tilespmem:s16], [sflag:$0x2] =	stream.indirect.gather [hbm4b:s6+s12], $0x20, s15, s12, $0xb8;
	[tilespmem:$0x18C00] =	vst v63  }
0x6a: {  	_ = 	snop  }
0x6b: {  	[tilespmem:s18], [sflag:$0x2] =	stream.indirect.gather [hbm4b:s6+s12], $0x20, s17, s12, $0xb8;
	[tilespmem:$0x18C00] =	vst v63  }
0x6c: {  	_ = 	snop  }
0x6d: {  	[tilespmem:s20], [sflag:$0x2] =	stream.indirect.gather [hbm4b:s6+s12], $0x20, s19, s12, $0xb8;
	[tilespmem:$0x18C00] =	vst v63  }
0x6e: {  	_ = 	snop  }
0x6f: {  	[tilespmem:s22], [sflag:$0x2] =	stream.indirect.gather [hbm4b:s6+s12], $0x20, s21, s12, $0xb8;
	[tilespmem:$0x18C00] =	vst v63  }
0x70: {  	_ =	swait.ge [sflag:s23], $0x1000  }
0x71: {  	[sflag:s23] =	ssyncset.done $0x0  }
0x72: {  	[sflag:s23] =	ssyncadd.s32 $0xFFFFF000  }
0x73: {  	_ =	swait.ge [sflag:s23], $0x1000  }
0x74: {  	[sflag:s23] =	ssyncset.done $0x0  }
0x75: {  	[sflag:s23] =	ssyncadd.s32 $0xFFFFF000  }
0x76: {  	_ =	swait.ge [sflag:s23], $0x1000  }
0x77: {  	[sflag:s23] =	ssyncset.done $0x0  }
0x78: {  	[sflag:s23] =	ssyncadd.s32 $0xFFFFF000  }
0x79: {  	_ =	swait.ge [sflag:s23], $0x1000  }
0x7a: {  	[sflag:s23] =	ssyncset.done $0x0  }
0x7b: {  	[sflag:s23] =	ssyncadd.s32 $0xFFFFF000  }
0x7c: {  	_ =	swait.ge [sflag:s23], $0x1000  }
0x7d: {  	[sflag:s23] =	ssyncset.done $0x0  }
0x7e: {  	[sflag:s23] =	ssyncadd.s32 $0xFFFFF000  }
0x7f: {  	_ =	swait.ge [sflag:s23], $0x1000  }
0x80: {  	[sflag:s23] =	ssyncset.done $0x0  }
0x81: {  	[sflag:s23] =	ssyncadd.s32 $0xFFFFF000  }
0x82: {  	_ =	swait.ge [sflag:s23], $0x1000  }
0x83: {  	[sflag:s23] =	ssyncset.done $0x0  }
0x84: {  	[sflag:s23] =	ssyncadd.s32 $0xFFFFF000  }
0x85: {  	_ =	swait.ge [sflag:s23], $0x1000  }
0x86: {  	[sflag:s23] =	ssyncset.done $0x0  }
0x87: {  	s0 =	simm.s32 $0x0;
	[sflag:s23] =	ssyncadd.s32 $0xFFFFF000  }
0x88: {  	v16 =	vld [tilespmem:s0+$0xC00]  }
0x89: {  	v19 =	vld [tilespmem:s0+$0x4C00]  }
0x8a: {  	v40 =	vld [tilespmem:s0+$0xC10]  }
0x8b: {  	v56 =	vld [tilespmem:s0+$0x4C10]  }
0x8c: {  	v17 =	vld [tilespmem:s0+$0xC20]  }
0x8d: {  	v24 =	vld [tilespmem:s0+$0x4C20]  }
0x8e: {  	v18 =	vld [tilespmem:s0+$0xC30]  }
0x8f: {  	v41 =	vld [tilespmem:s0+$0x4C30]  }
0x90: {  	v25 =	vld [tilespmem:s0+$0xC40]  }
0x91: {  	v57 =	vld [tilespmem:s0+$0x4C40]  }
0x92: {  	v30 =	vld [tilespmem:s0+$0xC50]  }
0x93: {  	v43 =	vld [tilespmem:s0+$0x4C50]  }
0x94: {  	v31 =	vld [tilespmem:s0+$0xC60]  }
0x95: {  	v44 =	vld [tilespmem:s0+$0x4C60]  }
0x96: {  	v37 =	vld [tilespmem:s0+$0xC70]  }
0x97: {  	v54 =	vld [tilespmem:s0+$0x4C70]  }
0x98: {  	v32 =	vld [tilespmem:s0+$0xC80]  }
0x99: {  	v55 =	vld [tilespmem:s0+$0x4C80]  }
0x9a: {  	v38 =	vld [tilespmem:s0+$0xC90]  }
0x9b: {  	v22 =	vld [tilespmem:s0+$0x4C90]  }
0x9c: {  	v35 =	vld [tilespmem:s0+$0xCA0]  }
0x9d: {  	v42 =	vld [tilespmem:s0+$0x4CA0]  }
0x9e: {  	v36 =	vld [tilespmem:s0+$0xCB0]  }
0x9f: {  	v45 =	vld [tilespmem:s0+$0x4CB0]  }
0xa0: {  	v34 =	vld [tilespmem:s0+$0xCC0]  }
0xa1: {  	v48 =	vld [tilespmem:s0+$0x4CC0]  }
0xa2: {  	v33 =	vld [tilespmem:s0+$0xCD0]  }
0xa3: {  	v49 =	vld [tilespmem:s0+$0x4CD0]  }
0xa4: {  	v27 =	vld [tilespmem:s0+$0xCE0]  }
0xa5: {  	v51 =	vld [tilespmem:s0+$0x4CE0]  }
0xa6: {  	v29 =	vld [tilespmem:s0+$0xCF0]  }
0xa7: {  	v52 =	vld [tilespmem:s0+$0x4CF0]  }
0xa8: {  	v28 =	vld [tilespmem:s0+$0xD00]  }
0xa9: {  	v53 =	vld [tilespmem:s0+$0x4D00]  }
0xaa: {  	v26 =	vld [tilespmem:s0+$0xD10]  }
0xab: {  	v47 =	vld [tilespmem:s0+$0x4D10]  }
0xac: {  	v23 =	vld [tilespmem:s0+$0xD20]  }
0xad: {  	v50 =	vld [tilespmem:s0+$0x4D20]  }
0xae: {  	v21 =	vld [tilespmem:s0+$0xD30]  }
0xaf: {  	v46 =	vld [tilespmem:s0+$0x4D30]  }
0xb0: {  	v20 =	vld [tilespmem:s0+$0xD40]  }
0xb1: {  	v39 =	vld [tilespmem:s0+$0x4D40];
	v62 =	vsub.f32 v19, v16  }
0xb2: {  	v63 =	vsub.f32 v56, v40;
	v61 =	vsub.f32 v24, v17;
	v24 =	vld [tilespmem:s0+$0xD50]  }
0xb3: {  	v60 =	vsub.f32 v41, v18;
	v59 =	vsub.f32 v57, v25;
	v41 =	vld [tilespmem:s0+$0x4D50]  }
0xb4: {  	v58 =	vsub.f32 v43, v30;
	v56 =	vsub.f32 v44, v31;
	v19 =	vld [tilespmem:s0+$0xD60]  }
0xb5: {  	v57 =	vsub.f32 v54, v37;
	v54 =	vsub.f32 v55, v32;
	v43 =	vld [tilespmem:s0+$0x4D60]  }
0xb6: {  	v7 =	vimm.s32 $0x0;
	s1 =	simm.s32 $0x0;
	s3 =	simm.s32 $0x800;
	v55 =	vsub.f32 v22, v38;
	v44 =	vsub.f32 v42, v35;
	v22 =	vld [tilespmem:s0+$0xD70]  }
.LBB2_7:
0xb7: {  	p0 =	sne.s32 s3, $0xF800;
	v42 =	vld [tilespmem:s1+$0x0];
	v0 =	vsub.f32 v45, v36;
	v48 =	vsub.f32 v48, v34  }
0xb8: {  	v49 =	vsub.f32 v49, v33;
	v51 =	vsub.f32 v51, v27;
	v1 =	vld [tilespmem:s0+$0x4D70]  }
0xb9: {  	v52 =	vsub.f32 v52, v29;
	v53 =	vsub.f32 v53, v28;
	v45 =	vld [tilespmem:s0+$0xD80]  }
0xba: {  	s7 =	sshra.s32 s3, $0x2;
	v2 =	vsub.f32 v47, v26;
	v50 =	vsub.f32 v50, v23;
	v3 =	vld [tilespmem:s0+$0x4D80]  }
0xbb: {  	v5 =	vsub.f32 v46, v21;
	v6 =	vsub.f32 v39, v20;
	v4 =	vld [tilespmem:s7+$0xC00]  }
0xbc: {  	v8 =	vsub.f32 v41, v24;
	v39 =	vld [tilespmem:s7+$0x4C00];
	v47 =	vperm.xlane v42, v7;
	v7 =	vperm.xlane v42, v11  }
0xbd: {  	v10 =	vsub.f32 v43, v19;
	v41 =	vperm.xlane v42, v12;
	v9 =	vperm.xlane v42, v13;
	v46 =	vld [tilespmem:s7+$0xC10]  }
0xbe: {  	v1 =	vsub.f32 v1, v22;
	v43 =	vmul.f32 v62, v47;
	v62 =	vmul.f32 v63, v47;
	v47 =	vld [tilespmem:s0+$0xD90]  }
0xbf: {  	v61 =	vmul.f32 v61, v7;
	v7 =	vmul.f32 v60, v7;
	v3 =	vsub.f32 v3, v45;
	v60 =	vld [tilespmem:s0+$0x4D90]  }
0xc0: {  	v59 =	vmul.f32 v59, v41;
	v43 =	vadd.f32 v43, v16;
	v62 =	vadd.f32 v62, v40;
	v40 =	vld [tilespmem:s0+$0xDA0];
	v16 =	vmovc v4  }
0xc1: {  	v4 =	vadd.f32 v61, v17;
	v7 =	vadd.f32 v7, v18;
	v18 =	vmul.f32 v58, v41;
	v58 =	vld [tilespmem:s0+$0x4DA0]  }
0xc2: {  	v25 =	vadd.f32 v59, v25;
	v41 =	vld [tilespmem:s7+$0x4C10];
	[tilespmem:s0+$0x10C00] =	vst v43;
	v43 =	vmul.f32 v56, v9;
	v9 =	vmul.f32 v57, v9  }
0xc3: {  	v18 =	vadd.f32 v18, v30;
	v30 =	vperm.xlane v42, v14;
	v56 =	vperm.xlane v42, v15;
	v17 =	vld [tilespmem:s7+$0xC20];
	[tilespmem:s0+$0x10C10] =	vst v62  }
0xc4: {  	[tilespmem:s0+$0x10C20] =	vst v4;
	v4 =	vadd.f32 v43, v31;
	v31 =	vimm.s32 $0x6  }
0xc5: {  	v9 =	vadd.f32 v9, v37;
	v57 =	vld [tilespmem:s0+$0xDB0];
	v31 =	vperm.xlane v42, v31  }
0xc6: {  	v37 =	vsub.f32 v60, v47;
	[tilespmem:s0+$0x10C30] =	vst v7;
	v7 =	vmul.f32 v54, v30;
	v30 =	vmul.f32 v55, v30;
	v54 =	vld [tilespmem:s0+$0x4DB0]  }
0xc7: {  	v0 =	vmul.f32 v0, v56;
	v55 =	vsub.f32 v58, v40;
	[tilespmem:s0+$0x10C40] =	vst v25;
	v25 =	vmul.f32 v44, v56;
	v56 =	vld [tilespmem:s0+$0xDC0]  }
0xc8: {  	[tilespmem:s0+$0x10C50] =	vst v18;
	v7 =	vadd.f32 v7, v32;
	v30 =	vadd.f32 v30, v38;
	v32 =	vmul.f32 v48, v31;
	v38 =	vld [tilespmem:s0+$0x4DC0]  }
0xc9: {  	v0 =	vadd.f32 v0, v36;
	v43 =	vld [tilespmem:s7+$0x4C20];
	[tilespmem:s0+$0x10C60] =	vst v4;
	v4 =	vadd.f32 v25, v35;
	v25 =	vmul.f32 v49, v31  }
0xca: {  	v31 =	vimm.s32 $0x7;
	v18 =	vld [tilespmem:s7+$0xC30];
	[tilespmem:s0+$0x10C70] =	vst v9;
	v9 =	vadd.f32 v32, v34;
	v32 =	vimm.s32 $0x8  }
0xcb: {  	v31 =	vperm.xlane v42, v31;
	v32 =	vperm.xlane v42, v32  }
0xcc: {  	v44 =	vld [tilespmem:s7+$0x4C30];
	[tilespmem:s0+$0x10C80] =	vst v7;
	v7 =	vadd.f32 v25, v33;
	v25 =	vimm.s32 $0x9  }
0xcd: {  	v33 =	vimm.s32 $0xA;
	v25 =	vperm.xlane v42, v25  }
0xce: {  	v33 =	vperm.xlane v42, v33;
	v2 =	vmul.f32 v2, v32  }
0xcf: {  	v34 =	vsub.f32 v54, v57;
	[tilespmem:s0+$0x10C90] =	vst v30;
	v30 =	vmul.f32 v51, v31;
	v31 =	vmul.f32 v52, v31;
	v35 =	vld [tilespmem:s0+$0xDD0]  }
0xd0: {  	[tilespmem:s0+$0x10CA0] =	vst v4;
	v4 =	vmul.f32 v53, v32;
	v32 =	vsub.f32 v38, v56;
	v36 =	vld [tilespmem:s0+$0x4DD0];
	v6 =	vmul.f32 v6, v33  }
0xd1: {  	[tilespmem:s0+$0x10CB0] =	vst v0;
	v0 =	vadd.f32 v30, v27;
	v27 =	vadd.f32 v31, v29;
	v29 =	vmul.f32 v50, v25;
	v48 =	vld [tilespmem:s0+$0xDE0]  }
0xd2: {  	v2 =	vadd.f32 v2, v26;
	v5 =	vmul.f32 v5, v25;
	[tilespmem:s0+$0x10CC0] =	vst v9;
	v4 =	vadd.f32 v4, v28;
	v9 =	vld [tilespmem:s0+$0x4DE0]  }
0xd3: {  	v8 =	vmul.f32 v8, v33;
	v6 =	vadd.f32 v6, v20;
	v25 =	vld [tilespmem:s7+$0xC40];
	[tilespmem:s0+$0x10CD0] =	vst v7;
	v7 =	vadd.f32 v29, v23  }
0xd4: {  	v54 =	vld [tilespmem:s7+$0x4C40];
	[tilespmem:s0+$0x10CE0] =	vst v0;
	v0 =	vadd.f32 v5, v21;
	v5 =	vimm.s32 $0xB;
	v21 =	vimm.s32 $0xC  }
0xd5: {  	v20 =	vimm.s32 $0xD;
	v5 =	vperm.xlane v42, v5;
	v21 =	vperm.xlane v42, v21  }
0xd6: {  	v8 =	vadd.f32 v8, v24;
	v20 =	vperm.xlane v42, v20;
	[tilespmem:s0+$0x10CF0] =	vst v27;
	v23 =	vld [tilespmem:s0+$0xDF0]  }
0xd7: {  	[tilespmem:s0+$0x10D00] =	vst v4;
	v4 =	vmul.f32 v10, v5;
	v1 =	vmul.f32 v1, v5;
	v5 =	vsub.f32 v36, v35;
	v10 =	vld [tilespmem:s0+$0x4DF0]  }
0xd8: {  	v9 =	vsub.f32 v9, v48;
	v30 =	vld [tilespmem:s7+$0xC50];
	[tilespmem:s0+$0x10D10] =	vst v2;
	v2 =	vmul.f32 v3, v21;
	v3 =	vmul.f32 v37, v21  }
0xd9: {  	v58 =	vld [tilespmem:s7+$0x4C50];
	[tilespmem:s0+$0x10D20] =	vst v7;
	v4 =	vadd.f32 v4, v19;
	v1 =	vadd.f32 v1, v22;
	v7 =	vmul.f32 v55, v20  }
0xda: {  	v31 =	vld [tilespmem:s7+$0xC60];
	[tilespmem:s0+$0x10D30] =	vst v0;
	v0 =	vadd.f32 v2, v45;
	v2 =	vadd.f32 v3, v47;
	v3 =	vmul.f32 v34, v20  }
0xdb: {  	v20 =	vimm.s32 $0xF;
	v19 =	vld [tilespmem:s7+$0x4C60];
	[tilespmem:s0+$0x10D40] =	vst v6;
	v6 =	vadd.f32 v7, v40;
	v7 =	vimm.s32 $0xE  }
0xdc: {  	v20 =	vperm.xlane v42, v20;
	v7 =	vperm.xlane v42, v7  }
0xdd: {  	v40 =	vmov v46;
	v3 =	vadd.f32 v3, v57;
	v37 =	vld [tilespmem:s7+$0xC70];
	[tilespmem:s0+$0x10D50] =	vst v8;
	v8 =	vsub.f32 v10, v23  }
0xde: {  	v10 =	vld [tilespmem:s7+$0x4C70];
	[tilespmem:s0+$0x10D60] =	vst v4;
	v4 =	vmul.f32 v32, v7;
	v5 =	vmul.f32 v5, v7  }
0xdf: {  	v32 =	vld [tilespmem:s7+$0xC80];
	[tilespmem:s0+$0x10D70] =	vst v1;
	v1 =	vmul.f32 v9, v20;
	v7 =	vmul.f32 v8, v20  }
0xe0: {  	v8 =	vld [tilespmem:s7+$0x4C80];
	[tilespmem:s0+$0x10D80] =	vst v0;
	v0 =	vadd.f32 v4, v56;
	v4 =	vadd.f32 v5, v35  }
0xe1: {  	v38 =	vld [tilespmem:s7+$0xC90];
	[tilespmem:s0+$0x10D90] =	vst v2;
	v1 =	vadd.f32 v1, v48;
	v2 =	vadd.f32 v7, v23;
	v7 =	vimm.s32 $0x0  }
0xe2: {  	v5 =	vld [tilespmem:s7+$0x4C90];
	[tilespmem:s0+$0x10DA0] =	vst v6  }
0xe3: {  	v35 =	vld [tilespmem:s7+$0xCA0];
	[tilespmem:s0+$0x10DB0] =	vst v3  }
0xe4: {  	v3 =	vld [tilespmem:s7+$0x4CA0];
	[tilespmem:s0+$0x10DC0] =	vst v0  }
0xe5: {  	v36 =	vld [tilespmem:s7+$0xCB0];
	[tilespmem:s0+$0x10DD0] =	vst v4  }
0xe6: {  	v45 =	vld [tilespmem:s7+$0x4CB0];
	[tilespmem:s0+$0x10DE0] =	vst v1  }
0xe7: {  	v34 =	vld [tilespmem:s7+$0xCC0];
	[tilespmem:s0+$0x10DF0] =	vst v2;
	s0 =	smov.u32 s7  }
0xe8: {  	v48 =	vld [tilespmem:s0+$0x4CC0]  }
0xe9: {  	v33 =	vld [tilespmem:s0+$0xCD0]  }
0xea: {  	v49 =	vld [tilespmem:s0+$0x4CD0]  }
0xeb: {  	v27 =	vld [tilespmem:s0+$0xCE0]  }
0xec: {  	v51 =	vld [tilespmem:s0+$0x4CE0]  }
0xed: {  	v29 =	vld [tilespmem:s0+$0xCF0]  }
0xee: {  	v52 =	vld [tilespmem:s0+$0x4CF0]  }
0xef: {  	v28 =	vld [tilespmem:s0+$0xD00]  }
0xf0: {  	v53 =	vld [tilespmem:s0+$0x4D00]  }
0xf1: {  	v26 =	vld [tilespmem:s0+$0xD10]  }
0xf2: {  	v47 =	vld [tilespmem:s0+$0x4D10]  }
0xf3: {  	v23 =	vld [tilespmem:s0+$0xD20]  }
0xf4: {  	v50 =	vld [tilespmem:s0+$0x4D20]  }
0xf5: {  	v21 =	vld [tilespmem:s0+$0xD30]  }
0xf6: {  	v46 =	vld [tilespmem:s0+$0x4D30]  }
0xf7: {  	v20 =	vld [tilespmem:s0+$0xD40]  }
0xf8: {  	v62 =	vsub.f32 v39, v16;
	v39 =	vld [tilespmem:s0+$0x4D40]  }
.Ltmp2:
0xf9: {  	v61 =	vsub.f32 v43, v17;
	v63 =	vsub.f32 v41, v40;
	v24 =	vld [tilespmem:s0+$0xD50];
	(pc) =	sbr.rel @p0 .LBB2_7-.Ltmp2, $4  }
0xfa: {  	v60 =	vsub.f32 v44, v18;
	v59 =	vsub.f32 v54, v25;
	v41 =	vld [tilespmem:s0+$0x4D50]  }
0xfb: {  	v58 =	vsub.f32 v58, v30;
	v56 =	vsub.f32 v19, v31;
	v19 =	vld [tilespmem:s0+$0xD60]  }
0xfc: {  	v57 =	vsub.f32 v10, v37;
	v54 =	vsub.f32 v8, v32;
	v43 =	vld [tilespmem:s0+$0x4D60]  }
0xfd: {  	s3 =	sadd.s32 $0x800, s3;
	s1 =	sadd.s32 $0x10, s1;
	v55 =	vsub.f32 v5, v38;
	v44 =	vsub.f32 v3, v35;
	v22 =	vld [tilespmem:s0+$0xD70]  }
0xfe: {  	v42 =	vld [tilespmem:s1+$0x0]  }
0xff: {  	v0 =	vld [tilespmem:s0+$0x4D70]  }
0x100: {  	v1 =	vld [tilespmem:s0+$0xD80]  }
0x101: {  	v3 =	vld [tilespmem:s0+$0x4D80]  }
0x102: {  	v9 =	vld [tilespmem:s0+$0xDA0]  }
0x103: {  	v10 =	vld [tilespmem:s0+$0x4DA0];
	v2 =	vperm.xlane v42, v7  }
0x104: {  	v49 =	vsub.f32 v49, v33;
	v4 =	vperm.xlane v42, v11  }
0x105: {  	v41 =	vsub.f32 v41, v24;
	v5 =	vmul.f32 v62, v2;
	v2 =	vmul.f32 v63, v2  }
0x106: {  	v0 =	vsub.f32 v0, v22;
	v8 =	vmul.f32 v61, v4;
	v4 =	vmul.f32 v60, v4  }
0x107: {  	v6 =	vld [tilespmem:s0+$0xD90];
	v3 =	vsub.f32 v3, v1;
	v60 =	vperm.xlane v42, v12;
	v63 =	vperm.xlane v42, v13  }
0x108: {  	v7 =	vld [tilespmem:s0+$0x4D90];
	v10 =	vsub.f32 v10, v9;
	v12 =	vperm.xlane v42, v14;
	v14 =	vperm.xlane v42, v15  }
0x109: {  	v5 =	vadd.f32 v5, v16;
	v2 =	vadd.f32 v2, v40;
	v62 =	vmul.f32 v59, v60  }
0x10a: {  	v8 =	vadd.f32 v8, v17;
	v11 =	vmul.f32 v56, v63;
	v16 =	vmul.f32 v57, v63  }
0x10b: {  	v61 =	vadd.f32 v4, v18;
	v13 =	vmul.f32 v54, v12;
	v40 =	vmul.f32 v44, v14  }
0x10c: {  	v44 =	vsub.f32 v48, v34;
	v54 =	vsub.f32 v51, v27;
	v56 =	vimm.s32 $0x7  }
0x10d: {  	v59 =	vimm.s32 $0x8;
	v57 =	vperm.xlane v42, v56;
	v7 =	vsub.f32 v7, v6;
	[tilespmem:s0+$0x10C00] =	vst v5  }
0x10e: {  	[tilespmem:s0+$0x10C10] =	vst v2;
	v5 =	vmul.f32 v58, v60;
	v4 =	vadd.f32 v62, v25;
	v17 =	vadd.f32 v11, v31  }
0x10f: {  	[tilespmem:s0+$0x10C20] =	vst v8;
	v16 =	vadd.f32 v16, v37;
	v37 =	vsub.f32 v45, v36;
	v45 =	vimm.s32 $0x6  }
0x110: {  	[tilespmem:s0+$0x10C30] =	vst v61;
	v58 =	vsub.f32 v53, v28;
	v60 =	vperm.xlane v42, v59;
	v61 =	vsub.f32 v47, v26  }
0x111: {  	v62 =	vsub.f32 v50, v23;
	v47 =	vsub.f32 v43, v19;
	v53 =	vimm.s32 $0xD;
	[tilespmem:s0+$0x10C40] =	vst v4  }
0x112: {  	v48 =	vperm.xlane v42, v45;
	v5 =	vadd.f32 v5, v30;
	v4 =	vmul.f32 v55, v12;
	[tilespmem:s0+$0x10C60] =	vst v17  }
0x113: {  	[tilespmem:s0+$0x10C70] =	vst v16;
	v17 =	vmul.f32 v37, v14;
	v16 =	vadd.f32 v40, v35;
	v55 =	vsub.f32 v52, v29  }
0x114: {  	v12 =	vimm.s32 $0x9;
	v37 =	vsub.f32 v46, v21;
	[tilespmem:s0+$0x10C50] =	vst v5;
	v5 =	vadd.f32 v13, v32  }
0x115: {  	v8 =	vld [tilespmem:s0+$0xDB0];
	v4 =	vadd.f32 v4, v38;
	v17 =	vadd.f32 v17, v36;
	[tilespmem:s0+$0x10CA0] =	vst v16;
	v32 =	vmul.f32 v54, v57  }
0x116: {  	v2 =	vld [tilespmem:s0+$0x4DB0];
	v16 =	vmul.f32 v55, v57;
	v38 =	vsub.f32 v39, v20;
	v39 =	vimm.s32 $0xA;
	[tilespmem:s0+$0x10C80] =	vst v5  }
0x117: {  	v40 =	vperm.xlane v42, v39;
	[tilespmem:s0+$0x10C90] =	vst v4;
	v5 =	vmul.f32 v44, v48;
	v63 =	vadd.f32 v32, v27  }
0x118: {  	v18 =	vld [tilespmem:s0+$0xDC0];
	v52 =	vimm.s32 $0xC;
	v4 =	vmul.f32 v49, v48;
	[tilespmem:s0+$0x10CB0] =	vst v17;
	v16 =	vadd.f32 v16, v29  }
0x119: {  	v30 =	vld [tilespmem:s0+$0x4DC0];
	v13 =	vperm.xlane v42, v12;
	v45 =	vmul.f32 v38, v40;
	v5 =	vadd.f32 v5, v34;
	[tilespmem:s0+$0x10CE0] =	vst v63  }
0x11a: {  	v31 =	vld [tilespmem:s0+$0xDD0];
	v57 =	vimm.s32 $0xE;
	v4 =	vadd.f32 v4, v33;
	v34 =	vmul.f32 v58, v60;
	[tilespmem:s0+$0x10CF0] =	vst v16  }
0x11b: {  	v35 =	vld [tilespmem:s0+$0x4DD0];
	v2 =	vsub.f32 v2, v8;
	v50 =	vadd.f32 v45, v20;
	[tilespmem:s0+$0x10CC0] =	vst v5;
	v5 =	vmul.f32 v61, v60  }
0x11c: {  	v48 =	vimm.s32 $0xB;
	v33 =	vmul.f32 v62, v13;
	v36 =	vadd.f32 v34, v28;
	[tilespmem:s0+$0x10CD0] =	vst v4  }
0x11d: {  	v49 =	vperm.xlane v42, v48;
	v4 =	vmul.f32 v37, v13;
	[tilespmem:s0+$0x10D40] =	vst v50;
	v5 =	vadd.f32 v5, v26  }
0x11e: {  	v51 =	vld [tilespmem:s0+$0x4DF0];
	v56 =	vsub.f32 v30, v18;
	v16 =	vmul.f32 v41, v40;
	v44 =	vadd.f32 v33, v23;
	[tilespmem:s0+$0x10D00] =	vst v36  }
0x11f: {  	v46 =	vld [tilespmem:s0+$0xDF0];
	v17 =	vmul.f32 v47, v49;
	v4 =	vadd.f32 v4, v21;
	[tilespmem:s0+$0x10D10] =	vst v5;
	v5 =	vperm.xlane v42, v52  }
0x120: {  	v25 =	vld [tilespmem:s0+$0xDE0];
	v58 =	vsub.f32 v35, v31;
	v0 =	vmul.f32 v0, v49;
	v16 =	vadd.f32 v16, v24;
	[tilespmem:s0+$0x10D20] =	vst v44  }
0x121: {  	v14 =	vld [tilespmem:s0+$0x4DE0];
	v54 =	vadd.f32 v17, v19;
	[tilespmem:s0+$0x10D30] =	vst v4;
	v4 =	vperm.xlane v42, v53;
	v3 =	vmul.f32 v3, v5  }
0x122: {  	v60 =	vimm.s32 $0xF;
	v0 =	vadd.f32 v0, v22;
	[tilespmem:s0+$0x10D50] =	vst v16;
	v5 =	vmul.f32 v7, v5  }
0x123: {  	[tilespmem:s0+$0x10D60] =	vst v54;
	v55 =	vmul.f32 v10, v4;
	v7 =	vperm.xlane v42, v57;
	v1 =	vadd.f32 v3, v1  }
0x124: {  	v61 =	vsub.f32 v51, v46;
	[tilespmem:s0+$0x10D70] =	vst v0;
	v2 =	vmul.f32 v2, v4;
	v5 =	vadd.f32 v5, v6  }
0x125: {  	v4 =	vperm.xlane v42, v60;
	v3 =	vadd.f32 v55, v9;
	v6 =	vmul.f32 v56, v7;
	[tilespmem:s0+$0x10D80] =	vst v1  }
0x126: {  	v59 =	vsub.f32 v14, v25;
	v2 =	vadd.f32 v2, v8;
	v0 =	vmul.f32 v58, v7;
	[tilespmem:s0+$0x10D90] =	vst v5  }
0x127: {  	v62 =	vmul.f32 v61, v4;
	v6 =	vadd.f32 v6, v18;
	[tilespmem:s0+$0x10DA0] =	vst v3  }
0x128: {  	v1 =	vmul.f32 v59, v4;
	v0 =	vadd.f32 v0, v31;
	[tilespmem:s0+$0x10DB0] =	vst v2  }
0x129: {  	s3 =	sshll.u32 s30, $0x6;
	v63 =	vadd.f32 v62, v46;
	[tilespmem:s0+$0x10DC0] =	vst v6  }
0x12a: {  	s1 =	sadd.s32 s9, s3;
	v1 =	vadd.f32 v1, v25;
	[tilespmem:s0+$0x10DD0] =	vst v0  }
0x12b: {  	p0 =	seq.s32 s30, $0xC;
	s1 =	sshrl.u32 s1, $0x3;
	[tilespmem:s0+$0x10DF0] =	vst v63  }
.Ltmp3:
0x12c: {  	s7 =	sadd.s32 s2, s1;
	[tilespmem:s0+$0x10DE0] =	vst v1;
	(pc) =	sbr.rel @p0 .LBB2_12-.Ltmp3, $4  }
0x12d: {  	[hbm4b:s7+s24] =	stream.strided.scatter [tilespmem:s26], [sflag:$0x3], $0x4000, s25, s24, $0x38;
	[tilespmem:$0x18C00] =	vst v63  }
0x12e: {  	_ =	swait.ge [sflag:s11], $0x4000  }
0x12f: {  	[sflag:s11] =	ssyncset.done $0x0  }
0x130: {  	[sflag:s11] =	ssyncadd.s32 $0xFFFFC000  }
0x131: {  	s0 =	sshll.u32 s30, $0xF;
	s1 =	rddreg [dreg:$0x4]  }
0x132: {  	s0 =	sadd.s32 s1, s0  }
0x133: {  	s0 =	sshrl.u32 s0, $0x3  }
0x134: {  	s7 =	simm.s32 $0x0;
	s0 =	sadd.s32 s5, s0  }
0x135: {  	[tilespmem:s7], [sflag:$0x3] =	stream.linear.gather [hbm4b:s0+s7], $0x200, $0x38;
	[tilespmem:$0x18C00] =	vst v63  }
0x136: {  	_ =	swait.ge [sflag:s11], $0x200  }
0x137: {  	[sflag:s11] =	ssyncset.done $0x0  }
0x138: {  	s0 =	simm.s32 $0x0;
	[sflag:s11] =	ssyncadd.s32 $0xFFFFFE00  }
0x139: {  	v0 =	vld [tilespmem:s0+$0x0];
	_ =	sdelay $0x4  }
0x13a: {  	v1 =	vtrunc.f32 v0  }
0x13b: {  	v1 =	vcvt.f32.s32 v1;
	_ =	sdelay $0x1  }
0x13c: {  	v2 =	vcvt.s32.f32 v1  }
0x13d: {  	v3 =	vadd.s32 $0x1, v1  }
0x13e: {  	v1 =	vshll.u32 v1, $0x2;
	vm0 =	vlt.s32 v3, $0xF423F;
	v0 =	vsub.f32 v0, v2  }
0x13f: {  	[tilespmem:s0+$0x400] =	vst v1;
	v63 =	vnsel vm0, $0xF423F, v3  }
0x140: {  	s3 =	simm.s32 $0x10;
	s1 =	simm.s32 $0x80;
	v16 =	vshll.u32 v63, $0x2;
	[tilespmem:s0+$0x0] =	vst v0  }
.LBB2_10:
0x141: {  	p0 =	sne.s32 s1, $0x7C0;
	v0 =	vld [tilespmem:s3+$0x0];
	[tilespmem:s0+$0x600] =	vst v16;
	s0 =	smov.u32 s3;
	_ =	sdelay $0x4  }
0x142: {  	v1 =	vtrunc.f32 v0  }
0x143: {  	v1 =	vcvt.f32.s32 v1;
	_ =	sdelay $0x1  }
.Ltmp4:
0x144: {  	v2 =	vcvt.s32.f32 v1;
	v3 =	vadd.s32 $0x1, v1;
	v1 =	vshll.u32 v1, $0x2;
	(pc) =	sbr.rel @p0 .LBB2_10-.Ltmp4, $4  }
0x145: {  	vm0 =	vlt.s32 v3, $0xF423F;
	[tilespmem:s0+$0x400] =	vst v1  }
0x146: {  	v0 =	vsub.f32 v0, v2;
	v1 =	vnsel vm0, $0xF423F, v3  }
0x147: {  	v16 =	vshll.u32 v1, $0x2  }
0x148: {  	s3 =	sshra.s32 s1, $0x2;
	s1 =	sadd.s32 $0x40, s1;
	[tilespmem:s0+$0x0] =	vst v0  }
0x149: {  	v0 =	vld [tilespmem:s3+$0x0];
	_ =	sdelay $0x4  }
0x14a: {  	v1 =	vtrunc.f32 v0  }
0x14b: {  	v1 =	vcvt.f32.s32 v1;
	_ =	sdelay $0x1  }
0x14c: {  	v2 =	vcvt.s32.f32 v1  }
0x14d: {  	v3 =	vadd.s32 $0x1, v1  }
0x14e: {  	[tilespmem:s0+$0x600] =	vst v16;
	v1 =	vshll.u32 v1, $0x2;
	vm0 =	vlt.s32 v3, $0xF423F;
	v0 =	vsub.f32 v0, v2  }
0x14f: {  	[tilespmem:s3+$0x400] =	vst v1;
	v63 =	vnsel vm0, $0xF423F, v3  }
0x150: {  	v1 =	vshll.u32 v63, $0x2;
	[tilespmem:s3+$0x0] =	vst v0  }
0x151: {  	s7 =	simm.s32 $0x400;
	s1 =	simm.s32 $0xC00;
	[tilespmem:s3+$0x600] =	vst v1  }
0x152: {  	[tilespmem:s1], [sflag:$0x1] =	stream.indirect.gather [hbm4b:s6+s12], $0x20, s7, s12, $0xb8;
	[tilespmem:$0x18C00] =	vst v63  }
0x153: {  	s3 =	simm.s32 $0x600;
	s7 =	simm.s32 $0x4C00  }
0x154: {  	[tilespmem:s7], [sflag:$0x1] =	stream.indirect.gather [hbm4b:s6+s12], $0x20, s3, s12, $0xb8;
	[tilespmem:$0x18C00] =	vst v63  }
0x155: {  	s3 =	simm.s32 $0x480;
	s7 =	simm.s32 $0x1C00  }
0x156: {  	[tilespmem:s7], [sflag:$0x1] =	stream.indirect.gather [hbm4b:s6+s12], $0x20, s3, s12, $0xb8;
	[tilespmem:$0x18C00] =	vst v63  }
0x157: {  	s3 =	simm.s32 $0x680;
	s7 =	simm.s32 $0x5C00  }
0x158: {  	[tilespmem:s7], [sflag:$0x1] =	stream.indirect.gather [hbm4b:s6+s12], $0x20, s3, s12, $0xb8;
	[tilespmem:$0x18C00] =	vst v63  }
0x159: {  	s3 =	simm.s32 $0x500;
	s7 =	simm.s32 $0x2C00  }
0x15a: {  	[tilespmem:s7], [sflag:$0x1] =	stream.indirect.gather [hbm4b:s6+s12], $0x20, s3, s12, $0xb8;
	[tilespmem:$0x18C00] =	vst v63  }
0x15b: {  	s3 =	simm.s32 $0x700;
	s7 =	simm.s32 $0x6C00  }
0x15c: {  	[tilespmem:s7], [sflag:$0x1] =	stream.indirect.gather [hbm4b:s6+s12], $0x20, s3, s12, $0xb8;
	[tilespmem:$0x18C00] =	vst v63  }
0x15d: {  	s3 =	simm.s32 $0x580;
	s7 =	simm.s32 $0x3C00  }
0x15e: {  	[tilespmem:s7], [sflag:$0x1] =	stream.indirect.gather [hbm4b:s6+s12], $0x20, s3, s12, $0xb8;
	[tilespmem:$0x18C00] =	vst v63  }
0x15f: {  	s3 =	simm.s32 $0x780;
	s7 =	simm.s32 $0x7C00  }
0x160: {  	[tilespmem:s7], [sflag:$0x1] =	stream.indirect.gather [hbm4b:s6+s12], $0x20, s3, s12, $0xb8;
	[tilespmem:$0x18C00] =	vst v63  }
.LBB2_12:
0x161: {  	_ =	swait.ge [sflag:s28], $0x1000  }
0x162: {  	[sflag:s28] =	ssyncset.done $0x0  }
0x163: {  	[sflag:s28] =	ssyncadd.s32 $0xFFFFF000  }
0x164: {  	_ =	swait.ge [sflag:s28], $0x1000  }
0x165: {  	[sflag:s28] =	ssyncset.done $0x0  }
0x166: {  	[sflag:s28] =	ssyncadd.s32 $0xFFFFF000  }
0x167: {  	_ =	swait.ge [sflag:s28], $0x1000  }
0x168: {  	[sflag:s28] =	ssyncset.done $0x0  }
0x169: {  	[sflag:s28] =	ssyncadd.s32 $0xFFFFF000  }
0x16a: {  	_ =	swait.ge [sflag:s28], $0x1000  }
0x16b: {  	[sflag:s28] =	ssyncset.done $0x0  }
0x16c: {  	[sflag:s28] =	ssyncadd.s32 $0xFFFFF000  }
0x16d: {  	_ =	swait.ge [sflag:s28], $0x1000  }
0x16e: {  	[sflag:s28] =	ssyncset.done $0x0  }
0x16f: {  	[sflag:s28] =	ssyncadd.s32 $0xFFFFF000  }
0x170: {  	_ =	swait.ge [sflag:s28], $0x1000  }
0x171: {  	[sflag:s28] =	ssyncset.done $0x0  }
0x172: {  	[sflag:s28] =	ssyncadd.s32 $0xFFFFF000  }
0x173: {  	_ =	swait.ge [sflag:s28], $0x1000  }
0x174: {  	[sflag:s28] =	ssyncset.done $0x0  }
0x175: {  	[sflag:s28] =	ssyncadd.s32 $0xFFFFF000  }
0x176: {  	_ =	swait.ge [sflag:s28], $0x1000  }
0x177: {  	[sflag:s28] =	ssyncset.done $0x0  }
0x178: {  	s0 =	simm.s32 $0x0;
	[sflag:s28] =	ssyncadd.s32 $0xFFFFF000  }
0x179: {  	v16 =	vld [tilespmem:s0+$0x8C00]  }
0x17a: {  	v0 =	vld [tilespmem:s0+$0xCC00]  }
0x17b: {  	v40 =	vld [tilespmem:s0+$0x8C10]  }
0x17c: {  	v1 =	vld [tilespmem:s0+$0xCC10]  }
0x17d: {  	v17 =	vld [tilespmem:s0+$0x8C20]  }
0x17e: {  	v2 =	vld [tilespmem:s0+$0xCC20]  }
0x17f: {  	v18 =	vld [tilespmem:s0+$0x8C30]  }
0x180: {  	v3 =	vld [tilespmem:s0+$0xCC30]  }
0x181: {  	v25 =	vld [tilespmem:s0+$0x8C40]  }
0x182: {  	v4 =	vld [tilespmem:s0+$0xCC40]  }
0x183: {  	v30 =	vld [tilespmem:s0+$0x8C50]  }
0x184: {  	v5 =	vld [tilespmem:s0+$0xCC50]  }
0x185: {  	v31 =	vld [tilespmem:s0+$0x8C60]  }
0x186: {  	v6 =	vld [tilespmem:s0+$0xCC60]  }
0x187: {  	v37 =	vld [tilespmem:s0+$0x8C70]  }
0x188: {  	v7 =	vld [tilespmem:s0+$0xCC70]  }
0x189: {  	v32 =	vld [tilespmem:s0+$0x8C80]  }
0x18a: {  	v8 =	vld [tilespmem:s0+$0xCC80]  }
0x18b: {  	v38 =	vld [tilespmem:s0+$0x8C90]  }
0x18c: {  	v9 =	vld [tilespmem:s0+$0xCC90]  }
0x18d: {  	v35 =	vld [tilespmem:s0+$0x8CA0]  }
0x18e: {  	v10 =	vld [tilespmem:s0+$0xCCA0]  }
0x18f: {  	v36 =	vld [tilespmem:s0+$0x8CB0]  }
0x190: {  	v45 =	vld [tilespmem:s0+$0xCCB0]  }
0x191: {  	v34 =	vld [tilespmem:s0+$0x8CC0]  }
0x192: {  	v48 =	vld [tilespmem:s0+$0xCCC0]  }
0x193: {  	v33 =	vld [tilespmem:s0+$0x8CD0]  }
0x194: {  	v49 =	vld [tilespmem:s0+$0xCCD0]  }
0x195: {  	v27 =	vld [tilespmem:s0+$0x8CE0]  }
0x196: {  	v51 =	vld [tilespmem:s0+$0xCCE0]  }
0x197: {  	v29 =	vld [tilespmem:s0+$0x8CF0]  }
0x198: {  	v52 =	vld [tilespmem:s0+$0xCCF0]  }
0x199: {  	v28 =	vld [tilespmem:s0+$0x8D00]  }
0x19a: {  	v53 =	vld [tilespmem:s0+$0xCD00]  }
0x19b: {  	v26 =	vld [tilespmem:s0+$0x8D10]  }
0x19c: {  	v47 =	vld [tilespmem:s0+$0xCD10]  }
0x19d: {  	v23 =	vld [tilespmem:s0+$0x8D20]  }
0x19e: {  	v50 =	vld [tilespmem:s0+$0xCD20]  }
0x19f: {  	v21 =	vld [tilespmem:s0+$0x8D30]  }
0x1a0: {  	v46 =	vld [tilespmem:s0+$0xCD30]  }
0x1a1: {  	v20 =	vld [tilespmem:s0+$0x8D40]  }
0x1a2: {  	v39 =	vld [tilespmem:s0+$0xCD40];
	v62 =	vsub.f32 v0, v16  }
0x1a3: {  	v15 =	vimm.s32 $0x4;
	v24 =	vld [tilespmem:s0+$0x8D50];
	v63 =	vsub.f32 v1, v40;
	v61 =	vsub.f32 v2, v17  }
0x1a4: {  	v14 =	vimm.s32 $0x3;
	v41 =	vld [tilespmem:s0+$0xCD50];
	v60 =	vsub.f32 v3, v18;
	v59 =	vsub.f32 v4, v25  }
0x1a5: {  	v13 =	vimm.s32 $0x2;
	v19 =	vld [tilespmem:s0+$0x8D60];
	v58 =	vsub.f32 v5, v30;
	v56 =	vsub.f32 v6, v31  }
0x1a6: {  	v12 =	vimm.s32 $0x1;
	v43 =	vld [tilespmem:s0+$0xCD60];
	v57 =	vsub.f32 v7, v37;
	v54 =	vsub.f32 v8, v32  }
0x1a7: {  	s1 =	simm.s32 $0x200;
	s3 =	simm.s32 $0x800;
	v11 =	vimm.s32 $0x0;
	v22 =	vld [tilespmem:s0+$0x8D70];
	v55 =	vsub.f32 v9, v38;
	v44 =	vsub.f32 v10, v35  }
.LBB2_13:
0x1a8: {  	v42 =	vld [tilespmem:s1+$0x0];
	v0 =	vsub.f32 v45, v36  }
0x1a9: {  	p0 =	sne.s32 s3, $0xF800;
	v1 =	vsub.f32 v48, v34;
	v2 =	vsub.f32 v49, v33  }
0x1aa: {  	v3 =	vsub.f32 v51, v27;
	v5 =	vsub.f32 v52, v29;
	v4 =	vld [tilespmem:s0+$0xCD70]  }
0x1ab: {  	v6 =	vsub.f32 v53, v28;
	v7 =	vsub.f32 v47, v26;
	v45 =	vld [tilespmem:s0+$0x8D80]  }
0x1ac: {  	s7 =	sshra.s32 s3, $0x2;
	v8 =	vsub.f32 v50, v23;
	v48 =	vsub.f32 v46, v21;
	v9 =	vld [tilespmem:s0+$0xCD80]  }
0x1ad: {  	v49 =	vsub.f32 v39, v20;
	v10 =	vld [tilespmem:s7+$0x8C00];
	v47 =	vperm.xlane v42, v11;
	v50 =	vperm.xlane v42, v12  }
0x1ae: {  	v51 =	vsub.f32 v41, v24;
	v39 =	vld [tilespmem:s7+$0xCC00];
	v41 =	vperm.xlane v42, v13;
	v52 =	vperm.xlane v42, v14  }
0x1af: {  	v53 =	vsub.f32 v43, v19;
	v46 =	vld [tilespmem:s7+$0x8C10];
	v43 =	vmul.f32 v62, v47;
	v62 =	vmul.f32 v63, v47  }
0x1b0: {  	v4 =	vsub.f32 v4, v22;
	v47 =	vld [tilespmem:s0+$0x8D90];
	v61 =	vmul.f32 v61, v50;
	v50 =	vmul.f32 v60, v50  }
0x1b1: {  	v59 =	vmul.f32 v59, v41;
	v9 =	vsub.f32 v9, v45;
	v60 =	vld [tilespmem:s0+$0xCD90];
	v43 =	vadd.f32 v43, v16  }
0x1b2: {  	v62 =	vadd.f32 v62, v40;
	v40 =	vld [tilespmem:s0+$0x8DA0];
	v16 =	vmov v10;
	v10 =	vadd.f32 v61, v17  }
0x1b3: {  	v18 =	vadd.f32 v50, v18;
	v50 =	vmul.f32 v58, v41;
	v25 =	vadd.f32 v59, v25;
	v58 =	vld [tilespmem:s0+$0xCDA0]  }
0x1b4: {  	v41 =	vld [tilespmem:s7+$0xCC10];
	[tilespmem:s0+$0x14C00] =	vst v43;
	v43 =	vmul.f32 v56, v52;
	v52 =	vmul.f32 v57, v52;
	v56 =	vimm.s32 $0x5  }
0x1b5: {  	v30 =	vadd.f32 v50, v30;
	v50 =	vperm.xlane v42, v15;
	v17 =	vld [tilespmem:s7+$0x8C20];
	[tilespmem:s0+$0x14C10] =	vst v62;
	v56 =	vperm.xlane v42, v56  }
0x1b6: {  	[tilespmem:s0+$0x14C20] =	vst v10;
	v10 =	vadd.f32 v43, v31;
	v31 =	vadd.f32 v52, v37;
	v37 =	vimm.s32 $0x6  }
0x1b7: {  	v52 =	vld [tilespmem:s0+$0x8DB0];
	v37 =	vperm.xlane v42, v37  }
0x1b8: {  	v43 =	vmul.f32 v55, v50;
	[tilespmem:s0+$0x14C30] =	vst v18;
	v18 =	vmul.f32 v54, v50;
	v50 =	vsub.f32 v60, v47;
	v54 =	vld [tilespmem:s0+$0xCDB0]  }
0x1b9: {  	v0 =	vmul.f32 v0, v56;
	v55 =	vsub.f32 v58, v40;
	[tilespmem:s0+$0x14C40] =	vst v25;
	v25 =	vmul.f32 v44, v56;
	v56 =	vld [tilespmem:s0+$0x8DC0]  }
0x1ba: {  	v1 =	vmul.f32 v1, v37;
	[tilespmem:s0+$0x14C50] =	vst v30;
	v30 =	vadd.f32 v18, v32;
	v32 =	vadd.f32 v43, v38;
	v38 =	vld [tilespmem:s0+$0xCDC0]  }
0x1bb: {  	v0 =	vadd.f32 v0, v36;
	v2 =	vmul.f32 v2, v37;
	v43 =	vld [tilespmem:s7+$0xCC20];
	[tilespmem:s0+$0x14C60] =	vst v10;
	v10 =	vadd.f32 v25, v35  }
0x1bc: {  	v25 =	vimm.s32 $0x7;
	v18 =	vld [tilespmem:s7+$0x8C30];
	[tilespmem:s0+$0x14C70] =	vst v31;
	v31 =	vimm.s32 $0x8  }
0x1bd: {  	v1 =	vadd.f32 v1, v34;
	v25 =	vperm.xlane v42, v25;
	v31 =	vperm.xlane v42, v31  }
0x1be: {  	v2 =	vadd.f32 v2, v33;
	v33 =	vimm.s32 $0xA;
	v44 =	vld [tilespmem:s7+$0xCC30];
	[tilespmem:s0+$0x14C80] =	vst v30;
	v30 =	vimm.s32 $0x9  }
0x1bf: {  	v33 =	vperm.xlane v42, v33;
	v30 =	vperm.xlane v42, v30  }
0x1c0: {  	v3 =	vmul.f32 v3, v25;
	v5 =	vmul.f32 v5, v25;
	[tilespmem:s0+$0x14C90] =	vst v32;
	v32 =	vsub.f32 v54, v52;
	v34 =	vld [tilespmem:s0+$0x8DD0]  }
0x1c1: {  	v6 =	vmul.f32 v6, v31;
	v7 =	vmul.f32 v7, v31;
	[tilespmem:s0+$0x14CA0] =	vst v10;
	v10 =	vsub.f32 v38, v56;
	v31 =	vld [tilespmem:s0+$0xCDD0]  }
0x1c2: {  	[tilespmem:s0+$0x14CB0] =	vst v0;
	v0 =	vadd.f32 v3, v27;
	v3 =	vadd.f32 v5, v29;
	v5 =	vmul.f32 v8, v30;
	v8 =	vld [tilespmem:s0+$0x8DE0]  }
0x1c3: {  	[tilespmem:s0+$0x14CC0] =	vst v1;
	v1 =	vadd.f32 v6, v28;
	v6 =	vadd.f32 v7, v26;
	v7 =	vmul.f32 v48, v30;
	v26 =	vld [tilespmem:s0+$0xCDE0]  }
0x1c4: {  	v25 =	vld [tilespmem:s7+$0x8C40];
	[tilespmem:s0+$0x14CD0] =	vst v2;
	v2 =	vadd.f32 v5, v23;
	v5 =	vmul.f32 v49, v33;
	v23 =	vmul.f32 v51, v33  }
0x1c5: {  	v54 =	vld [tilespmem:s7+$0xCC40];
	[tilespmem:s0+$0x14CE0] =	vst v0;
	v0 =	vadd.f32 v7, v21;
	v7 =	vimm.s32 $0xB;
	v21 =	vimm.s32 $0xC  }
0x1c6: {  	v7 =	vperm.xlane v42, v7;
	v21 =	vperm.xlane v42, v21  }
0x1c7: {  	[tilespmem:s0+$0x14CF0] =	vst v3;
	v3 =	vadd.f32 v5, v20;
	v20 =	vimm.s32 $0xD  }
0x1c8: {  	v5 =	vadd.f32 v23, v24;
	v23 =	vld [tilespmem:s0+$0x8DF0];
	v20 =	vperm.xlane v42, v20  }
0x1c9: {  	v4 =	vmul.f32 v4, v7;
	[tilespmem:s0+$0x14D00] =	vst v1;
	v1 =	vmul.f32 v53, v7;
	v7 =	vsub.f32 v31, v34;
	v24 =	vld [tilespmem:s0+$0xCDF0]  }
0x1ca: {  	v30 =	vld [tilespmem:s7+$0x8C50];
	[tilespmem:s0+$0x14D10] =	vst v6;
	v6 =	vmul.f32 v9, v21;
	v9 =	vmul.f32 v50, v21;
	v21 =	vsub.f32 v26, v8  }
0x1cb: {  	v57 =	vld [tilespmem:s7+$0xCC50];
	[tilespmem:s0+$0x14D20] =	vst v2;
	v1 =	vadd.f32 v1, v19;
	v2 =	vadd.f32 v4, v22;
	v4 =	vmul.f32 v55, v20  }
0x1cc: {  	v31 =	vld [tilespmem:s7+$0x8C60];
	[tilespmem:s0+$0x14D30] =	vst v0;
	v0 =	vadd.f32 v6, v45;
	v6 =	vadd.f32 v9, v47;
	v9 =	vmul.f32 v32, v20  }
0x1cd: {  	v20 =	vimm.s32 $0xF;
	v19 =	vld [tilespmem:s7+$0xCC60];
	[tilespmem:s0+$0x14D40] =	vst v3;
	v3 =	vadd.f32 v4, v40;
	v4 =	vimm.s32 $0xE  }
0x1ce: {  	v20 =	vperm.xlane v42, v20;
	v4 =	vperm.xlane v42, v4  }
0x1cf: {  	v40 =	vmov v46;
	v37 =	vld [tilespmem:s7+$0x8C70];
	[tilespmem:s0+$0x14D50] =	vst v5;
	v5 =	vadd.f32 v9, v52;
	v9 =	vsub.f32 v24, v23  }
0x1d0: {  	v22 =	vld [tilespmem:s7+$0xCC70];
	[tilespmem:s0+$0x14D60] =	vst v1;
	v1 =	vmul.f32 v10, v4;
	v4 =	vmul.f32 v7, v4  }
0x1d1: {  	v32 =	vld [tilespmem:s7+$0x8C80];
	[tilespmem:s0+$0x14D70] =	vst v2;
	v2 =	vmul.f32 v21, v20;
	v7 =	vmul.f32 v9, v20  }
0x1d2: {  	v9 =	vld [tilespmem:s7+$0xCC80];
	[tilespmem:s0+$0x14D80] =	vst v0;
	v0 =	vadd.f32 v1, v56;
	v1 =	vadd.f32 v4, v34  }
0x1d3: {  	v38 =	vld [tilespmem:s7+$0x8C90];
	[tilespmem:s0+$0x14D90] =	vst v6;
	v2 =	vadd.f32 v2, v8;
	v4 =	vadd.f32 v7, v23  }
0x1d4: {  	v6 =	vld [tilespmem:s7+$0xCC90];
	[tilespmem:s0+$0x14DA0] =	vst v3  }
0x1d5: {  	v35 =	vld [tilespmem:s7+$0x8CA0];
	[tilespmem:s0+$0x14DB0] =	vst v5  }
0x1d6: {  	v3 =	vld [tilespmem:s7+$0xCCA0];
	[tilespmem:s0+$0x14DC0] =	vst v0  }
0x1d7: {  	v36 =	vld [tilespmem:s7+$0x8CB0];
	[tilespmem:s0+$0x14DD0] =	vst v1  }
0x1d8: {  	v45 =	vld [tilespmem:s7+$0xCCB0];
	[tilespmem:s0+$0x14DE0] =	vst v2  }
0x1d9: {  	v34 =	vld [tilespmem:s7+$0x8CC0];
	[tilespmem:s0+$0x14DF0] =	vst v4;
	s0 =	smov.u32 s7  }
0x1da: {  	v48 =	vld [tilespmem:s0+$0xCCC0]  }
0x1db: {  	v33 =	vld [tilespmem:s0+$0x8CD0]  }
0x1dc: {  	v49 =	vld [tilespmem:s0+$0xCCD0]  }
0x1dd: {  	v27 =	vld [tilespmem:s0+$0x8CE0]  }
0x1de: {  	v51 =	vld [tilespmem:s0+$0xCCE0]  }
0x1df: {  	v29 =	vld [tilespmem:s0+$0x8CF0]  }
0x1e0: {  	v52 =	vld [tilespmem:s0+$0xCCF0]  }
0x1e1: {  	v28 =	vld [tilespmem:s0+$0x8D00]  }
0x1e2: {  	v53 =	vld [tilespmem:s0+$0xCD00]  }
0x1e3: {  	v26 =	vld [tilespmem:s0+$0x8D10]  }
0x1e4: {  	v47 =	vld [tilespmem:s0+$0xCD10]  }
0x1e5: {  	v23 =	vld [tilespmem:s0+$0x8D20]  }
0x1e6: {  	v50 =	vld [tilespmem:s0+$0xCD20]  }
0x1e7: {  	v21 =	vld [tilespmem:s0+$0x8D30]  }
0x1e8: {  	v46 =	vld [tilespmem:s0+$0xCD30]  }
0x1e9: {  	v20 =	vld [tilespmem:s0+$0x8D40]  }
0x1ea: {  	v62 =	vsub.f32 v39, v16;
	v39 =	vld [tilespmem:s0+$0xCD40]  }
.Ltmp5:
0x1eb: {  	v61 =	vsub.f32 v43, v17;
	v63 =	vsub.f32 v41, v40;
	v24 =	vld [tilespmem:s0+$0x8D50];
	(pc) =	sbr.rel @p0 .LBB2_13-.Ltmp5, $4  }
0x1ec: {  	v60 =	vsub.f32 v44, v18;
	v59 =	vsub.f32 v54, v25;
	v41 =	vld [tilespmem:s0+$0xCD50]  }
0x1ed: {  	v58 =	vsub.f32 v57, v30;
	v56 =	vsub.f32 v19, v31;
	v19 =	vld [tilespmem:s0+$0x8D60]  }
0x1ee: {  	v57 =	vsub.f32 v22, v37;
	v54 =	vsub.f32 v9, v32;
	v43 =	vld [tilespmem:s0+$0xCD60]  }
0x1ef: {  	s3 =	sadd.s32 $0x800, s3;
	s1 =	sadd.s32 $0x10, s1;
	v55 =	vsub.f32 v6, v38;
	v44 =	vsub.f32 v3, v35;
	v22 =	vld [tilespmem:s0+$0x8D70]  }
0x1f0: {  	v42 =	vld [tilespmem:s1+$0x0]  }
0x1f1: {  	v0 =	vld [tilespmem:s0+$0xCD70]  }
0x1f2: {  	v1 =	vld [tilespmem:s0+$0x8D80]  }
0x1f3: {  	v3 =	vld [tilespmem:s0+$0xCD80]  }
0x1f4: {  	v6 =	vld [tilespmem:s0+$0x8D90]  }
0x1f5: {  	v7 =	vld [tilespmem:s0+$0xCD90]  }
0x1f6: {  	v9 =	vld [tilespmem:s0+$0x8DA0]  }
0x1f7: {  	v10 =	vld [tilespmem:s0+$0xCDA0];
	_ =	sdelay $0x1  }
0x1f8: {  	v2 =	vperm.xlane v42, v11;
	v4 =	vperm.xlane v42, v12  }
0x1f9: {  	v0 =	vsub.f32 v0, v22;
	v3 =	vsub.f32 v3, v1  }
0x1fa: {  	v7 =	vsub.f32 v7, v6;
	v5 =	vmul.f32 v62, v2;
	v8 =	vmul.f32 v61, v4  }
0x1fb: {  	v10 =	vsub.f32 v10, v9;
	v4 =	vmul.f32 v60, v4;
	v62 =	vperm.xlane v42, v13  }
0x1fc: {  	v2 =	vmul.f32 v63, v2;
	v61 =	vsub.f32 v53, v28;
	v5 =	vadd.f32 v5, v16  }
0x1fd: {  	v63 =	vadd.f32 v4, v18;
	v18 =	vmul.f32 v59, v62;
	v16 =	vperm.xlane v42, v14  }
0x1fe: {  	v11 =	vimm.s32 $0x5;
	v2 =	vadd.f32 v2, v40;
	v8 =	vadd.f32 v8, v17  }
0x1ff: {  	[tilespmem:s0+$0x14C00] =	vst v5;
	v5 =	vmul.f32 v58, v62;
	v4 =	vadd.f32 v18, v25;
	v17 =	vmul.f32 v56, v16  }
0x200: {  	[tilespmem:s0+$0x14C20] =	vst v8;
	v8 =	vld [tilespmem:s0+$0x8DB0];
	v16 =	vmul.f32 v57, v16;
	v57 =	vsub.f32 v49, v33;
	v58 =	vsub.f32 v51, v27  }
0x201: {  	[tilespmem:s0+$0x14C10] =	vst v2;
	v2 =	vld [tilespmem:s0+$0xCDB0];
	v62 =	vsub.f32 v47, v26;
	v5 =	vadd.f32 v5, v30;
	v30 =	vperm.xlane v42, v15  }
0x202: {  	v53 =	vimm.s32 $0xD;
	[tilespmem:s0+$0x14C30] =	vst v63;
	v63 =	vsub.f32 v50, v23;
	v17 =	vadd.f32 v17, v31  }
0x203: {  	[tilespmem:s0+$0x14C40] =	vst v4;
	v16 =	vadd.f32 v16, v37;
	v40 =	vmul.f32 v54, v30;
	v54 =	vperm.xlane v42, v11  }
0x204: {  	v60 =	vld [tilespmem:s0+$0xCDD0];
	v4 =	vmul.f32 v55, v30;
	[tilespmem:s0+$0x14C60] =	vst v17;
	v17 =	vsub.f32 v45, v36;
	v11 =	vimm.s32 $0x6  }
0x205: {  	v31 =	vld [tilespmem:s0+$0x8DD0];
	[tilespmem:s0+$0x14C50] =	vst v5;
	v55 =	vsub.f32 v48, v34;
	v56 =	vperm.xlane v42, v11;
	v11 =	vimm.s32 $0x7  }
0x206: {  	[tilespmem:s0+$0x14C70] =	vst v16;
	v2 =	vsub.f32 v2, v8;
	v5 =	vadd.f32 v40, v32;
	v16 =	vmul.f32 v44, v54  }
0x207: {  	v4 =	vadd.f32 v4, v38;
	v17 =	vmul.f32 v17, v54;
	v59 =	vperm.xlane v42, v11  }
0x208: {  	v11 =	vimm.s32 $0x8;
	v40 =	vsub.f32 v46, v21;
	v44 =	vsub.f32 v39, v20  }
0x209: {  	[tilespmem:s0+$0x14C80] =	vst v5;
	v16 =	vadd.f32 v16, v35;
	v17 =	vadd.f32 v17, v36;
	v5 =	vmul.f32 v55, v56  }
0x20a: {  	[tilespmem:s0+$0x14C90] =	vst v4;
	v4 =	vmul.f32 v57, v56;
	v32 =	vmul.f32 v58, v59;
	v58 =	vsub.f32 v60, v31  }
0x20b: {  	v57 =	vimm.s32 $0xE;
	[tilespmem:s0+$0x14CA0] =	vst v16;
	v16 =	vsub.f32 v52, v29;
	v5 =	vadd.f32 v5, v34  }
0x20c: {  	[tilespmem:s0+$0x14CB0] =	vst v17;
	v17 =	vperm.xlane v42, v11;
	v4 =	vadd.f32 v4, v33;
	v36 =	vadd.f32 v32, v27  }
0x20d: {  	v11 =	vimm.s32 $0x9;
	v52 =	vimm.s32 $0xC;
	v16 =	vmul.f32 v16, v59  }
0x20e: {  	v37 =	vperm.xlane v42, v11;
	v11 =	vimm.s32 $0xA;
	[tilespmem:s0+$0x14CC0] =	vst v5;
	v34 =	vmul.f32 v61, v17  }
0x20f: {  	v5 =	vmul.f32 v62, v17;
	[tilespmem:s0+$0x14CD0] =	vst v4;
	v45 =	vperm.xlane v42, v11;
	v16 =	vadd.f32 v16, v29  }
0x210: {  	[tilespmem:s0+$0x14CE0] =	vst v36;
	v11 =	vimm.s32 $0xB;
	v33 =	vmul.f32 v63, v37;
	v17 =	vadd.f32 v34, v28  }
0x211: {  	v18 =	vld [tilespmem:s0+$0x8DC0];
	v4 =	vmul.f32 v40, v37;
	v49 =	vperm.xlane v42, v11;
	v5 =	vadd.f32 v5, v26;
	[tilespmem:s0+$0x14CF0] =	vst v16  }
0x212: {  	v30 =	vld [tilespmem:s0+$0xCDC0];
	v47 =	vmul.f32 v44, v45;
	v46 =	vadd.f32 v33, v23;
	v16 =	vsub.f32 v41, v24;
	[tilespmem:s0+$0x14D00] =	vst v17  }
0x213: {  	v51 =	vld [tilespmem:s0+$0xCDF0];
	v4 =	vadd.f32 v4, v21;
	v0 =	vmul.f32 v0, v49;
	v17 =	vsub.f32 v43, v19;
	[tilespmem:s0+$0x14D10] =	vst v5  }
0x214: {  	v48 =	vld [tilespmem:s0+$0x8DF0];
	v50 =	vadd.f32 v47, v20;
	v5 =	vperm.xlane v42, v52;
	[tilespmem:s0+$0x14D20] =	vst v46;
	v16 =	vmul.f32 v16, v45  }
0x215: {  	v25 =	vld [tilespmem:s0+$0x8DE0];
	v60 =	vimm.s32 $0xF;
	[tilespmem:s0+$0x14D30] =	vst v4;
	v0 =	vadd.f32 v0, v22;
	v17 =	vmul.f32 v17, v49  }
0x216: {  	v38 =	vld [tilespmem:s0+$0xCDE0];
	v4 =	vperm.xlane v42, v53;
	v3 =	vmul.f32 v3, v5;
	[tilespmem:s0+$0x14D40] =	vst v50;
	v16 =	vadd.f32 v16, v24  }
0x217: {  	v56 =	vsub.f32 v30, v18;
	v5 =	vmul.f32 v7, v5;
	[tilespmem:s0+$0x14D70] =	vst v0;
	v54 =	vadd.f32 v17, v19  }
0x218: {  	v7 =	vperm.xlane v42, v57;
	v55 =	vmul.f32 v10, v4;
	v1 =	vadd.f32 v3, v1;
	[tilespmem:s0+$0x14D50] =	vst v16  }
0x219: {  	v61 =	vsub.f32 v51, v48;
	v2 =	vmul.f32 v2, v4;
	v5 =	vadd.f32 v5, v6;
	[tilespmem:s0+$0x14D60] =	vst v54  }
0x21a: {  	v4 =	vperm.xlane v42, v60;
	v6 =	vmul.f32 v56, v7;
	v3 =	vadd.f32 v55, v9;
	[tilespmem:s0+$0x14D80] =	vst v1  }
0x21b: {  	v59 =	vsub.f32 v38, v25;
	v0 =	vmul.f32 v58, v7;
	v2 =	vadd.f32 v2, v8;
	[tilespmem:s0+$0x14D90] =	vst v5  }
0x21c: {  	v62 =	vmul.f32 v61, v4;
	v6 =	vadd.f32 v6, v18;
	[tilespmem:s0+$0x14DA0] =	vst v3  }
0x21d: {  	v1 =	vmul.f32 v59, v4;
	v0 =	vadd.f32 v0, v31;
	[tilespmem:s0+$0x14DB0] =	vst v2  }
0x21e: {  	s7 =	sshll.u32 s31, $0x5;
	v63 =	vadd.f32 v62, v48;
	[tilespmem:s0+$0x14DC0] =	vst v6  }
0x21f: {  	s30 =	sadd.s32 $0x1, s30;
	s1 =	sadd.s32 s9, s7;
	v1 =	vadd.f32 v1, v25;
	[tilespmem:s0+$0x14DD0] =	vst v0  }
0x220: {  	p0 =	sne.s32 s30, $0xD;
	s1 =	sshrl.u32 s1, $0x3;
	[tilespmem:s0+$0x14DF0] =	vst v63  }
.Ltmp6:
0x221: {  	s31 =	sadd.s32 s2, s1;
	[tilespmem:s0+$0x14DE0] =	vst v1;
	(pc) =	sbr.rel @p0 .LBB2_4-.Ltmp6, $4  }
0x222: {  	[hbm4b:s31+s24] =	stream.strided.scatter [tilespmem:s29], [sflag:$0x3], $0x4000, s25, s24, $0x38;
	[tilespmem:$0x18C00] =	vst v63  }
0x223: {  	_ =	swait.ge [sflag:s11], $0x4000  }
0x224: {  	v12 =	vimm.s32 $0x2;
	v13 =	vimm.s32 $0x3;
	[sflag:s11] =	ssyncset.done $0x0  }
0x225: {  	v14 =	vimm.s32 $0x4;
	v15 =	vimm.s32 $0x5;
	v11 =	vimm.s32 $0x1;
	[sflag:s11] =	ssyncadd.s32 $0xFFFFC000  }
0x226: {  	s1 =	rddreg [dreg:$0x6]  }
0x227: {  	s0 =	rddreg [dreg:$0x5];
	s1 =	sadd.s32 $0x1, s1  }
0x228: {  	p0 =	sne.s32 s1, s0  }
.Ltmp7:
0x229: {  	_ = 	snop;
	(pc) =	sbr.rel @p0 .LBB2_1-.Ltmp7, $1  }
0x22a: {  	_ =	sdelay $0x3  }
0x22b: {  	_ =	sfence.sel $0x180000  }
0x22c: {  	[bflag:$0x0] =	sbarrier.arrive $0xFFFF  }
0x22d: {  	_ =	strace $0x9000004A  }
0x22e: {  	s0 =	stileid.u32;
	[bflag:$0x2] =	sbarrier.arrive $0xFFFF  }
0x22f: {  	p0 =	sne.s32 s0, $0x0;
	s0 =	rddreg [dreg:$0x2]  }
0x230: {  	s0 =	sadd.s32 @!p0 $0x100000, s0  }
0x231: {  	[sflag:s0] =	ssyncadd.tile.s32 @!p0 $0x1;
	_ =	shalt  }
.Lfunc_end2:
_tile_overlayer_lowered:
.L_overlay_start_2:
0x232: {  	(tag) =	ssettag $0x2  }
0x233: {  	s0 =	rddreg [dreg:$0x0];
	s2 =	stileid.u32  }
0x234: {  	s1 =	rddreg [dreg:$0x1];
	p0 =	sne.s32 s2, $0x0  }
0x235: {  	s3 =	rddreg [dreg:$0x2];
	[bflag:$0x3] =	sbarrier.arrive $0xFFFF;
	s2 =	simm.s32 @!p0 $0x1C03  }
0x236: {  	[timem:s3], [sflag:s2] =	dma.local @!p0 [hbm:s0], s1  }
0x237: {  	s0 =	simm.s32 @!p0 $0x3  }
0x238: {  	_ =	swait.ge @!p0 [sflag:s0], s1  }
0x239: {  	s1 =	ssub.s32 @!p0 $0x0, s1;
	[sflag:s0] =	ssyncset.done @!p0 $0x0  }
0x23a: {  	[sflag:s0] =	ssyncadd.s32 @!p0 s1  }
0x23b: {  	[bflag:$0x3] =	sbarrier.arrive $0xFFFF  }
0x23c: {  	_ =	shalt  }

// kernel: sparse-core-data-format-call.1.cloned.1.call-start
scs
called_computation.1_lowered:
.L_overlay_start_0:
0x0: {  	s2 =	sld [smem:$0x3FD9]  }
0x1: {  	s3 =	sld [smem:$0x3FFE];
	_ =	sdelay $0x1  }
0x2: {  	s1 =	srdreg.scid  }
0x3: {  	s0 =	sand.u32 $0x1, s1  }
0x4: {  	s18 =	sshll.u32 s0, $0xA;
	s2 =	sadd.s32 s3, s2  }
0x5: {  	s2 =	sadd.s32 s2, s18  }
0x6: {  	[smem:$0x3FC6] =	sst s2  }
0x7: {  	_ = 	snop  }
0x8: {  	s2 =	sld [smem:$0x3FC8];
	(tm) =	ssettm $0x1  }
0x9: {  	s19 =	sld [smem:$0x3FFB];
	_ =	sdelay $0x3  }
0xa: {  	_ =	strace s19  }
0xb: {  	s3 =	sld [smem:$0x3FFC];
	_ =	sdelay $0x3  }
0xc: {  	_ =	strace s3  }
0xd: {  	s3 =	sld [smem:$0x3FFD];
	_ =	sdelay $0x3  }
0xe: {  	_ =	strace s3  }
0xf: {  	_ =	strace $0x8FFFFFFF  }
0x10: {  	s20 =	sld [smem:$0x3FDB];
	_ =	sdelay $0x1  }
0x11: {  	s4 =	simm.s32 $_scs_section_size  }
0x12: {  	s5 =	simm.s32 $_size__tile_overlayer_lowered;
	s6 =	simm.s32 $_tile_overlayer_lowered  }
0x13: {  	s23 =	simm.s32 $0x1BFF;
	s22 =	sshll.u32 s6, $0x1;
	s3 =	sadd.s32 s4, s20  }
0x14: {  	s7 =	simm.s32 $0x0;
	s21 =	sshll.u32 s5, $0x1;
	s5 =	sadd.s32 s22, s3  }
0x15: {  	[timem:s7], [sflag:s23] =	dma.local [hbm:s5], s21  }
0x16: {  	_ =	swait.ge [sflag:s23], s21  }
0x17: {  	s4 =	ssub.s32 $0x0, s21;
	[sflag:s23] =	ssyncset.done $0x0  }
0x18: {  	[sflag:s23] =	ssyncadd.s32 s4;
	_ =	sdelay $0x1  }
0x19: {  	s24 =	simm.s32 $0x1B8B  }
0x1a: {  	_ =	swait.ge [sflag:s24], $0x1  }
0x1b: {  	[sflag:s24] =	ssyncset.done $0x0  }
0x1c: {  	s26 =	simm.s32 $0x1B8E;
	s25 =	sld [smem:$0x3FFE];
	[sflag:s24] =	ssyncadd.s32 $0xFFFFFFFF  }
0x1d: {  	s27 =	simm.s32 $execute0_lowered;
	[smem:$0x3FD2] =	sst s26  }
0x1e: {  	s5 =	sshll.u32 s27, $0x1;
	_ =	strace $0x80000046;
	[dreg:$0x1] =	wrdreg $0xFFFFFFFF  }
0x1f: {  	s28 =	simm.s32 $_size_execute0_lowered;
	s3 =	sadd.s32 s3, s5;
	[dreg:$0x0] =	wrdreg $0x0  }
0x20: {  	s5 =	sshll.u32 s28, $0x1;
	[dreg:$0x2] =	wrdreg s3  }
0x21: {  	[dreg:$0x3] =	wrdreg s5  }
0x22: {  	[dreg:$0x4] =	wrdreg $0xC0  }
0x23: {  	_ =	task [dreg:s7], $0x5FFFF  }
0x24: {  	[dreg:$0x1] =	wrdreg $0xFFFFFFFF  }
0x25: {  	[dreg:$0x0] =	wrdreg $0x60  }
0x26: {  	[dreg:$0x2] =	wrdreg s2  }
0x27: {  	[dreg:$0x3] =	wrdreg s25  }
0x28: {  	[dreg:$0x4] =	wrdreg $0x9  }
0x29: {  	_ =	task.clear_ibuf [dreg:s7], $0x5FFFF;
	_ =	strace $0x90000046  }
0x2a: {  	s29 =	simm.s32 $0x9;
	_ =	strace $0x80000048  }
0x2b: {  	_ =	swait.ge [sflag:s29], $0x1  }
0x2c: {  	[sflag:s29] =	ssyncadd.s32 $0xFFFFFFFF  }
0x2d: {  	_ =	strace $0x90000048  }
0x2e: {  	_ =	sfence  }
0x2f: {  	s30 =	sld [smem:$0x0];
	_ =	sdelay $0x2  }
0x30: {  	s31 =	sshll.u32 s1, $0xD;
	s1 =	sshrl.u32 s1, $0x2  }
0x31: {  	s3 =	sand.u32 $0x4000, s31;
	s1 =	sadd.s32 s1, s30  }
0x32: {  	s0 =	sor.u32 s3, s0;
	s1 =	sshll.u32 s1, $0x11  }
0x33: {  	s0 =	sor.u32 s1, s0  }
0x34: {  	s0 =	sadd.s32 $0x8F2B, s0  }
0x35: {  	[sflag:s0] =	ssyncadd.remote.s32 $0x1  }
0x36: {  	_ =	sfence.sel $0xFFFF  }
0x37: {  	[dreg:$0x0] =	wrdreg $0xFFFFFFFF;
	(pc) =	sbr.abs _section_cstart, $3  }
0x38: {  	[dreg:$0x1] =	wrdreg $0xFFFFFFFF  }
0x39: {  	_ =	task.clear_ibuf [dreg:s7], $0x2FFFF;
	_ =	strace $0x9FFFFFFF  }
0x3a: {  	(tm) =	ssettm $0x7FFFFFFF  }
0x3b: {  	_ =	shalt  }
tec
execute0_lowered:
.L_overlay_start_1:
0x0: {  	(tag) =	ssettag $0x1  }
0x1: {  	s0 =	srdreg.scid;
	s2 =	rddreg [dreg:$0x0]  }
0x2: {  	s5 =	rddreg [dreg:$0x1];
	s1 =	stileid.u32  }
0x3: {  	s4 =	simm.s32 $0x1;
	s6 =	simm.s32 $0x2;
	s15 =	simm.s32 $0x0  }
0x4: {  	p0 =	por $0x0, $0x0;
	s8 =	simm.s32 $0x80;
	s0 =	sshll.u32 s0, $0x4  }
0x5: {  	s14 =	simm.s32 $0x0;
	s9 =	simm.s32 $0x0;
	s3 =	sand.u32 $0x10, s0  }
.Ltmp0:
0x6: {  	s10 =	simm.s32 $0x0;
	s3 =	sor.u32 s1, s3;
	(pc) =	sbr.rel .LBB1_1-.Ltmp0, $4  }
0x7: {  	s0 =	rddreg [dreg:$0x2];
	_ =	strace $0x80000047;
	s3 =	sshll.u32 s3, $0x7  }
0x8: {  	s12 =	simm.s32 $0x0;
	[sflag:s4] =	ssyncpa.u1 $0x0;
	s7 =	ssub.s32 $0xF4200, s3  }
0x9: {  	s13 =	simm.s32 $0x0;
	[sflag:s6] =	ssyncpa.u1 $0x0;
	s6 =	sshrl.u32 s7, $0xC  }
0xa: {  	s5 =	sadd.s32 $0xE00, s5;
	s11 =	smov.u32 s3;
	s7 =	sadd.s32 $0x2, s6  }
.LBB1_5:
0xb: {  	p1 =	slt.u32 s13, $0x2  }
0xc: {  	s17 =	smov.u32 s15;
	p2 =	sgt.s32 @!p1 s15, $0xF41C0;
	s16 =	sshra.s32 @!p1 s15, $0x1F  }
0xd: {  	p3 =	sgt.s32 @!p1 s14, $0x60;
	s18 =	sshra.s32 @!p1 s14, $0x1F;
	p2 =	por !p2, p1  }
0xe: {  	s15 =	sand.u32 @!p1 s16, s15;
	p3 =	por !p3, p1;
	s16 =	smov.u32 s14  }
0xf: {  	s14 =	sand.u32 @!p1 s18, s14;
	s17 =	simm.s32 @p2 $0xF41C0;
	s16 =	simm.s32 @p3 $0x60  }
0x10: {  	s15 =	ssub.s32 @!p1 s17, s15;
	s14 =	ssub.s32 @!p1 s16, s14  }
0x11: {  	s18 =	smov.u32 s12;
	s16 =	sadd.s32 @!p1 $0xFFF0BE40, s15;
	s17 =	sadd.s32 @!p1 $0xFFFFFFA0, s14  }
0x12: {  	s15 =	ssub.s32 @!p1 $0xF4240, s15;
	p2 =	sgt.s32 @!p1 s16, $0x7F;
	p3 =	sgt.s32 @!p1 s17, $0x1F  }
0x13: {  	s14 =	ssub.s32 @!p1 $0x80, s14;
	p2 =	por !p2, p1;
	p3 =	por !p3, p1  }
0x14: {  	s16 =	sadd.s32 $0x1000, s11;
	s15 =	simm.s32 @!p2 $0x0;
	s14 =	simm.s32 @!p3 $0x0  }
0x15: {  	p2 =	sgt.s32 s16, $0xF423F;
	s14 =	smul.u32 @!p1 s14, s15;
	s15 =	sadd.s32 $0x20, s12  }
0x16: {  	s18 =	smov.u32 @p2 s15  }
0x17: {  	s16 =	smov.u32 @p2 s3;
	p2 =	sgt.s32 s18, $0x1F  }
0x18: {  	s18 =	simm.s32 @p2 $0x0;
	p2 =	sne.s32 s13, s7  }
.Ltmp1:
0x19: {  	p0 =	por !p0, !p0;
	s17 =	simm.s32 @!p1 $0x2;
	(pc) =	sbr.rel @!p2 .LBB1_6-.Ltmp1, $4  }
0x1a: {  	s15 =	smov.u32 s9;
	s9 =	smov.u32 s11;
	s14 =	sand.u32 @!p1 $0x3FFFFFFF, s14  }
0x1b: {  	s11 =	smov.u32 s16;
	_ =	swait.ge @!p1 [sflag:s17], s14;
	s19 =	ssub.s32 @!p1 $0x0, s14  }
0x1c: {  	s14 =	smov.u32 s10;
	s13 =	sadd.s32 $0x1, s13;
	[sflag:s17] =	ssyncset.done @!p1 $0x0  }
0x1d: {  	s10 =	smov.u32 s12;
	s12 =	smov.u32 s18;
	[sflag:s17] =	ssyncadd.s32 @!p1 s19  }
.LBB1_1:
0x1e: {  	p1 =	sgt.u32 s13, s6  }
0x1f: {  	s16 =	sshrl.u32 @!p1 s12, $0x3  }
0x20: {  	s17 =	sshll.u32 @!p1 s11, $0x3;
	s16 =	smul.u32 @!p1 $0x7A1400, s16  }
0x21: {  	s18 =	sshll.u32 @!p1 s12, $0x7;
	s17 =	sand.u32 @!p1 $0xFFFFFC00, s17  }
0x22: {  	s16 =	sadd.s32 @!p1 s16, s17;
	s17 =	sand.u32 @!p1 $0x380, s18  }
0x23: {  	s18 =	sand.u32 @!p1 $0x7F, s11;
	s16 =	sor.u32 @!p1 s17, s16  }
0x24: {  	s17 =	sor.u32 @!p1 s18, s16  }
0x25: {  	s18 =	smulhi.u32 @!p1 $0x218D6287, s17;
	_ =	sdelay $0x1  }
0x26: {  	s16 =	smulhi.u32 @!p1 $0x218D6287, s16;
	s18 =	sshrl.u32 @!p1 s18, $0x11  }
0x27: {  	s18 =	smul.u32 @!p1 $0xF4280, s18  }
0x28: {  	s19 =	sxor.u32 @!p1 $0xFFFFFFFF, s13;
	s16 =	sshrl.u32 @!p1 s16, $0x11  }
0x29: {  	s19 =	sshll.u32 @!p1 s19, $0xC;
	s16 =	sand.u32 @!p1 $0x1F, s16;
	s17 =	ssub.s32 @!p1 s17, s18  }
0x2a: {  	s16 =	smul.u32 @!p1 $0x1E850, s16;
	s18 =	sshrl.u32 @!p1 s17, $0x3;
	s17 =	sand.u32 @!p1 $0x7, s17  }
0x2b: {  	s19 =	sand.u32 @!p1 $0x1000, s19;
	s18 =	sadd.s32 @!p1 s2, s18;
	s17 =	sshll.u32 @!p1 s17, $0x12  }
0x2c: {  	s16 =	sadd.s32 @!p1 s16, s18;
	s17 =	sor.u32 @!p1 $0x400, s17;
	s18 =	simm.s32 @!p1 $0x7A1400  }
0x2d: {  	[tilespmem:s19], [sflag:$0x1] =	stream.strided.gather @!p1 [hbm4b:s16+s17], $0x1000, s18, s17, $0x38;
	[tilespmem:$0x4100] =	vst v63  }
0x2e: {  	p1 =	seq.s32 s13, $0x0  }
0x2f: {  	p2 =	sge.u32 @!p1 s13, s7  }
0x30: {  	p1 =	por p1, p2  }
.Ltmp2:
0x31: {  	_ = 	snop;
	(pc) =	sbr.rel @p1 .LBB1_5-.Ltmp2, $1  }
0x32: {  	_ =	sdelay $0x3  }
0x33: {  	s16 =	simm.s32 $0x1  }
0x34: {  	_ =	swait.ge [sflag:s4], $0x1000;
	s16 =	simm.s32 @!p0 $0x0  }
0x35: {  	[sflag:s4] =	ssyncset.done $0x0;
	s17 =	sshll.u32 s16, $0xC  }
0x36: {  	[sflag:s4] =	ssyncadd.s32 $0xFFFFF000;
	s17 =	sor.u32 $0x40, s17  }
0x37: {  	s16 =	smul.u32 $0x4200, s16;
	v0 =	vld [tilespmem:s17+$0x30]  }
0x38: {  	v1 =	vld [tilespmem:s17+$0xFFFFFFD0]  }
0x39: {  	s16 =	sshrl.u32 s16, $0x2;
	v5 =	vld [tilespmem:s17+$0xFFFFFFE0]  }
0x3a: {  	v6 =	vld [tilespmem:s17+$0xFFFFFFF0];
	s19 =	sor.u32 $0x2000, s16  }
0x3b: {  	s31 =	sand.u32 $0x1, s13;
	v4 =	vld [tilespmem:s17+$0x0];
	s18 =	sadd.s32 $0x0, s19  }
0x3c: {  	v3 =	vld [tilespmem:s17+$0x10];
	s16 =	smul.u32 $0x4200, s31;
	[tilespmem:s18+$0xE70 ss:$0x21] =	vst.msk $0xffff, v0  }
0x3d: {  	v2 =	vld [tilespmem:s17+$0x20];
	[tilespmem:s18+$0x210 ss:$0x21] =	vst.msk $0xffff, v1  }
0x3e: {  	s16 =	sshrl.u32 s16, $0x2;
	v1 =	vld [tilespmem:s17+$0xFFFFFFC0];
	[tilespmem:s18+$0x420 ss:$0x21] =	vst.msk $0xffff, v5;
	s17 =	sadd.s32 $0x80, s17  }
0x3f: {  	s20 =	simm.s32 $0x4;
	s21 =	simm.s32 $0x8;
	s16 =	sor.u32 $0x2000, s16;
	[tilespmem:s18+$0x630 ss:$0x21] =	vst.msk $0xffff, v6;
	v0 =	vld [tilespmem:s17+$0x30]  }
.LBB1_3:
0x40: {  	p1 =	sne.s32 s21, $0x7C;
	v5 =	vld [tilespmem:s17+$0xFFFFFFD0];
	[tilespmem:s18+$0x840 ss:$0x21] =	vst.msk $0xffff, v4  }
0x41: {  	v6 =	vld [tilespmem:s17+$0xFFFFFFE0];
	[tilespmem:s18+$0xA50 ss:$0x21] =	vst.msk $0xffff, v3  }
0x42: {  	s22 =	sshra.s32 s20, $0x2;
	s20 =	smov.u32 s21;
	v7 =	vld [tilespmem:s17+$0xFFFFFFF0];
	[tilespmem:s18+$0xC60 ss:$0x21] =	vst.msk $0xffff, v2  }
.Ltmp3:
0x43: {  	v4 =	vld [tilespmem:s17+$0x0];
	[tilespmem:s18+$0x0 ss:$0x21] =	vst.msk $0xffff, v1;
	s18 =	sadd.s32 s22, s19;
	(pc) =	sbr.rel @p1 .LBB1_3-.Ltmp3, $4  }
0x44: {  	v3 =	vld [tilespmem:s17+$0x10];
	[tilespmem:s18+$0xE70 ss:$0x21] =	vst.msk $0xffff, v0  }
0x45: {  	[tilespmem:s18+$0x210 ss:$0x21] =	vst.msk $0xffff, v5;
	v2 =	vld [tilespmem:s17+$0x20]  }
0x46: {  	v1 =	vld [tilespmem:s17+$0xFFFFFFC0];
	[tilespmem:s18+$0x420 ss:$0x21] =	vst.msk $0xffff, v6;
	s17 =	sadd.s32 $0x80, s17  }
0x47: {  	s21 =	sadd.s32 $0x4, s21;
	v0 =	vld [tilespmem:s17+$0x30];
	[tilespmem:s18+$0x630 ss:$0x21] =	vst.msk $0xffff, v7  }
0x48: {  	s21 =	sshll.u32 s9, $0x7;
	s22 =	sshll.u32 s10, $0x3;
	s20 =	sshra.s32 s20, $0x2  }
0x49: {  	p1 =	sgt.s32 s9, $0xF41C0;
	s30 =	sshra.s32 s9, $0x1F;
	s25 =	sshra.s32 s10, $0x1F  }
0x4a: {  	v5 =	vld [tilespmem:s17+$0xFFFFFFD0];
	s28 =	sshrl.u32 s10, $0x3;
	s23 =	sand.u32 $0xFFFFFC00, s21;
	s22 =	sand.u32 $0xFFFFFC00, s22  }
0x4b: {  	[tilespmem:s18+$0x840 ss:$0x21] =	vst.msk $0xffff, v4;
	v58 =	vld [tilespmem:s17+$0xFFFFFFE0];
	s21 =	sand.u32 $0x380, s21;
	s19 =	sadd.s32 s20, s19;
	s22 =	sadd.s32 s22, s23  }
0x4c: {  	v59 =	vld [tilespmem:s17+$0xFFFFFFF0];
	[tilespmem:s18+$0xA50 ss:$0x21] =	vst.msk $0xffff, v3;
	s29 =	sor.u32 s21, s22;
	s21 =	smov.u32 s9;
	s22 =	sand.u32 s30, s9  }
0x4d: {  	v60 =	vld [tilespmem:s17+$0x0];
	[tilespmem:s18+$0xC60 ss:$0x21] =	vst.msk $0xffff, v2;
	s30 =	sand.u32 $0x7, s10;
	s20 =	sshrl.u32 s29, $0x7;
	s21 =	simm.s32 @!p1 $0xF41C0  }
0x4e: {  	v61 =	vld [tilespmem:s17+$0x10];
	[tilespmem:s18+$0x0 ss:$0x21] =	vst.msk $0xffff, v1;
	p1 =	sgt.s32 s10, $0x60;
	s24 =	ssub.s32 s21, s22;
	s21 =	smov.u32 s10  }
0x4f: {  	v62 =	vld [tilespmem:s17+$0x20];
	[tilespmem:s19+$0xE70 ss:$0x21] =	vst.msk $0xffff, v0;
	s31 =	smulhi.u32 $0x218DEF5, s20;
	s22 =	sand.u32 s25, s10;
	s21 =	simm.s32 @!p1 $0x60  }
0x50: {  	v63 =	vld [tilespmem:s17+$0xFFFFFFC0];
	[tilespmem:s19+$0x210 ss:$0x21] =	vst.msk $0xffff, v5;
	s26 =	sadd.s32 $0xFFF0BE40, s24;
	s17 =	ssub.s32 $0xF4240, s24;
	s21 =	ssub.s32 s21, s22  }
0x51: {  	[tilespmem:s19+$0x420 ss:$0x21] =	vst.msk $0xffff, v58;
	s23 =	sshrl.u32 s31, $0xD;
	p1 =	sgt.s32 s26, $0x7F;
	s27 =	sadd.s32 $0xFFFFFFA0, s21  }
0x52: {  	[tilespmem:s19+$0x630 ss:$0x21] =	vst.msk $0xffff, v59;
	s23 =	smul.u32 $0xF4240, s23;
	s18 =	ssub.s32 $0x80, s21;
	p2 =	sgt.s32 s27, $0x1F  }
.Ltmp4:
0x53: {  	[tilespmem:s19+$0x840 ss:$0x21] =	vst.msk $0xffff, v60;
	s17 =	simm.s32 @p1 $0x0;
	s18 =	simm.s32 @p2 $0x0;
	(pc) =	sbr.rel .LBB1_5-.Ltmp4, $4  }
0x54: {  	s29 =	sand.u32 $0xF, s28;
	[tilespmem:s19+$0xA50 ss:$0x21] =	vst.msk $0xffff, v61;
	s20 =	ssub.s32 s20, s23;
	s17 =	smul.u32 s18, s17  }
0x55: {  	[tilespmem:s19+$0xC60 ss:$0x21] =	vst.msk $0xffff, v62;
	s21 =	sshll.u32 s30, $0x12;
	s20 =	sshll.u32 s20, $0x4;
	s18 =	sadd.s32 s5, s29  }
0x56: {  	[tilespmem:s19+$0x0 ss:$0x21] =	vst.msk $0xffff, v63;
	s31 =	sor.u32 $0x20, s21;
	s18 =	sadd.s32 s20, s18;
	s17 =	sand.u32 $0x3FFFFFFF, s17  }
0x57: {  	[hbm4b:s18+s31] =	stream.strided.scatter [tilespmem:s16], [sflag:$0x2], s17, s8, s31, $0x10;
	[tilespmem:$0x4100] =	vst v63  }
.LBB1_6:
0x58: {  	_ =	sfence.sel $0x180000  }
0x59: {  	s2 =	simm.s32 $0x1;
	[bflag:$0x0] =	sbarrier.arrive $0xFFFF  }
0x5a: {  	s31 =	simm.s32 $0x2;
	[sflag:s2] =	ssyncpa.u1 $0x1  }
0x5b: {  	[sflag:s31] =	ssyncpa.u1 $0x1  }
0x5c: {  	p0 =	sne.s32 s1, $0x0;
	_ =	strace $0x90000047  }
0x5d: {  	s0 =	sadd.s32 @!p0 $0x100000, s0;
	[bflag:$0x2] =	sbarrier.arrive $0xFFFF  }
0x5e: {  	[sflag:s0] =	ssyncadd.tile.s32 @!p0 $0x1;
	_ =	shalt  }
.Lfunc_end1:
_tile_overlayer_lowered:
.L_overlay_start_2:
0x5f: {  	(tag) =	ssettag $0x2  }
0x60: {  	s0 =	rddreg [dreg:$0x0];
	s2 =	stileid.u32  }
0x61: {  	s1 =	rddreg [dreg:$0x1];
	p0 =	sne.s32 s2, $0x0  }
0x62: {  	s3 =	rddreg [dreg:$0x2];
	[bflag:$0x3] =	sbarrier.arrive $0xFFFF;
	s2 =	simm.s32 @!p0 $0x1C01  }
0x63: {  	[timem:s3], [sflag:s2] =	dma.local @!p0 [hbm:s0], s1  }
0x64: {  	s0 =	simm.s32 @!p0 $0x1  }
0x65: {  	_ =	swait.ge @!p0 [sflag:s0], s1  }
0x66: {  	s1 =	ssub.s32 @!p0 $0x0, s1;
	[sflag:s0] =	ssyncset.done @!p0 $0x0  }
0x67: {  	[sflag:s0] =	ssyncadd.s32 @!p0 s1  }
0x68: {  	[bflag:$0x3] =	sbarrier.arrive $0xFFFF  }
0x69: {  	_ =	shalt  }

// kernel: sparse-core-data-format-call.cloned.1.call-start
scs
called_computation_lowered:
.L_overlay_start_0:
0x0: {  	s2 =	sld [smem:$0x3FD9]  }
0x1: {  	s3 =	sld [smem:$0x3FFE];
	_ =	sdelay $0x1  }
0x2: {  	s1 =	srdreg.scid  }
0x3: {  	s0 =	sand.u32 $0x1, s1  }
0x4: {  	s18 =	sshll.u32 s0, $0xA;
	s2 =	sadd.s32 s3, s2  }
0x5: {  	s2 =	sadd.s32 s2, s18  }
0x6: {  	[smem:$0x3FC6] =	sst s2  }
0x7: {  	_ = 	snop  }
0x8: {  	s2 =	sld [smem:$0x3FD0];
	(tm) =	ssettm $0x1  }
0x9: {  	s19 =	sld [smem:$0x3FFB];
	_ =	sdelay $0x3  }
0xa: {  	_ =	strace s19  }
0xb: {  	s3 =	sld [smem:$0x3FFC];
	_ =	sdelay $0x3  }
0xc: {  	_ =	strace s3  }
0xd: {  	s3 =	sld [smem:$0x3FFD];
	_ =	sdelay $0x3  }
0xe: {  	_ =	strace s3  }
0xf: {  	_ =	strace $0x8FFFFFFF  }
0x10: {  	s20 =	sld [smem:$0x3FDB];
	_ =	sdelay $0x1  }
0x11: {  	s4 =	simm.s32 $_scs_section_size  }
0x12: {  	s5 =	simm.s32 $_size__tile_overlayer_lowered;
	s6 =	simm.s32 $_tile_overlayer_lowered  }
0x13: {  	s23 =	simm.s32 $0x1BFF;
	s22 =	sshll.u32 s6, $0x1;
	s3 =	sadd.s32 s4, s20  }
0x14: {  	s7 =	simm.s32 $0x0;
	s21 =	sshll.u32 s5, $0x1;
	s5 =	sadd.s32 s22, s3  }
0x15: {  	[timem:s7], [sflag:s23] =	dma.local [hbm:s5], s21  }
0x16: {  	_ =	swait.ge [sflag:s23], s21  }
0x17: {  	s4 =	ssub.s32 $0x0, s21;
	[sflag:s23] =	ssyncset.done $0x0  }
0x18: {  	[sflag:s23] =	ssyncadd.s32 s4;
	_ =	sdelay $0x1  }
0x19: {  	s24 =	simm.s32 $0x1B8B  }
0x1a: {  	_ =	swait.ge [sflag:s24], $0x1  }
0x1b: {  	[sflag:s24] =	ssyncset.done $0x0  }
0x1c: {  	s26 =	simm.s32 $0x1B8E;
	s25 =	sld [smem:$0x3FFE];
	[sflag:s24] =	ssyncadd.s32 $0xFFFFFFFF  }
0x1d: {  	s27 =	simm.s32 $execute0_lowered;
	[smem:$0x3FD2] =	sst s26  }
0x1e: {  	s5 =	sshll.u32 s27, $0x1;
	_ =	strace $0x8000004C;
	[dreg:$0x1] =	wrdreg $0xFFFFFFFF  }
0x1f: {  	s28 =	simm.s32 $_size_execute0_lowered;
	s3 =	sadd.s32 s3, s5;
	[dreg:$0x0] =	wrdreg $0x0  }
0x20: {  	s5 =	sshll.u32 s28, $0x1;
	[dreg:$0x2] =	wrdreg s3  }
0x21: {  	[dreg:$0x3] =	wrdreg s5  }
0x22: {  	[dreg:$0x4] =	wrdreg $0xC0  }
0x23: {  	_ =	task [dreg:s7], $0x5FFFF  }
0x24: {  	[dreg:$0x1] =	wrdreg $0xFFFFFFFF  }
0x25: {  	[dreg:$0x0] =	wrdreg $0x60  }
0x26: {  	[dreg:$0x2] =	wrdreg s25  }
0x27: {  	[dreg:$0x3] =	wrdreg s2  }
0x28: {  	[dreg:$0x4] =	wrdreg $0x9  }
0x29: {  	_ =	task.clear_ibuf [dreg:s7], $0x5FFFF;
	_ =	strace $0x9000004C  }
0x2a: {  	s29 =	simm.s32 $0x9;
	_ =	strace $0x8000004E  }
0x2b: {  	_ =	swait.ge [sflag:s29], $0x1  }
0x2c: {  	[sflag:s29] =	ssyncadd.s32 $0xFFFFFFFF  }
0x2d: {  	_ =	strace $0x9000004E  }
0x2e: {  	_ =	sfence  }
0x2f: {  	s30 =	sld [smem:$0x0];
	_ =	sdelay $0x2  }
0x30: {  	s31 =	sshll.u32 s1, $0xD;
	s1 =	sshrl.u32 s1, $0x2  }
0x31: {  	s3 =	sand.u32 $0x4000, s31;
	s1 =	sadd.s32 s1, s30  }
0x32: {  	s0 =	sor.u32 s3, s0;
	s1 =	sshll.u32 s1, $0x11  }
0x33: {  	s0 =	sor.u32 s1, s0  }
0x34: {  	s0 =	sadd.s32 $0x8F2B, s0  }
0x35: {  	[sflag:s0] =	ssyncadd.remote.s32 $0x1  }
0x36: {  	_ =	sfence.sel $0xFFFF  }
0x37: {  	[dreg:$0x0] =	wrdreg $0xFFFFFFFF;
	(pc) =	sbr.abs _section_cstart, $3  }
0x38: {  	[dreg:$0x1] =	wrdreg $0xFFFFFFFF  }
0x39: {  	_ =	task.clear_ibuf [dreg:s7], $0x2FFFF;
	_ =	strace $0x9FFFFFFF  }
0x3a: {  	(tm) =	ssettm $0x7FFFFFFF  }
0x3b: {  	_ =	shalt  }
tec
execute0_lowered:
.L_overlay_start_1:
0x0: {  	(tag) =	ssettag $0x1  }
0x1: {  	s0 =	srdreg.scid  }
0x2: {  	s1 =	sshll.u32 s0, $0x4  }
0x3: {  	s0 =	stileid.u32;
	s1 =	sand.u32 $0x10, s1  }
0x4: {  	s1 =	sor.u32 s0, s1  }
0x5: {  	s6 =	rddreg [dreg:$0x0];
	s4 =	simm.s32 $0x1;
	s2 =	sshll.u32 s1, $0x7  }
0x6: {  	s7 =	simm.s32 $0x2;
	s12 =	simm.s32 $0x0;
	s1 =	ssub.s32 $0x4000, s2  }
0x7: {  	s8 =	simm.s32 $0x20000;
	s13 =	simm.s32 $0x0;
	s3 =	sand.u32 $0xF80, s1  }
0x8: {  	s9 =	simm.s32 $0x0;
	s5 =	sshrl.u32 s1, $0xC;
	p0 =	sne.s32 s3, $0x0  }
.Ltmp0:
0x9: {  	s1 =	rddreg [dreg:$0x2];
	s4 =	simm.s32 @!p0 $0x0;
	(pc) =	sbr.rel .LBB1_1-.Ltmp0, $4  }
0xa: {  	s11 =	simm.s32 $0x0;
	s3 =	rddreg [dreg:$0x1];
	s5 =	sadd.s32 s4, s5  }
0xb: {  	_ =	strace $0x8000004D;
	s4 =	simm.s32 $0x1;
	s5 =	smul.u32 $0x1A, s5  }
0xc: {  	s6 =	sadd.s32 $0xE00, s6;
	s10 =	smov.u32 s2;
	[sflag:s4] =	ssyncpa.u1 $0x0  }
0xd: {  	p0 =	por $0x0, $0x0;
	[sflag:s7] =	ssyncpa.u1 $0x0;
	s7 =	sor.u32 $0x1, s5  }
.LBB1_4:
0xe: {  	s16 =	sshll.u32 s13, $0x3;
	s17 =	sand.u32 $0x78, s13  }
0xf: {  	s30 =	sand.u32 $0xF800, s13;
	s12 =	sshll.u32 s12, $0x10;
	s16 =	sand.u32 $0x3C00, s16  }
0x10: {  	s31 =	sand.u32 $0x7, s13;
	s16 =	sor.u32 s17, s16;
	s17 =	sadd.s32 s3, s30  }
0x11: {  	s13 =	sshll.u32 s31, $0x12;
	s16 =	sshrl.u32 s16, $0x3;
	s12 =	sadd.s32 s12, s17  }
0x12: {  	[tilespmem:s15+$0x0 ss:$0x81] =	vst.msk $0xffff, v0;
	s13 =	sor.u32 $0x400, s13;
	s12 =	sadd.s32 s16, s12  }
0x13: {  	[hbm4b:s12+s13] =	stream.strided.scatter [tilespmem:s14], [sflag:$0x2], $0x1000, s8, s13, $0x20;
	[tilespmem:$0x4040] =	vst v63  }
.LBB1_5:
0x14: {  	s14 =	sadd.s32 $0x1, s9  }
0x15: {  	s12 =	sadd.s32 $0x1000, s10;
	s16 =	smov.u32 s10;
	p2 =	sgt.s32 s14, $0x19  }
0x16: {  	s16 =	smov.u32 @p2 s12  }
0x17: {  	s14 =	simm.s32 @p2 $0x0;
	p2 =	sgt.s32 s16, $0x3FFF  }
0x18: {  	s16 =	smov.u32 @p2 s2;
	p2 =	sne.s32 s11, s7  }
.Ltmp1:
0x19: {  	p1 =	slt.u32 s11, $0x2;
	(pc) =	sbr.rel @!p2 .LBB1_6-.Ltmp1, $4  }
0x1a: {  	s15 =	simm.s32 @!p1 $0x2  }
0x1b: {  	s13 =	smov.u32 s10;
	p0 =	por !p0, !p0;
	_ =	swait.ge @!p1 [sflag:s15], $0x1000  }
0x1c: {  	s12 =	smov.u32 s9;
	[sflag:s15] =	ssyncset.done @!p1 $0x0;
	s9 =	smov.u32 s14  }
0x1d: {  	s11 =	sadd.s32 $0x1, s11;
	[sflag:s15] =	ssyncadd.s32 @!p1 $0xFFFFF000;
	s10 =	smov.u32 s16  }
.LBB1_1:
0x1e: {  	p1 =	sge.u32 s11, s5  }
0x1f: {  	s31 =	sadd.s32 $0xFFFFFFFF, s11;
	s14 =	sxor.u32 @!p1 $0xFFFFFFFF, s11  }
0x20: {  	s15 =	sshll.u32 @!p1 s10, $0x9;
	s16 =	sshll.u32 @!p1 s9, $0x4;
	s17 =	simm.s32 @!p1 $0x1000  }
0x21: {  	s14 =	sshll.u32 @!p1 s14, $0xC;
	s16 =	sand.u32 @!p1 $0x1F0, s16;
	s15 =	sadd.s32 @!p1 s6, s15  }
0x22: {  	s14 =	sand.u32 @!p1 $0x1000, s14;
	s15 =	sadd.s32 @!p1 s16, s15;
	s16 =	simm.s32 @!p1 $0x20  }
0x23: {  	[tilespmem:s14], [sflag:$0x1] =	stream.strided.gather @!p1 [hbm4b:s15+s16], $0x1000, s17, s16, $0x38;
	[tilespmem:$0x4040] =	vst v63  }
0x24: {  	p1 =	sge.u32 s31, s5  }
.Ltmp2:
0x25: {  	_ = 	snop;
	(pc) =	sbr.rel @p1 .LBB1_5-.Ltmp2, $1  }
0x26: {  	_ =	sdelay $0x3  }
0x27: {  	s14 =	simm.s32 $0x1  }
0x28: {  	_ =	swait.ge [sflag:s4], $0x1000;
	s14 =	simm.s32 @!p0 $0x0  }
0x29: {  	[sflag:s4] =	ssyncset.done $0x0;
	s15 =	sshll.u32 s14, $0xC  }
0x2a: {  	[sflag:s4] =	ssyncadd.s32 $0xFFFFF000;
	s18 =	sor.u32 $0x10, s15  }
0x2b: {  	s14 =	smul.u32 $0x4080, s14;
	v1 =	vld [tilespmem:s18+$0x0]  }
0x2c: {  	s30 =	sand.u32 $0x1, s11;
	v0 =	vld [tilespmem:s18+$0xFFFFFFF0]  }
0x2d: {  	s15 =	smul.u32 $0x4080, s30;
	s14 =	sshrl.u32 s14, $0x2  }
0x2e: {  	s16 =	sor.u32 $0x2000, s14  }
0x2f: {  	s31 =	sshrl.u32 s15, $0x2;
	s15 =	sadd.s32 $0x0, s16  }
0x30: {  	s17 =	simm.s32 $0x4;
	s18 =	sadd.s32 $0x20, s18;
	s14 =	sor.u32 $0x2000, s31;
	[tilespmem:s15+$0x810 ss:$0x81] =	vst.msk $0xffff, v1  }
.LBB1_3:
0x31: {  	v1 =	vld [tilespmem:s18+$0x0];
	p1 =	sne.s32 s17, $0x1FC;
	[tilespmem:s15+$0x0 ss:$0x81] =	vst.msk $0xffff, v0;
	s15 =	smov.u32 s17;
	s17 =	sadd.s32 $0x4, s17  }
.Ltmp3:
0x32: {  	v0 =	vld [tilespmem:s18+$0xFFFFFFF0];
	(pc) =	sbr.rel @p1 .LBB1_3-.Ltmp3, $4  }
0x33: {  	_ = 	snop  }
0x34: {  	s15 =	sshra.s32 s15, $0x2  }
0x35: {  	s15 =	sadd.s32 s15, s16  }
0x36: {  	s18 =	sadd.s32 $0x20, s18;
	[tilespmem:s15+$0x810 ss:$0x81] =	vst.msk $0xffff, v1  }
.Ltmp4:
0x37: {  	_ = 	snop;
	(pc) =	sbr.rel .LBB1_4-.Ltmp4, $1  }
0x38: {  	_ =	sdelay $0x3  }
.LBB1_6:
0x39: {  	_ =	sfence.sel $0x180000  }
0x3a: {  	s2 =	simm.s32 $0x1;
	[bflag:$0x0] =	sbarrier.arrive $0xFFFF  }
0x3b: {  	s31 =	simm.s32 $0x2;
	[sflag:s2] =	ssyncpa.u1 $0x1  }
0x3c: {  	[sflag:s31] =	ssyncpa.u1 $0x1  }
0x3d: {  	p0 =	sne.s32 s0, $0x0;
	_ =	strace $0x9000004D  }
0x3e: {  	s0 =	sadd.s32 @!p0 $0x100000, s1;
	[bflag:$0x2] =	sbarrier.arrive $0xFFFF  }
0x3f: {  	[sflag:s0] =	ssyncadd.tile.s32 @!p0 $0x1;
	_ =	shalt  }
.Lfunc_end1:
_tile_overlayer_lowered:
.L_overlay_start_2:
0x40: {  	(tag) =	ssettag $0x2  }
0x41: {  	s0 =	rddreg [dreg:$0x0];
	s2 =	stileid.u32  }
0x42: {  	s1 =	rddreg [dreg:$0x1];
	p0 =	sne.s32 s2, $0x0  }
0x43: {  	s3 =	rddreg [dreg:$0x2];
	[bflag:$0x3] =	sbarrier.arrive $0xFFFF;
	s2 =	simm.s32 @!p0 $0x1C01  }
0x44: {  	[timem:s3], [sflag:s2] =	dma.local @!p0 [hbm:s0], s1  }
0x45: {  	s0 =	simm.s32 @!p0 $0x1  }
0x46: {  	_ =	swait.ge @!p0 [sflag:s0], s1  }
0x47: {  	s1 =	ssub.s32 @!p0 $0x0, s1;
	[sflag:s0] =	ssyncset.done @!p0 $0x0  }
0x48: {  	[sflag:s0] =	ssyncadd.s32 @!p0 s1  }
0x49: {  	[bflag:$0x3] =	sbarrier.arrive $0xFFFF  }
0x4a: {  	_ =	shalt  }

</sc_bundles>
